<compile_context>
chip_gen: v7x
topology: tpu7x:2x2x1
jax: 0.10.2.dev20260603
libtpu: 0.0.44.dev20260713+nightly
codegen_flags: <defaults>
</compile_context>

<pallas_src>
import functools

import jax
import jax.numpy as jnp
from jax import lax
from jax.experimental import pallas as pl
from jax.experimental.pallas import tpu as pltpu
from jax.experimental.pallas import tpu_sc as plsc

_N = 10000
_E = 320000
_NC = 2
_NS = 16
_B = 128
_NP = 10112
_RPS = _NP // _NS
_EP = 327680
_EBLK = _EP // _B
_DH = 64
_K = 5



def _make_deg_kernel():
    mesh = plsc.VectorSubcoreMesh(core_axis_name="c", subcore_axis_name="s")
    nblk = _EBLK // (_NC * _NS)

    @functools.partial(
        pl.kernel,
        out_type=jax.ShapeDtypeStruct((_NC * _NP, 16), jnp.float32),
        mesh=mesh,
        scratch_types=[
            pltpu.VMEM((nblk, _B), jnp.int32),
            pltpu.VMEM((_B, 16), jnp.float32),
            pltpu.VMEM_SHARED((_NP, 16), jnp.float32),
        ],
        compiler_params=pltpu.CompilerParams(use_tc_tiling_on_sc=False),
    )
    def deg_kernel(dst_hbm, ones_hbm, zeros_hbm, out_hbm, dstv, onesv, acc):
        c = lax.axis_index("c")
        s = lax.axis_index("s")
        w = c * _NS + s
        pltpu.sync_copy(dst_hbm.at[pl.ds(w * nblk, nblk)], dstv)
        pltpu.sync_copy(ones_hbm, onesv)
        pltpu.sync_copy(zeros_hbm.at[pl.ds(s * _RPS, _RPS)],
                        acc.at[pl.ds(s * _RPS, _RPS)])
        plsc.subcore_barrier()

        @pl.loop(0, nblk)
        def _(j):
            pltpu.sync_copy(onesv, acc.at[dstv.at[j]], add=True)

        plsc.subcore_barrier()
        pltpu.sync_copy(acc.at[pl.ds(s * _RPS, _RPS)],
                        out_hbm.at[pl.ds(c * _NP + s * _RPS, _RPS)])

    return deg_kernel


def _make_agg_kernel():
    mesh = plsc.VectorSubcoreMesh(core_axis_name="c", subcore_axis_name="s")
    nblk = _EBLK // _NS

    @functools.partial(
        pl.kernel,
        out_type=jax.ShapeDtypeStruct((_NC * _NP, _DH), jnp.float32),
        mesh=mesh,
        scratch_types=[
            pltpu.VMEM((nblk, _B), jnp.int32),
            pltpu.VMEM((nblk, _B), jnp.int32),
            pltpu.VMEM((_K, _B, _DH), jnp.float32),
            pltpu.SemaphoreType.DMA((_K,)),
            pltpu.SemaphoreType.DMA((_K,)),
            pltpu.VMEM_SHARED((_NP, _DH), jnp.float32),
        ],
        compiler_params=pltpu.CompilerParams(use_tc_tiling_on_sc=False),
    )
    def agg_kernel(v_hbm, src_hbm, dst_hbm, out_hbm, srcv, dstv, rows,
                   gsem, ssem, acc):
        c = lax.axis_index("c")
        s = lax.axis_index("s")
        cp_src = pltpu.async_copy(
            src_hbm.at[pl.ds(c * _EBLK + s * nblk, nblk)], srcv, gsem.at[0])
        cp_dst = pltpu.async_copy(
            dst_hbm.at[pl.ds(s * nblk, nblk)], dstv, gsem.at[1])
        cp_ini = pltpu.async_copy(
            v_hbm.at[pl.ds(c * _NP + s * _RPS, _RPS)],
            acc.at[pl.ds(s * _RPS, _RPS)], ssem.at[0])
        cp_src.wait()
        cp_dst.wait()
        cp_ini.wait()
        plsc.subcore_barrier()

        for b in range(_K):
            pltpu.async_copy(v_hbm.at[srcv.at[b]], rows.at[b], gsem.at[b])

        @pl.loop(0, nblk, step=_K)
        def _(j):
            for b in range(_K):
                pltpu.make_async_copy(v_hbm.at[srcv.at[0]], rows.at[b],
                                      gsem.at[b]).wait()
                pltpu.async_copy(rows.at[b], acc.at[dstv.at[j + b]],
                                 ssem.at[b], add=True)
            for b in range(_K):
                pltpu.make_async_copy(rows.at[b], acc.at[dstv.at[0]],
                                      ssem.at[b]).wait()

                @pl.when(j + _K < nblk)
                def _():
                    pltpu.async_copy(v_hbm.at[srcv.at[j + _K + b]],
                                     rows.at[b], gsem.at[b])

        plsc.subcore_barrier()
        pltpu.sync_copy(acc.at[pl.ds(s * _RPS, _RPS)],
                        out_hbm.at[pl.ds(c * _NP + s * _RPS, _RPS)])

    return agg_kernel


_deg = _make_deg_kernel()
_agg = _make_agg_kernel()



def _scale0_body(x_ref, cnt_ref, xs_ref, d_ref):
    c0 = cnt_ref[0:_N, 0:1]
    c1 = cnt_ref[_NP:_NP + _N, 0:1]
    d = lax.rsqrt(1.0 + c0 + c1)
    d_ref[...] = d
    xs = x_ref[...] * d
    xs_ref[0:_N, :] = xs[:, 0:64]
    xs_ref[_NP:_NP + _N, :] = xs[:, 64:128]


def _scale0(x, cnt):
    return pl.pallas_call(
        _scale0_body,
        out_shape=(jax.ShapeDtypeStruct((2 * _NP, _DH), jnp.float32),
                   jax.ShapeDtypeStruct((_N, 1), jnp.float32)),
    )(x, cnt)


def _mid_body(a_ref, d_ref, b1_ref, w1_ref, w2_ref, o_ref):
    d = d_ref[...]
    aggx = jnp.concatenate([a_ref[0:_N, :], a_ref[_NP:_NP + _N, :]], axis=1)
    h1 = jnp.maximum(
        jnp.dot(aggx * d, w1_ref[...], preferred_element_type=jnp.float32)
        + b1_ref[...], 0.0)
    g = jnp.dot(h1, w2_ref[...], preferred_element_type=jnp.float32) * d
    o_ref[0:_N, :] = g[:, 0:64]
    o_ref[_NP:_NP + _N, :] = g[:, 64:128]


def _mid(a1, d, b1, w1, w2):
    return pl.pallas_call(
        _mid_body,
        out_shape=jax.ShapeDtypeStruct((2 * _NP, _DH), jnp.float32),
    )(a1, d, b1, w1, w2)


def _fin_body(a_ref, d_ref, b2_ref, o_ref):
    d = d_ref[...]
    lo = a_ref[0:_N, :]
    hi = a_ref[_NP:_NP + _N, :]
    o_ref[...] = jnp.concatenate([lo, hi], axis=1) * d + b2_ref[...]


def _fin(acc2, d, b2):
    return pl.pallas_call(
        _fin_body,
        out_shape=jax.ShapeDtypeStruct((_N, 128), jnp.float32),
    )(acc2, d, b2)



def kernel(x, edge_index, W1, b1, W2, b2):
    src = edge_index[0]
    dst = edge_index[1]
    npad = _EP - _E
    srcp = jnp.concatenate([src, jnp.zeros((npad,), jnp.int32)])
    dstp = jnp.concatenate([dst, jnp.full((npad,), _N, jnp.int32)])
    dst2 = dstp.reshape(_EBLK, _B)
    src2 = jnp.concatenate([srcp, srcp + _NP]).reshape(2 * _EBLK, _B)
    ones16 = jnp.ones((_B, 16), jnp.float32)
    zeros16 = jnp.zeros((_NP, 16), jnp.float32)

    cnt = _deg(dst2, ones16, zeros16)
    xs, d = _scale0(x, cnt)
    a1 = _agg(xs, src2, dst2)
    g = _mid(a1, d, b1.reshape(1, -1), W1, W2)
    a2 = _agg(g, src2, dst2)
    return _fin(a2, d, b2.reshape(1, -1))

# --- scband reference (transcript-rebuilt; emitter-appended) ---
"""Pipeline reference for scband-gcnencoder-48009144435526 (READ-ONLY COPY).

The authoritative reference and input builder live on the scoring server;
editing this copy changes nothing except your own understanding.
"""

import jax, jax.numpy as jnp
import numpy as np

N = 10000
E = 320000
D_IN = 128
D_OUT = 128


def gcn_conv(x, edge_index, W, b):
    # Faithful translation of torch_geometric GCNConv (add_self_loops=True,
    # normalize=True, symmetric normalization, bias=True).
    n = x.shape[0]
    loop = jnp.arange(n, dtype=edge_index.dtype)
    src = jnp.concatenate([edge_index[0], loop])
    dst = jnp.concatenate([edge_index[1], loop])
    # degree computed on destination (col) with unit edge weights
    deg = jnp.zeros((n,), dtype=x.dtype).at[dst].add(1.0)
    deg_inv_sqrt = jnp.where(deg > 0, deg ** -0.5, 0.0)
    norm = deg_inv_sqrt[src] * deg_inv_sqrt[dst]
    h = x @ W  # linear transform (no bias inside lin)
    msg = h[src] * norm[:, None]  # gather + scale
    out = jnp.zeros((n, W.shape[1]), dtype=x.dtype).at[dst].add(msg)  # scatter-add
    return out + b


def setup_inputs(seed: int = 0) -> dict:
    key = jax.random.key(seed)
    k1, k2, k3, k4 = jax.random.split(key, 4)
    x = jax.random.normal(k1, (N, D_IN), dtype=jnp.float32)
    # int32 used on CPU jax (x64 disabled by default); values in [0, N)
    edge_index = jax.random.randint(k2, (2, E), 0, N, dtype=jnp.int32)
    # GCNEncoder params: conv1: in_channels -> 2*out_channels, conv2: 2*out_channels -> out_channels
    W1 = jax.random.normal(k3, (D_IN, 2 * D_OUT), dtype=jnp.float32) * 0.05
    b1 = jnp.zeros((2 * D_OUT,), dtype=jnp.float32)
    W2 = jax.random.normal(k4, (2 * D_OUT, D_OUT), dtype=jnp.float32) * 0.05
    b2 = jnp.zeros((D_OUT,), dtype=jnp.float32)
    return {"x": x, "edge_index": edge_index, "W1": W1, "b1": b1, "W2": W2, "b2": b2}


def reference(x, edge_index, W1, b1, W2, b2):
    h = jax.nn.relu(gcn_conv(x, edge_index, W1, b1))
    return gcn_conv(h, edge_index, W2, b2)

if __name__ == "__main__":
    import jax
    _d = setup_inputs()
    print(jax.jit(kernel)(*tuple(_d.values())))

</pallas_src>

<mosaic_0001>
#map = affine_map<(d0, d1) -> (0, 0)>
module attributes {stable_mosaic.version = 14 : i64} {
  func.func @deg_kernel(%arg0: i32, %arg1: i32, %arg2: memref<2560x128xi32, #tpu.memory_space<hbm>>, %arg3: memref<128x16xf32, #tpu.memory_space<hbm>>, %arg4: memref<10112x16xf32, #tpu.memory_space<hbm>>, %arg5: memref<20224x16xf32, #tpu.memory_space<hbm>>, %arg6: memref<80x128xi32, #tpu.memory_space<vmem>>, %arg7: memref<128x16xf32, #tpu.memory_space<vmem>>, %arg8: memref<10112x16xf32, #tpu.memory_space<vmem_shared>>) attributes {dimension_semantics = [#tpu.dimension_semantics<core_parallel>, #tpu.dimension_semantics<subcore_parallel>], iteration_bounds = array<i64: 2, 16>, scalar_prefetch = 0 : i64, scratch_operands = 3 : i64, tpu.core_type = #tpu.core_type<sc_vector_subcore>, window_params = [{transform_indices = #map}, {transform_indices = #map}, {transform_indices = #map}, {transform_indices = #map}]} {
    %mul3A = arith.constant 16 : i32
    %mul3A_0 = arith.muli %arg0, %mul3A : i32
    %add3A = arith.addi %mul3A_0, %arg1 : i32
    %mul3A_1 = arith.constant 80 : i32
    %mul3A_2 = arith.muli %add3A, %mul3A_1 : i32
    "tpu.region"() ({
      %run_scoped3A = tpu.sem_alloc : memref<!tpu.dma_semaphore, #tpu.memory_space<semaphore_mem>>
      %dma_start3A = arith.constant 0 : i32
      %dma_start3A_19 = tpu.memref_slice %arg2[%mul3A_2, %dma_start3A] : memref<2560x128xi32, #tpu.memory_space<hbm>> -> memref<80x128xi32, #tpu.memory_space<hbm>>
      %dma_start3A_20 = arith.constant 0 : i32
      %dma_start3A_21 = tpu.memref_slice %arg2[%mul3A_2, %dma_start3A_20] : memref<2560x128xi32, #tpu.memory_space<hbm>> -> memref<80x128xi32, #tpu.memory_space<hbm>>
      tpu.enqueue_dma source(%dma_start3A_21 : memref<80x128xi32, #tpu.memory_space<hbm>>) target(%arg6 : memref<80x128xi32, #tpu.memory_space<vmem>>) target_semaphore(%run_scoped3A : memref<!tpu.dma_semaphore, #tpu.memory_space<semaphore_mem>>)
      %dma_wait3A = arith.constant 0 : i32
      %dma_wait3A_22 = tpu.memref_slice %arg2[%mul3A_2, %dma_wait3A] : memref<2560x128xi32, #tpu.memory_space<hbm>> -> memref<80x128xi32, #tpu.memory_space<hbm>>
      %dma_wait3A_23 = arith.constant 0 : i32
      %dma_wait3A_24 = tpu.memref_slice %arg2[%mul3A_2, %dma_wait3A_23] : memref<2560x128xi32, #tpu.memory_space<hbm>> -> memref<80x128xi32, #tpu.memory_space<hbm>>
      tpu.wait_dma2 semaphore(%run_scoped3A : memref<!tpu.dma_semaphore, #tpu.memory_space<semaphore_mem>>) src(%dma_wait3A_24 : memref<80x128xi32, #tpu.memory_space<hbm>>) dst(%arg6 : memref<80x128xi32, #tpu.memory_space<vmem>>)
      tpu.yield
    }) : () -> ()
    "tpu.region"() ({
      %run_scoped3A = tpu.sem_alloc : memref<!tpu.dma_semaphore, #tpu.memory_space<semaphore_mem>>
      tpu.enqueue_dma source(%arg3 : memref<128x16xf32, #tpu.memory_space<hbm>>) target(%arg7 : memref<128x16xf32, #tpu.memory_space<vmem>>) target_semaphore(%run_scoped3A : memref<!tpu.dma_semaphore, #tpu.memory_space<semaphore_mem>>)
      tpu.wait_dma2 semaphore(%run_scoped3A : memref<!tpu.dma_semaphore, #tpu.memory_space<semaphore_mem>>) src(%arg3 : memref<128x16xf32, #tpu.memory_space<hbm>>) dst(%arg7 : memref<128x16xf32, #tpu.memory_space<vmem>>)
      tpu.yield
    }) : () -> ()
    %mul3A_3 = arith.constant 632 : i32
    %mul3A_4 = arith.muli %arg1, %mul3A_3 : i32
    %mul3A_5 = arith.constant 632 : i32
    %mul3A_6 = arith.muli %arg1, %mul3A_5 : i32
    "tpu.region"() ({
      %run_scoped3A = tpu.sem_alloc : memref<!tpu.dma_semaphore, #tpu.memory_space<semaphore_mem>>
      %dma_start3A = arith.constant 0 : i32
      %dma_start3A_19 = tpu.memref_slice %arg8[%mul3A_6, %dma_start3A] : memref<10112x16xf32, #tpu.memory_space<vmem_shared>> -> memref<632x16xf32, #tpu.memory_space<vmem_shared>>
      %dma_start3A_20 = arith.constant 0 : i32
      %dma_start3A_21 = tpu.memref_slice %arg4[%mul3A_4, %dma_start3A_20] : memref<10112x16xf32, #tpu.memory_space<hbm>> -> memref<632x16xf32, #tpu.memory_space<hbm>>
      tpu.enqueue_dma source(%dma_start3A_21 : memref<632x16xf32, #tpu.memory_space<hbm>>) target(%dma_start3A_19 : memref<632x16xf32, #tpu.memory_space<vmem_shared>>) target_semaphore(%run_scoped3A : memref<!tpu.dma_semaphore, #tpu.memory_space<semaphore_mem>>)
      %dma_wait3A = arith.constant 0 : i32
      %dma_wait3A_22 = tpu.memref_slice %arg8[%mul3A_6, %dma_wait3A] : memref<10112x16xf32, #tpu.memory_space<vmem_shared>> -> memref<632x16xf32, #tpu.memory_space<vmem_shared>>
      %dma_wait3A_23 = arith.constant 0 : i32
      %dma_wait3A_24 = tpu.memref_slice %arg4[%mul3A_4, %dma_wait3A_23] : memref<10112x16xf32, #tpu.memory_space<hbm>> -> memref<632x16xf32, #tpu.memory_space<hbm>>
      tpu.wait_dma2 semaphore(%run_scoped3A : memref<!tpu.dma_semaphore, #tpu.memory_space<semaphore_mem>>) src(%dma_wait3A_24 : memref<632x16xf32, #tpu.memory_space<hbm>>) dst(%dma_wait3A_22 : memref<632x16xf32, #tpu.memory_space<vmem_shared>>)
      tpu.yield
    }) : () -> ()
    %barrier3A = arith.constant 0 : index
    tpu.barrier barrier_id(%barrier3A)
    %scan3A = arith.constant 0 : i32
    %scan3A_7 = arith.constant 80 : i32
    %scan3A_8 = arith.addi %scan3A, %scan3A_7 : i32
    %scan3A_9 = arith.constant 1 : i32
    scf.for %scan3A_19 = %scan3A to %scan3A_8 step %scan3A_9  : i32 {
      %mul3A_20 = arith.constant 1 : i32
      %mul3A_21 = arith.muli %scan3A_19, %mul3A_20 : i32
      %add3A_22 = arith.constant 0 : i32
      %add3A_23 = arith.addi %add3A_22, %mul3A_21 : i32
      "tpu.region"() ({
        %run_scoped3A = tpu.sem_alloc : memref<!tpu.dma_semaphore, #tpu.memory_space<semaphore_mem>>
        %dma_start3A = arith.constant 0 : i32
        %dma_start3A_24 = tpu.memref_slice %arg6[%add3A_23, %dma_start3A] : memref<80x128xi32, #tpu.memory_space<vmem>> -> memref<1x128xi32, #tpu.memory_space<vmem>>
        %dma_start3A_25 = tpu.memref_squeeze %dma_start3A_24 : memref<1x128xi32, #tpu.memory_space<vmem>> -> memref<128xi32, #tpu.memory_space<vmem>>
        %dma_start3A_26 = arith.constant 0 : i32
        %dma_start3A_27 = arith.constant 0 : i32
        %dma_start3A_28 = tpu.memref_slice %arg8[%dma_start3A_26, %dma_start3A_27] : memref<10112x16xf32, #tpu.memory_space<vmem_shared>> -> memref<10112x16xf32, #tpu.memory_space<vmem_shared>>
        tpu.enqueue_indirect_dma source(%arg7 : memref<128x16xf32, #tpu.memory_space<vmem>>) target(%dma_start3A_28 : memref<10112x16xf32, #tpu.memory_space<vmem_shared>>) offsets(%dma_start3A_25 : memref<128xi32, #tpu.memory_space<vmem>>) semaphore(%run_scoped3A : memref<!tpu.dma_semaphore, #tpu.memory_space<semaphore_mem>>) {add = true}
        %dma_wait3A = arith.constant 0 : i32
        %dma_wait3A_29 = tpu.memref_slice %arg6[%add3A_23, %dma_wait3A] : memref<80x128xi32, #tpu.memory_space<vmem>> -> memref<1x128xi32, #tpu.memory_space<vmem>>
        %dma_wait3A_30 = tpu.memref_squeeze %dma_wait3A_29 : memref<1x128xi32, #tpu.memory_space<vmem>> -> memref<128xi32, #tpu.memory_space<vmem>>
        %dma_wait3A_31 = arith.constant 0 : i32
        %dma_wait3A_32 = arith.constant 0 : i32
        %dma_wait3A_33 = tpu.memref_slice %arg8[%dma_wait3A_31, %dma_wait3A_32] : memref<10112x16xf32, #tpu.memory_space<vmem_shared>> -> memref<10112x16xf32, #tpu.memory_space<vmem_shared>>
        tpu.wait_indirect_dma semaphore(%run_scoped3A : memref<!tpu.dma_semaphore, #tpu.memory_space<semaphore_mem>>) src(%arg7 : memref<128x16xf32, #tpu.memory_space<vmem>>) dst(%dma_wait3A_33 : memref<10112x16xf32, #tpu.memory_space<vmem_shared>>)
        tpu.yield
      }) : () -> ()
    }
    %scan3A_10 = arith.constant 80 : i32
    %barrier3A_11 = arith.constant 0 : index
    tpu.barrier barrier_id(%barrier3A_11)
    %mul3A_12 = arith.constant 632 : i32
    %mul3A_13 = arith.muli %arg1, %mul3A_12 : i32
    %mul3A_14 = arith.constant 10112 : i32
    %mul3A_15 = arith.muli %arg0, %mul3A_14 : i32
    %mul3A_16 = arith.constant 632 : i32
    %mul3A_17 = arith.muli %arg1, %mul3A_16 : i32
    %add3A_18 = arith.addi %mul3A_15, %mul3A_17 : i32
    "tpu.region"() ({
      %run_scoped3A = tpu.sem_alloc : memref<!tpu.dma_semaphore, #tpu.memory_space<semaphore_mem>>
      %dma_start3A = arith.constant 0 : i32
      %dma_start3A_19 = tpu.memref_slice %arg5[%add3A_18, %dma_start3A] : memref<20224x16xf32, #tpu.memory_space<hbm>> -> memref<632x16xf32, #tpu.memory_space<hbm>>
      %dma_start3A_20 = arith.constant 0 : i32
      %dma_start3A_21 = tpu.memref_slice %arg8[%mul3A_13, %dma_start3A_20] : memref<10112x16xf32, #tpu.memory_space<vmem_shared>> -> memref<632x16xf32, #tpu.memory_space<vmem_shared>>
      tpu.enqueue_dma source(%dma_start3A_21 : memref<632x16xf32, #tpu.memory_space<vmem_shared>>) target(%dma_start3A_19 : memref<632x16xf32, #tpu.memory_space<hbm>>) target_semaphore(%run_scoped3A : memref<!tpu.dma_semaphore, #tpu.memory_space<semaphore_mem>>)
      %dma_wait3A = arith.constant 0 : i32
      %dma_wait3A_22 = tpu.memref_slice %arg5[%add3A_18, %dma_wait3A] : memref<20224x16xf32, #tpu.memory_space<hbm>> -> memref<632x16xf32, #tpu.memory_space<hbm>>
      %dma_wait3A_23 = arith.constant 0 : i32
      %dma_wait3A_24 = tpu.memref_slice %arg8[%mul3A_13, %dma_wait3A_23] : memref<10112x16xf32, #tpu.memory_space<vmem_shared>> -> memref<632x16xf32, #tpu.memory_space<vmem_shared>>
      tpu.wait_dma2 semaphore(%run_scoped3A : memref<!tpu.dma_semaphore, #tpu.memory_space<semaphore_mem>>) src(%dma_wait3A_24 : memref<632x16xf32, #tpu.memory_space<vmem_shared>>) dst(%dma_wait3A_22 : memref<632x16xf32, #tpu.memory_space<hbm>>)
      tpu.yield
    }) : () -> ()
    return
  }
}

#map = affine_map<(d0, d1) -> (0, 0)>
module attributes {stable_mosaic.version = 14 : i64} {
  func.func @agg_kernel(%arg0: i32, %arg1: i32, %arg2: memref<20224x64xf32, #tpu.memory_space<hbm>>, %arg3: memref<5120x128xi32, #tpu.memory_space<hbm>>, %arg4: memref<2560x128xi32, #tpu.memory_space<hbm>>, %arg5: memref<20224x64xf32, #tpu.memory_space<hbm>>, %arg6: memref<160x128xi32, #tpu.memory_space<vmem>>, %arg7: memref<160x128xi32, #tpu.memory_space<vmem>>, %arg8: memref<5x128x64xf32, #tpu.memory_space<vmem>>, %arg9: memref<5x!tpu.dma_semaphore, #tpu.memory_space<semaphore_mem>>, %arg10: memref<5x!tpu.dma_semaphore, #tpu.memory_space<semaphore_mem>>, %arg11: memref<10112x64xf32, #tpu.memory_space<vmem_shared>>) attributes {dimension_semantics = [#tpu.dimension_semantics<core_parallel>, #tpu.dimension_semantics<subcore_parallel>], iteration_bounds = array<i64: 2, 16>, scalar_prefetch = 0 : i64, scratch_operands = 6 : i64, tpu.core_type = #tpu.core_type<sc_vector_subcore>, window_params = [{transform_indices = #map}, {transform_indices = #map}, {transform_indices = #map}, {transform_indices = #map}]} {
    %mul3A = arith.constant 2560 : i32
    %mul3A_0 = arith.muli %arg0, %mul3A : i32
    %mul3A_1 = arith.constant 160 : i32
    %mul3A_2 = arith.muli %arg1, %mul3A_1 : i32
    %add3A = arith.addi %mul3A_0, %mul3A_2 : i32
    %dma_start3A = arith.constant 0 : i32
    %dma_start3A_3 = arith.constant 0 : i32
    %dma_start3A_4 = tpu.memref_slice %arg3[%add3A, %dma_start3A_3] : memref<5120x128xi32, #tpu.memory_space<hbm>> -> memref<160x128xi32, #tpu.memory_space<hbm>>
    %dma_start3A_5 = tpu.memref_slice %arg9[%dma_start3A] : memref<5x!tpu.dma_semaphore, #tpu.memory_space<semaphore_mem>> -> memref<1x!tpu.dma_semaphore, #tpu.memory_space<semaphore_mem>>
    %dma_start3A_6 = tpu.memref_squeeze %dma_start3A_5 : memref<1x!tpu.dma_semaphore, #tpu.memory_space<semaphore_mem>> -> memref<!tpu.dma_semaphore, #tpu.memory_space<semaphore_mem>>
    %dma_start3A_7 = arith.constant 0 : i32
    %dma_start3A_8 = tpu.memref_slice %arg3[%add3A, %dma_start3A_7] : memref<5120x128xi32, #tpu.memory_space<hbm>> -> memref<160x128xi32, #tpu.memory_space<hbm>>
    tpu.enqueue_dma source(%dma_start3A_8 : memref<160x128xi32, #tpu.memory_space<hbm>>) target(%arg6 : memref<160x128xi32, #tpu.memory_space<vmem>>) target_semaphore(%dma_start3A_6 : memref<!tpu.dma_semaphore, #tpu.memory_space<semaphore_mem>>)
    %mul3A_9 = arith.constant 160 : i32
    %mul3A_10 = arith.muli %arg1, %mul3A_9 : i32
    %dma_start3A_11 = arith.constant 1 : i32
    %dma_start3A_12 = arith.constant 0 : i32
    %dma_start3A_13 = tpu.memref_slice %arg4[%mul3A_10, %dma_start3A_12] : memref<2560x128xi32, #tpu.memory_space<hbm>> -> memref<160x128xi32, #tpu.memory_space<hbm>>
    %dma_start3A_14 = tpu.memref_slice %arg9[%dma_start3A_11] : memref<5x!tpu.dma_semaphore, #tpu.memory_space<semaphore_mem>> -> memref<1x!tpu.dma_semaphore, #tpu.memory_space<semaphore_mem>>
    %dma_start3A_15 = tpu.memref_squeeze %dma_start3A_14 : memref<1x!tpu.dma_semaphore, #tpu.memory_space<semaphore_mem>> -> memref<!tpu.dma_semaphore, #tpu.memory_space<semaphore_mem>>
    %dma_start3A_16 = arith.constant 0 : i32
    %dma_start3A_17 = tpu.memref_slice %arg4[%mul3A_10, %dma_start3A_16] : memref<2560x128xi32, #tpu.memory_space<hbm>> -> memref<160x128xi32, #tpu.memory_space<hbm>>
    tpu.enqueue_dma source(%dma_start3A_17 : memref<160x128xi32, #tpu.memory_space<hbm>>) target(%arg7 : memref<160x128xi32, #tpu.memory_space<vmem>>) target_semaphore(%dma_start3A_15 : memref<!tpu.dma_semaphore, #tpu.memory_space<semaphore_mem>>)
    %mul3A_18 = arith.constant 10112 : i32
    %mul3A_19 = arith.muli %arg0, %mul3A_18 : i32
    %mul3A_20 = arith.constant 632 : i32
    %mul3A_21 = arith.muli %arg1, %mul3A_20 : i32
    %add3A_22 = arith.addi %mul3A_19, %mul3A_21 : i32
    %mul3A_23 = arith.constant 632 : i32
    %mul3A_24 = arith.muli %arg1, %mul3A_23 : i32
    %dma_start3A_25 = arith.constant 0 : i32
    %dma_start3A_26 = tpu.memref_slice %arg10[%dma_start3A_25] : memref<5x!tpu.dma_semaphore, #tpu.memory_space<semaphore_mem>> -> memref<1x!tpu.dma_semaphore, #tpu.memory_space<semaphore_mem>>
    %dma_start3A_27 = tpu.memref_squeeze %dma_start3A_26 : memref<1x!tpu.dma_semaphore, #tpu.memory_space<semaphore_mem>> -> memref<!tpu.dma_semaphore, #tpu.memory_space<semaphore_mem>>
    %dma_start3A_28 = arith.constant 0 : i32
    %dma_start3A_29 = tpu.memref_slice %arg11[%mul3A_24, %dma_start3A_28] : memref<10112x64xf32, #tpu.memory_space<vmem_shared>> -> memref<632x64xf32, #tpu.memory_space<vmem_shared>>
    %dma_start3A_30 = arith.constant 0 : i32
    %dma_start3A_31 = tpu.memref_slice %arg2[%add3A_22, %dma_start3A_30] : memref<20224x64xf32, #tpu.memory_space<hbm>> -> memref<632x64xf32, #tpu.memory_space<hbm>>
    tpu.enqueue_dma source(%dma_start3A_31 : memref<632x64xf32, #tpu.memory_space<hbm>>) target(%dma_start3A_29 : memref<632x64xf32, #tpu.memory_space<vmem_shared>>) target_semaphore(%dma_start3A_27 : memref<!tpu.dma_semaphore, #tpu.memory_space<semaphore_mem>>)
    %dma_wait3A = arith.constant 0 : i32
    %dma_wait3A_32 = arith.constant 0 : i32
    %dma_wait3A_33 = tpu.memref_slice %arg3[%add3A, %dma_wait3A_32] : memref<5120x128xi32, #tpu.memory_space<hbm>> -> memref<160x128xi32, #tpu.memory_space<hbm>>
    %dma_wait3A_34 = tpu.memref_slice %arg9[%dma_wait3A] : memref<5x!tpu.dma_semaphore, #tpu.memory_space<semaphore_mem>> -> memref<1x!tpu.dma_semaphore, #tpu.memory_space<semaphore_mem>>
    %dma_wait3A_35 = tpu.memref_squeeze %dma_wait3A_34 : memref<1x!tpu.dma_semaphore, #tpu.memory_space<semaphore_mem>> -> memref<!tpu.dma_semaphore, #tpu.memory_space<semaphore_mem>>
    %dma_wait3A_36 = arith.constant 0 : i32
    %dma_wait3A_37 = tpu.memref_slice %arg3[%add3A, %dma_wait3A_36] : memref<5120x128xi32, #tpu.memory_space<hbm>> -> memref<160x128xi32, #tpu.memory_space<hbm>>
    tpu.wait_dma2 semaphore(%dma_wait3A_35 : memref<!tpu.dma_semaphore, #tpu.memory_space<semaphore_mem>>) src(%dma_wait3A_37 : memref<160x128xi32, #tpu.memory_space<hbm>>) dst(%arg6 : memref<160x128xi32, #tpu.memory_space<vmem>>)
    %dma_wait3A_38 = arith.constant 1 : i32
    %dma_wait3A_39 = arith.constant 0 : i32
    %dma_wait3A_40 = tpu.memref_slice %arg4[%mul3A_10, %dma_wait3A_39] : memref<2560x128xi32, #tpu.memory_space<hbm>> -> memref<160x128xi32, #tpu.memory_space<hbm>>
    %dma_wait3A_41 = tpu.memref_slice %arg9[%dma_wait3A_38] : memref<5x!tpu.dma_semaphore, #tpu.memory_space<semaphore_mem>> -> memref<1x!tpu.dma_semaphore, #tpu.memory_space<semaphore_mem>>
    %dma_wait3A_42 = tpu.memref_squeeze %dma_wait3A_41 : memref<1x!tpu.dma_semaphore, #tpu.memory_space<semaphore_mem>> -> memref<!tpu.dma_semaphore, #tpu.memory_space<semaphore_mem>>
    %dma_wait3A_43 = arith.constant 0 : i32
    %dma_wait3A_44 = tpu.memref_slice %arg4[%mul3A_10, %dma_wait3A_43] : memref<2560x128xi32, #tpu.memory_space<hbm>> -> memref<160x128xi32, #tpu.memory_space<hbm>>
    tpu.wait_dma2 semaphore(%dma_wait3A_42 : memref<!tpu.dma_semaphore, #tpu.memory_space<semaphore_mem>>) src(%dma_wait3A_44 : memref<160x128xi32, #tpu.memory_space<hbm>>) dst(%arg7 : memref<160x128xi32, #tpu.memory_space<vmem>>)
    %dma_wait3A_45 = arith.constant 0 : i32
    %dma_wait3A_46 = tpu.memref_slice %arg10[%dma_wait3A_45] : memref<5x!tpu.dma_semaphore, #tpu.memory_space<semaphore_mem>> -> memref<1x!tpu.dma_semaphore, #tpu.memory_space<semaphore_mem>>
    %dma_wait3A_47 = tpu.memref_squeeze %dma_wait3A_46 : memref<1x!tpu.dma_semaphore, #tpu.memory_space<semaphore_mem>> -> memref<!tpu.dma_semaphore, #tpu.memory_space<semaphore_mem>>
    %dma_wait3A_48 = arith.constant 0 : i32
    %dma_wait3A_49 = tpu.memref_slice %arg11[%mul3A_24, %dma_wait3A_48] : memref<10112x64xf32, #tpu.memory_space<vmem_shared>> -> memref<632x64xf32, #tpu.memory_space<vmem_shared>>
    %dma_wait3A_50 = arith.constant 0 : i32
    %dma_wait3A_51 = tpu.memref_slice %arg2[%add3A_22, %dma_wait3A_50] : memref<20224x64xf32, #tpu.memory_space<hbm>> -> memref<632x64xf32, #tpu.memory_space<hbm>>
    tpu.wait_dma2 semaphore(%dma_wait3A_47 : memref<!tpu.dma_semaphore, #tpu.memory_space<semaphore_mem>>) src(%dma_wait3A_51 : memref<632x64xf32, #tpu.memory_space<hbm>>) dst(%dma_wait3A_49 : memref<632x64xf32, #tpu.memory_space<vmem_shared>>)
    %barrier3A = arith.constant 0 : index
    tpu.barrier barrier_id(%barrier3A)
    %dma_start3A_52 = arith.constant 0 : i32
    %dma_start3A_53 = arith.constant 0 : i32
    %dma_start3A_54 = arith.constant 0 : i32
    %dma_start3A_55 = arith.constant 0 : i32
    %dma_start3A_56 = arith.constant 0 : i32
    %dma_start3A_57 = tpu.memref_slice %arg8[%dma_start3A_53, %dma_start3A_55, %dma_start3A_56] : memref<5x128x64xf32, #tpu.memory_space<vmem>> -> memref<1x128x64xf32, #tpu.memory_space<vmem>>
    %dma_start3A_58 = tpu.memref_squeeze %dma_start3A_57 : memref<1x128x64xf32, #tpu.memory_space<vmem>> -> memref<128x64xf32, #tpu.memory_space<vmem>>
    %dma_start3A_59 = arith.constant 0 : i32
    %dma_start3A_60 = tpu.memref_slice %arg6[%dma_start3A_52, %dma_start3A_59] : memref<160x128xi32, #tpu.memory_space<vmem>> -> memref<1x128xi32, #tpu.memory_space<vmem>>
    %dma_start3A_61 = tpu.memref_squeeze %dma_start3A_60 : memref<1x128xi32, #tpu.memory_space<vmem>> -> memref<128xi32, #tpu.memory_space<vmem>>
    %dma_start3A_62 = arith.constant 0 : i32
    %dma_start3A_63 = arith.constant 0 : i32
    %dma_start3A_64 = tpu.memref_slice %arg2[%dma_start3A_62, %dma_start3A_63] : memref<20224x64xf32, #tpu.memory_space<hbm>> -> memref<20224x64xf32, #tpu.memory_space<hbm>>
    %dma_start3A_65 = tpu.memref_slice %arg9[%dma_start3A_54] : memref<5x!tpu.dma_semaphore, #tpu.memory_space<semaphore_mem>> -> memref<1x!tpu.dma_semaphore, #tpu.memory_space<semaphore_mem>>
    %dma_start3A_66 = tpu.memref_squeeze %dma_start3A_65 : memref<1x!tpu.dma_semaphore, #tpu.memory_space<semaphore_mem>> -> memref<!tpu.dma_semaphore, #tpu.memory_space<semaphore_mem>>
    tpu.enqueue_indirect_dma source(%dma_start3A_64 : memref<20224x64xf32, #tpu.memory_space<hbm>>) target(%dma_start3A_58 : memref<128x64xf32, #tpu.memory_space<vmem>>) offsets(%dma_start3A_61 : memref<128xi32, #tpu.memory_space<vmem>>) semaphore(%dma_start3A_66 : memref<!tpu.dma_semaphore, #tpu.memory_space<semaphore_mem>>)
    %dma_start3A_67 = arith.constant 1 : i32
    %dma_start3A_68 = arith.constant 1 : i32
    %dma_start3A_69 = arith.constant 1 : i32
    %dma_start3A_70 = arith.constant 0 : i32
    %dma_start3A_71 = arith.constant 0 : i32
    %dma_start3A_72 = tpu.memref_slice %arg8[%dma_start3A_68, %dma_start3A_70, %dma_start3A_71] : memref<5x128x64xf32, #tpu.memory_space<vmem>> -> memref<1x128x64xf32, #tpu.memory_space<vmem>>
    %dma_start3A_73 = tpu.memref_squeeze %dma_start3A_72 : memref<1x128x64xf32, #tpu.memory_space<vmem>> -> memref<128x64xf32, #tpu.memory_space<vmem>>
    %dma_start3A_74 = arith.constant 0 : i32
    %dma_start3A_75 = tpu.memref_slice %arg6[%dma_start3A_67, %dma_start3A_74] : memref<160x128xi32, #tpu.memory_space<vmem>> -> memref<1x128xi32, #tpu.memory_space<vmem>>
    %dma_start3A_76 = tpu.memref_squeeze %dma_start3A_75 : memref<1x128xi32, #tpu.memory_space<vmem>> -> memref<128xi32, #tpu.memory_space<vmem>>
    %dma_start3A_77 = arith.constant 0 : i32
    %dma_start3A_78 = arith.constant 0 : i32
    %dma_start3A_79 = tpu.memref_slice %arg2[%dma_start3A_77, %dma_start3A_78] : memref<20224x64xf32, #tpu.memory_space<hbm>> -> memref<20224x64xf32, #tpu.memory_space<hbm>>
    %dma_start3A_80 = tpu.memref_slice %arg9[%dma_start3A_69] : memref<5x!tpu.dma_semaphore, #tpu.memory_space<semaphore_mem>> -> memref<1x!tpu.dma_semaphore, #tpu.memory_space<semaphore_mem>>
    %dma_start3A_81 = tpu.memref_squeeze %dma_start3A_80 : memref<1x!tpu.dma_semaphore, #tpu.memory_space<semaphore_mem>> -> memref<!tpu.dma_semaphore, #tpu.memory_space<semaphore_mem>>
    tpu.enqueue_indirect_dma source(%dma_start3A_79 : memref<20224x64xf32, #tpu.memory_space<hbm>>) target(%dma_start3A_73 : memref<128x64xf32, #tpu.memory_space<vmem>>) offsets(%dma_start3A_76 : memref<128xi32, #tpu.memory_space<vmem>>) semaphore(%dma_start3A_81 : memref<!tpu.dma_semaphore, #tpu.memory_space<semaphore_mem>>)
    %dma_start3A_82 = arith.constant 2 : i32
    %dma_start3A_83 = arith.constant 2 : i32
    %dma_start3A_84 = arith.constant 2 : i32
    %dma_start3A_85 = arith.constant 0 : i32
    %dma_start3A_86 = arith.constant 0 : i32
    %dma_start3A_87 = tpu.memref_slice %arg8[%dma_start3A_83, %dma_start3A_85, %dma_start3A_86] : memref<5x128x64xf32, #tpu.memory_space<vmem>> -> memref<1x128x64xf32, #tpu.memory_space<vmem>>
    %dma_start3A_88 = tpu.memref_squeeze %dma_start3A_87 : memref<1x128x64xf32, #tpu.memory_space<vmem>> -> memref<128x64xf32, #tpu.memory_space<vmem>>
    %dma_start3A_89 = arith.constant 0 : i32
    %dma_start3A_90 = tpu.memref_slice %arg6[%dma_start3A_82, %dma_start3A_89] : memref<160x128xi32, #tpu.memory_space<vmem>> -> memref<1x128xi32, #tpu.memory_space<vmem>>
    %dma_start3A_91 = tpu.memref_squeeze %dma_start3A_90 : memref<1x128xi32, #tpu.memory_space<vmem>> -> memref<128xi32, #tpu.memory_space<vmem>>
    %dma_start3A_92 = arith.constant 0 : i32
    %dma_start3A_93 = arith.constant 0 : i32
    %dma_start3A_94 = tpu.memref_slice %arg2[%dma_start3A_92, %dma_start3A_93] : memref<20224x64xf32, #tpu.memory_space<hbm>> -> memref<20224x64xf32, #tpu.memory_space<hbm>>
    %dma_start3A_95 = tpu.memref_slice %arg9[%dma_start3A_84] : memref<5x!tpu.dma_semaphore, #tpu.memory_space<semaphore_mem>> -> memref<1x!tpu.dma_semaphore, #tpu.memory_space<semaphore_mem>>
    %dma_start3A_96 = tpu.memref_squeeze %dma_start3A_95 : memref<1x!tpu.dma_semaphore, #tpu.memory_space<semaphore_mem>> -> memref<!tpu.dma_semaphore, #tpu.memory_space<semaphore_mem>>
    tpu.enqueue_indirect_dma source(%dma_start3A_94 : memref<20224x64xf32, #tpu.memory_space<hbm>>) target(%dma_start3A_88 : memref<128x64xf32, #tpu.memory_space<vmem>>) offsets(%dma_start3A_91 : memref<128xi32, #tpu.memory_space<vmem>>) semaphore(%dma_start3A_96 : memref<!tpu.dma_semaphore, #tpu.memory_space<semaphore_mem>>)
    %dma_start3A_97 = arith.constant 3 : i32
    %dma_start3A_98 = arith.constant 3 : i32
    %dma_start3A_99 = arith.constant 3 : i32
    %dma_start3A_100 = arith.constant 0 : i32
    %dma_start3A_101 = arith.constant 0 : i32
    %dma_start3A_102 = tpu.memref_slice %arg8[%dma_start3A_98, %dma_start3A_100, %dma_start3A_101] : memref<5x128x64xf32, #tpu.memory_space<vmem>> -> memref<1x128x64xf32, #tpu.memory_space<vmem>>
    %dma_start3A_103 = tpu.memref_squeeze %dma_start3A_102 : memref<1x128x64xf32, #tpu.memory_space<vmem>> -> memref<128x64xf32, #tpu.memory_space<vmem>>
    %dma_start3A_104 = arith.constant 0 : i32
    %dma_start3A_105 = tpu.memref_slice %arg6[%dma_start3A_97, %dma_start3A_104] : memref<160x128xi32, #tpu.memory_space<vmem>> -> memref<1x128xi32, #tpu.memory_space<vmem>>
    %dma_start3A_106 = tpu.memref_squeeze %dma_start3A_105 : memref<1x128xi32, #tpu.memory_space<vmem>> -> memref<128xi32, #tpu.memory_space<vmem>>
    %dma_start3A_107 = arith.constant 0 : i32
    %dma_start3A_108 = arith.constant 0 : i32
    %dma_start3A_109 = tpu.memref_slice %arg2[%dma_start3A_107, %dma_start3A_108] : memref<20224x64xf32, #tpu.memory_space<hbm>> -> memref<20224x64xf32, #tpu.memory_space<hbm>>
    %dma_start3A_110 = tpu.memref_slice %arg9[%dma_start3A_99] : memref<5x!tpu.dma_semaphore, #tpu.memory_space<semaphore_mem>> -> memref<1x!tpu.dma_semaphore, #tpu.memory_space<semaphore_mem>>
    %dma_start3A_111 = tpu.memref_squeeze %dma_start3A_110 : memref<1x!tpu.dma_semaphore, #tpu.memory_space<semaphore_mem>> -> memref<!tpu.dma_semaphore, #tpu.memory_space<semaphore_mem>>
    tpu.enqueue_indirect_dma source(%dma_start3A_109 : memref<20224x64xf32, #tpu.memory_space<hbm>>) target(%dma_start3A_103 : memref<128x64xf32, #tpu.memory_space<vmem>>) offsets(%dma_start3A_106 : memref<128xi32, #tpu.memory_space<vmem>>) semaphore(%dma_start3A_111 : memref<!tpu.dma_semaphore, #tpu.memory_space<semaphore_mem>>)
    %dma_start3A_112 = arith.constant 4 : i32
    %dma_start3A_113 = arith.constant 4 : i32
    %dma_start3A_114 = arith.constant 4 : i32
    %dma_start3A_115 = arith.constant 0 : i32
    %dma_start3A_116 = arith.constant 0 : i32
    %dma_start3A_117 = tpu.memref_slice %arg8[%dma_start3A_113, %dma_start3A_115, %dma_start3A_116] : memref<5x128x64xf32, #tpu.memory_space<vmem>> -> memref<1x128x64xf32, #tpu.memory_space<vmem>>
    %dma_start3A_118 = tpu.memref_squeeze %dma_start3A_117 : memref<1x128x64xf32, #tpu.memory_space<vmem>> -> memref<128x64xf32, #tpu.memory_space<vmem>>
    %dma_start3A_119 = arith.constant 0 : i32
    %dma_start3A_120 = tpu.memref_slice %arg6[%dma_start3A_112, %dma_start3A_119] : memref<160x128xi32, #tpu.memory_space<vmem>> -> memref<1x128xi32, #tpu.memory_space<vmem>>
    %dma_start3A_121 = tpu.memref_squeeze %dma_start3A_120 : memref<1x128xi32, #tpu.memory_space<vmem>> -> memref<128xi32, #tpu.memory_space<vmem>>
    %dma_start3A_122 = arith.constant 0 : i32
    %dma_start3A_123 = arith.constant 0 : i32
    %dma_start3A_124 = tpu.memref_slice %arg2[%dma_start3A_122, %dma_start3A_123] : memref<20224x64xf32, #tpu.memory_space<hbm>> -> memref<20224x64xf32, #tpu.memory_space<hbm>>
    %dma_start3A_125 = tpu.memref_slice %arg9[%dma_start3A_114] : memref<5x!tpu.dma_semaphore, #tpu.memory_space<semaphore_mem>> -> memref<1x!tpu.dma_semaphore, #tpu.memory_space<semaphore_mem>>
    %dma_start3A_126 = tpu.memref_squeeze %dma_start3A_125 : memref<1x!tpu.dma_semaphore, #tpu.memory_space<semaphore_mem>> -> memref<!tpu.dma_semaphore, #tpu.memory_space<semaphore_mem>>
    tpu.enqueue_indirect_dma source(%dma_start3A_124 : memref<20224x64xf32, #tpu.memory_space<hbm>>) target(%dma_start3A_118 : memref<128x64xf32, #tpu.memory_space<vmem>>) offsets(%dma_start3A_121 : memref<128xi32, #tpu.memory_space<vmem>>) semaphore(%dma_start3A_126 : memref<!tpu.dma_semaphore, #tpu.memory_space<semaphore_mem>>)
    %scan3A = arith.constant 0 : i32
    %scan3A_127 = arith.constant 32 : i32
    %scan3A_128 = arith.addi %scan3A, %scan3A_127 : i32
    %scan3A_129 = arith.constant 1 : i32
    scf.for %scan3A_139 = %scan3A to %scan3A_128 step %scan3A_129  : i32 {
      %mul3A_140 = arith.constant 5 : i32
      %mul3A_141 = arith.muli %scan3A_139, %mul3A_140 : i32
      %add3A_142 = arith.constant 0 : i32
      %add3A_143 = arith.addi %add3A_142, %mul3A_141 : i32
      %dma_wait3A_144 = arith.constant 0 : i32
      %dma_wait3A_145 = arith.constant 0 : i32
      %dma_wait3A_146 = arith.constant 0 : i32
      %dma_wait3A_147 = arith.constant 0 : i32
      %dma_wait3A_148 = arith.constant 0 : i32
      %dma_wait3A_149 = tpu.memref_slice %arg8[%dma_wait3A_145, %dma_wait3A_147, %dma_wait3A_148] : memref<5x128x64xf32, #tpu.memory_space<vmem>> -> memref<1x128x64xf32, #tpu.memory_space<vmem>>
      %dma_wait3A_150 = tpu.memref_squeeze %dma_wait3A_149 : memref<1x128x64xf32, #tpu.memory_space<vmem>> -> memref<128x64xf32, #tpu.memory_space<vmem>>
      %dma_wait3A_151 = arith.constant 0 : i32
      %dma_wait3A_152 = tpu.memref_slice %arg6[%dma_wait3A_144, %dma_wait3A_151] : memref<160x128xi32, #tpu.memory_space<vmem>> -> memref<1x128xi32, #tpu.memory_space<vmem>>
      %dma_wait3A_153 = tpu.memref_squeeze %dma_wait3A_152 : memref<1x128xi32, #tpu.memory_space<vmem>> -> memref<128xi32, #tpu.memory_space<vmem>>
      %dma_wait3A_154 = arith.constant 0 : i32
      %dma_wait3A_155 = arith.constant 0 : i32
      %dma_wait3A_156 = tpu.memref_slice %arg2[%dma_wait3A_154, %dma_wait3A_155] : memref<20224x64xf32, #tpu.memory_space<hbm>> -> memref<20224x64xf32, #tpu.memory_space<hbm>>
      %dma_wait3A_157 = tpu.memref_slice %arg9[%dma_wait3A_146] : memref<5x!tpu.dma_semaphore, #tpu.memory_space<semaphore_mem>> -> memref<1x!tpu.dma_semaphore, #tpu.memory_space<semaphore_mem>>
      %dma_wait3A_158 = tpu.memref_squeeze %dma_wait3A_157 : memref<1x!tpu.dma_semaphore, #tpu.memory_space<semaphore_mem>> -> memref<!tpu.dma_semaphore, #tpu.memory_space<semaphore_mem>>
      tpu.wait_indirect_dma semaphore(%dma_wait3A_158 : memref<!tpu.dma_semaphore, #tpu.memory_space<semaphore_mem>>) src(%dma_wait3A_156 : memref<20224x64xf32, #tpu.memory_space<hbm>>) dst(%dma_wait3A_150 : memref<128x64xf32, #tpu.memory_space<vmem>>)
      %add3A_159 = arith.constant 0 : i32
      %add3A_160 = arith.addi %add3A_143, %add3A_159 : i32
      %dma_start3A_161 = arith.constant 0 : i32
      %dma_start3A_162 = arith.constant 0 : i32
      %dma_start3A_163 = arith.constant 0 : i32
      %dma_start3A_164 = arith.constant 0 : i32
      %dma_start3A_165 = tpu.memref_slice %arg8[%dma_start3A_161, %dma_start3A_163, %dma_start3A_164] : memref<5x128x64xf32, #tpu.memory_space<vmem>> -> memref<1x128x64xf32, #tpu.memory_space<vmem>>
      %dma_start3A_166 = tpu.memref_squeeze %dma_start3A_165 : memref<1x128x64xf32, #tpu.memory_space<vmem>> -> memref<128x64xf32, #tpu.memory_space<vmem>>
      %dma_start3A_167 = arith.constant 0 : i32
      %dma_start3A_168 = tpu.memref_slice %arg7[%add3A_160, %dma_start3A_167] : memref<160x128xi32, #tpu.memory_space<vmem>> -> memref<1x128xi32, #tpu.memory_space<vmem>>
      %dma_start3A_169 = tpu.memref_squeeze %dma_start3A_168 : memref<1x128xi32, #tpu.memory_space<vmem>> -> memref<128xi32, #tpu.memory_space<vmem>>
      %dma_start3A_170 = arith.constant 0 : i32
      %dma_start3A_171 = arith.constant 0 : i32
      %dma_start3A_172 = tpu.memref_slice %arg11[%dma_start3A_170, %dma_start3A_171] : memref<10112x64xf32, #tpu.memory_space<vmem_shared>> -> memref<10112x64xf32, #tpu.memory_space<vmem_shared>>
      %dma_start3A_173 = tpu.memref_slice %arg10[%dma_start3A_162] : memref<5x!tpu.dma_semaphore, #tpu.memory_space<semaphore_mem>> -> memref<1x!tpu.dma_semaphore, #tpu.memory_space<semaphore_mem>>
      %dma_start3A_174 = tpu.memref_squeeze %dma_start3A_173 : memref<1x!tpu.dma_semaphore, #tpu.memory_space<semaphore_mem>> -> memref<!tpu.dma_semaphore, #tpu.memory_space<semaphore_mem>>
      tpu.enqueue_indirect_dma source(%dma_start3A_166 : memref<128x64xf32, #tpu.memory_space<vmem>>) target(%dma_start3A_172 : memref<10112x64xf32, #tpu.memory_space<vmem_shared>>) offsets(%dma_start3A_169 : memref<128xi32, #tpu.memory_space<vmem>>) semaphore(%dma_start3A_174 : memref<!tpu.dma_semaphore, #tpu.memory_space<semaphore_mem>>) {add = true}
      %dma_wait3A_175 = arith.constant 0 : i32
      %dma_wait3A_176 = arith.constant 1 : i32
      %dma_wait3A_177 = arith.constant 1 : i32
      %dma_wait3A_178 = arith.constant 0 : i32
      %dma_wait3A_179 = arith.constant 0 : i32
      %dma_wait3A_180 = tpu.memref_slice %arg8[%dma_wait3A_176, %dma_wait3A_178, %dma_wait3A_179] : memref<5x128x64xf32, #tpu.memory_space<vmem>> -> memref<1x128x64xf32, #tpu.memory_space<vmem>>
      %dma_wait3A_181 = tpu.memref_squeeze %dma_wait3A_180 : memref<1x128x64xf32, #tpu.memory_space<vmem>> -> memref<128x64xf32, #tpu.memory_space<vmem>>
      %dma_wait3A_182 = arith.constant 0 : i32
      %dma_wait3A_183 = tpu.memref_slice %arg6[%dma_wait3A_175, %dma_wait3A_182] : memref<160x128xi32, #tpu.memory_space<vmem>> -> memref<1x128xi32, #tpu.memory_space<vmem>>
      %dma_wait3A_184 = tpu.memref_squeeze %dma_wait3A_183 : memref<1x128xi32, #tpu.memory_space<vmem>> -> memref<128xi32, #tpu.memory_space<vmem>>
      %dma_wait3A_185 = arith.constant 0 : i32
      %dma_wait3A_186 = arith.constant 0 : i32
      %dma_wait3A_187 = tpu.memref_slice %arg2[%dma_wait3A_185, %dma_wait3A_186] : memref<20224x64xf32, #tpu.memory_space<hbm>> -> memref<20224x64xf32, #tpu.memory_space<hbm>>
      %dma_wait3A_188 = tpu.memref_slice %arg9[%dma_wait3A_177] : memref<5x!tpu.dma_semaphore, #tpu.memory_space<semaphore_mem>> -> memref<1x!tpu.dma_semaphore, #tpu.memory_space<semaphore_mem>>
      %dma_wait3A_189 = tpu.memref_squeeze %dma_wait3A_188 : memref<1x!tpu.dma_semaphore, #tpu.memory_space<semaphore_mem>> -> memref<!tpu.dma_semaphore, #tpu.memory_space<semaphore_mem>>
      tpu.wait_indirect_dma semaphore(%dma_wait3A_189 : memref<!tpu.dma_semaphore, #tpu.memory_space<semaphore_mem>>) src(%dma_wait3A_187 : memref<20224x64xf32, #tpu.memory_space<hbm>>) dst(%dma_wait3A_181 : memref<128x64xf32, #tpu.memory_space<vmem>>)
      %add3A_190 = arith.constant 1 : i32
      %add3A_191 = arith.addi %add3A_143, %add3A_190 : i32
      %dma_start3A_192 = arith.constant 1 : i32
      %dma_start3A_193 = arith.constant 1 : i32
      %dma_start3A_194 = arith.constant 0 : i32
      %dma_start3A_195 = arith.constant 0 : i32
      %dma_start3A_196 = tpu.memref_slice %arg8[%dma_start3A_192, %dma_start3A_194, %dma_start3A_195] : memref<5x128x64xf32, #tpu.memory_space<vmem>> -> memref<1x128x64xf32, #tpu.memory_space<vmem>>
      %dma_start3A_197 = tpu.memref_squeeze %dma_start3A_196 : memref<1x128x64xf32, #tpu.memory_space<vmem>> -> memref<128x64xf32, #tpu.memory_space<vmem>>
      %dma_start3A_198 = arith.constant 0 : i32
      %dma_start3A_199 = tpu.memref_slice %arg7[%add3A_191, %dma_start3A_198] : memref<160x128xi32, #tpu.memory_space<vmem>> -> memref<1x128xi32, #tpu.memory_space<vmem>>
      %dma_start3A_200 = tpu.memref_squeeze %dma_start3A_199 : memref<1x128xi32, #tpu.memory_space<vmem>> -> memref<128xi32, #tpu.memory_space<vmem>>
      %dma_start3A_201 = arith.constant 0 : i32
      %dma_start3A_202 = arith.constant 0 : i32
      %dma_start3A_203 = tpu.memref_slice %arg11[%dma_start3A_201, %dma_start3A_202] : memref<10112x64xf32, #tpu.memory_space<vmem_shared>> -> memref<10112x64xf32, #tpu.memory_space<vmem_shared>>
      %dma_start3A_204 = tpu.memref_slice %arg10[%dma_start3A_193] : memref<5x!tpu.dma_semaphore, #tpu.memory_space<semaphore_mem>> -> memref<1x!tpu.dma_semaphore, #tpu.memory_space<semaphore_mem>>
      %dma_start3A_205 = tpu.memref_squeeze %dma_start3A_204 : memref<1x!tpu.dma_semaphore, #tpu.memory_space<semaphore_mem>> -> memref<!tpu.dma_semaphore, #tpu.memory_space<semaphore_mem>>
      tpu.enqueue_indirect_dma source(%dma_start3A_197 : memref<128x64xf32, #tpu.memory_space<vmem>>) target(%dma_start3A_203 : memref<10112x64xf32, #tpu.memory_space<vmem_shared>>) offsets(%dma_start3A_200 : memref<128xi32, #tpu.memory_space<vmem>>) semaphore(%dma_start3A_205 : memref<!tpu.dma_semaphore, #tpu.memory_space<semaphore_mem>>) {add = true}
      %dma_wait3A_206 = arith.constant 0 : i32
      %dma_wait3A_207 = arith.constant 2 : i32
      %dma_wait3A_208 = arith.constant 2 : i32
      %dma_wait3A_209 = arith.constant 0 : i32
      %dma_wait3A_210 = arith.constant 0 : i32
      %dma_wait3A_211 = tpu.memref_slice %arg8[%dma_wait3A_207, %dma_wait3A_209, %dma_wait3A_210] : memref<5x128x64xf32, #tpu.memory_space<vmem>> -> memref<1x128x64xf32, #tpu.memory_space<vmem>>
      %dma_wait3A_212 = tpu.memref_squeeze %dma_wait3A_211 : memref<1x128x64xf32, #tpu.memory_space<vmem>> -> memref<128x64xf32, #tpu.memory_space<vmem>>
      %dma_wait3A_213 = arith.constant 0 : i32
      %dma_wait3A_214 = tpu.memref_slice %arg6[%dma_wait3A_206, %dma_wait3A_213] : memref<160x128xi32, #tpu.memory_space<vmem>> -> memref<1x128xi32, #tpu.memory_space<vmem>>
      %dma_wait3A_215 = tpu.memref_squeeze %dma_wait3A_214 : memref<1x128xi32, #tpu.memory_space<vmem>> -> memref<128xi32, #tpu.memory_space<vmem>>
      %dma_wait3A_216 = arith.constant 0 : i32
      %dma_wait3A_217 = arith.constant 0 : i32
      %dma_wait3A_218 = tpu.memref_slice %arg2[%dma_wait3A_216, %dma_wait3A_217] : memref<20224x64xf32, #tpu.memory_space<hbm>> -> memref<20224x64xf32, #tpu.memory_space<hbm>>
      %dma_wait3A_219 = tpu.memref_slice %arg9[%dma_wait3A_208] : memref<5x!tpu.dma_semaphore, #tpu.memory_space<semaphore_mem>> -> memref<1x!tpu.dma_semaphore, #tpu.memory_space<semaphore_mem>>
      %dma_wait3A_220 = tpu.memref_squeeze %dma_wait3A_219 : memref<1x!tpu.dma_semaphore, #tpu.memory_space<semaphore_mem>> -> memref<!tpu.dma_semaphore, #tpu.memory_space<semaphore_mem>>
      tpu.wait_indirect_dma semaphore(%dma_wait3A_220 : memref<!tpu.dma_semaphore, #tpu.memory_space<semaphore_mem>>) src(%dma_wait3A_218 : memref<20224x64xf32, #tpu.memory_space<hbm>>) dst(%dma_wait3A_212 : memref<128x64xf32, #tpu.memory_space<vmem>>)
      %add3A_221 = arith.constant 2 : i32
      %add3A_222 = arith.addi %add3A_143, %add3A_221 : i32
      %dma_start3A_223 = arith.constant 2 : i32
      %dma_start3A_224 = arith.constant 2 : i32
      %dma_start3A_225 = arith.constant 0 : i32
      %dma_start3A_226 = arith.constant 0 : i32
      %dma_start3A_227 = tpu.memref_slice %arg8[%dma_start3A_223, %dma_start3A_225, %dma_start3A_226] : memref<5x128x64xf32, #tpu.memory_space<vmem>> -> memref<1x128x64xf32, #tpu.memory_space<vmem>>
      %dma_start3A_228 = tpu.memref_squeeze %dma_start3A_227 : memref<1x128x64xf32, #tpu.memory_space<vmem>> -> memref<128x64xf32, #tpu.memory_space<vmem>>
      %dma_start3A_229 = arith.constant 0 : i32
      %dma_start3A_230 = tpu.memref_slice %arg7[%add3A_222, %dma_start3A_229] : memref<160x128xi32, #tpu.memory_space<vmem>> -> memref<1x128xi32, #tpu.memory_space<vmem>>
      %dma_start3A_231 = tpu.memref_squeeze %dma_start3A_230 : memref<1x128xi32, #tpu.memory_space<vmem>> -> memref<128xi32, #tpu.memory_space<vmem>>
      %dma_start3A_232 = arith.constant 0 : i32
      %dma_start3A_233 = arith.constant 0 : i32
      %dma_start3A_234 = tpu.memref_slice %arg11[%dma_start3A_232, %dma_start3A_233] : memref<10112x64xf32, #tpu.memory_space<vmem_shared>> -> memref<10112x64xf32, #tpu.memory_space<vmem_shared>>
      %dma_start3A_235 = tpu.memref_slice %arg10[%dma_start3A_224] : memref<5x!tpu.dma_semaphore, #tpu.memory_space<semaphore_mem>> -> memref<1x!tpu.dma_semaphore, #tpu.memory_space<semaphore_mem>>
      %dma_start3A_236 = tpu.memref_squeeze %dma_start3A_235 : memref<1x!tpu.dma_semaphore, #tpu.memory_space<semaphore_mem>> -> memref<!tpu.dma_semaphore, #tpu.memory_space<semaphore_mem>>
      tpu.enqueue_indirect_dma source(%dma_start3A_228 : memref<128x64xf32, #tpu.memory_space<vmem>>) target(%dma_start3A_234 : memref<10112x64xf32, #tpu.memory_space<vmem_shared>>) offsets(%dma_start3A_231 : memref<128xi32, #tpu.memory_space<vmem>>) semaphore(%dma_start3A_236 : memref<!tpu.dma_semaphore, #tpu.memory_space<semaphore_mem>>) {add = true}
      %dma_wait3A_237 = arith.constant 0 : i32
      %dma_wait3A_238 = arith.constant 3 : i32
      %dma_wait3A_239 = arith.constant 3 : i32
      %dma_wait3A_240 = arith.constant 0 : i32
      %dma_wait3A_241 = arith.constant 0 : i32
      %dma_wait3A_242 = tpu.memref_slice %arg8[%dma_wait3A_238, %dma_wait3A_240, %dma_wait3A_241] : memref<5x128x64xf32, #tpu.memory_space<vmem>> -> memref<1x128x64xf32, #tpu.memory_space<vmem>>
      %dma_wait3A_243 = tpu.memref_squeeze %dma_wait3A_242 : memref<1x128x64xf32, #tpu.memory_space<vmem>> -> memref<128x64xf32, #tpu.memory_space<vmem>>
      %dma_wait3A_244 = arith.constant 0 : i32
      %dma_wait3A_245 = tpu.memref_slice %arg6[%dma_wait3A_237, %dma_wait3A_244] : memref<160x128xi32, #tpu.memory_space<vmem>> -> memref<1x128xi32, #tpu.memory_space<vmem>>
      %dma_wait3A_246 = tpu.memref_squeeze %dma_wait3A_245 : memref<1x128xi32, #tpu.memory_space<vmem>> -> memref<128xi32, #tpu.memory_space<vmem>>
      %dma_wait3A_247 = arith.constant 0 : i32
      %dma_wait3A_248 = arith.constant 0 : i32
      %dma_wait3A_249 = tpu.memref_slice %arg2[%dma_wait3A_247, %dma_wait3A_248] : memref<20224x64xf32, #tpu.memory_space<hbm>> -> memref<20224x64xf32, #tpu.memory_space<hbm>>
      %dma_wait3A_250 = tpu.memref_slice %arg9[%dma_wait3A_239] : memref<5x!tpu.dma_semaphore, #tpu.memory_space<semaphore_mem>> -> memref<1x!tpu.dma_semaphore, #tpu.memory_space<semaphore_mem>>
      %dma_wait3A_251 = tpu.memref_squeeze %dma_wait3A_250 : memref<1x!tpu.dma_semaphore, #tpu.memory_space<semaphore_mem>> -> memref<!tpu.dma_semaphore, #tpu.memory_space<semaphore_mem>>
      tpu.wait_indirect_dma semaphore(%dma_wait3A_251 : memref<!tpu.dma_semaphore, #tpu.memory_space<semaphore_mem>>) src(%dma_wait3A_249 : memref<20224x64xf32, #tpu.memory_space<hbm>>) dst(%dma_wait3A_243 : memref<128x64xf32, #tpu.memory_space<vmem>>)
      %add3A_252 = arith.constant 3 : i32
      %add3A_253 = arith.addi %add3A_143, %add3A_252 : i32
      %dma_start3A_254 = arith.constant 3 : i32
      %dma_start3A_255 = arith.constant 3 : i32
      %dma_start3A_256 = arith.constant 0 : i32
      %dma_start3A_257 = arith.constant 0 : i32
      %dma_start3A_258 = tpu.memref_slice %arg8[%dma_start3A_254, %dma_start3A_256, %dma_start3A_257] : memref<5x128x64xf32, #tpu.memory_space<vmem>> -> memref<1x128x64xf32, #tpu.memory_space<vmem>>
      %dma_start3A_259 = tpu.memref_squeeze %dma_start3A_258 : memref<1x128x64xf32, #tpu.memory_space<vmem>> -> memref<128x64xf32, #tpu.memory_space<vmem>>
      %dma_start3A_260 = arith.constant 0 : i32
      %dma_start3A_261 = tpu.memref_slice %arg7[%add3A_253, %dma_start3A_260] : memref<160x128xi32, #tpu.memory_space<vmem>> -> memref<1x128xi32, #tpu.memory_space<vmem>>
      %dma_start3A_262 = tpu.memref_squeeze %dma_start3A_261 : memref<1x128xi32, #tpu.memory_space<vmem>> -> memref<128xi32, #tpu.memory_space<vmem>>
      %dma_start3A_263 = arith.constant 0 : i32
      %dma_start3A_264 = arith.constant 0 : i32
      %dma_start3A_265 = tpu.memref_slice %arg11[%dma_start3A_263, %dma_start3A_264] : memref<10112x64xf32, #tpu.memory_space<vmem_shared>> -> memref<10112x64xf32, #tpu.memory_space<vmem_shared>>
      %dma_start3A_266 = tpu.memref_slice %arg10[%dma_start3A_255] : memref<5x!tpu.dma_semaphore, #tpu.memory_space<semaphore_mem>> -> memref<1x!tpu.dma_semaphore, #tpu.memory_space<semaphore_mem>>
      %dma_start3A_267 = tpu.memref_squeeze %dma_start3A_266 : memref<1x!tpu.dma_semaphore, #tpu.memory_space<semaphore_mem>> -> memref<!tpu.dma_semaphore, #tpu.memory_space<semaphore_mem>>
      tpu.enqueue_indirect_dma source(%dma_start3A_259 : memref<128x64xf32, #tpu.memory_space<vmem>>) target(%dma_start3A_265 : memref<10112x64xf32, #tpu.memory_space<vmem_shared>>) offsets(%dma_start3A_262 : memref<128xi32, #tpu.memory_space<vmem>>) semaphore(%dma_start3A_267 : memref<!tpu.dma_semaphore, #tpu.memory_space<semaphore_mem>>) {add = true}
      %dma_wait3A_268 = arith.constant 0 : i32
      %dma_wait3A_269 = arith.constant 4 : i32
      %dma_wait3A_270 = arith.constant 4 : i32
      %dma_wait3A_271 = arith.constant 0 : i32
      %dma_wait3A_272 = arith.constant 0 : i32
      %dma_wait3A_273 = tpu.memref_slice %arg8[%dma_wait3A_269, %dma_wait3A_271, %dma_wait3A_272] : memref<5x128x64xf32, #tpu.memory_space<vmem>> -> memref<1x128x64xf32, #tpu.memory_space<vmem>>
      %dma_wait3A_274 = tpu.memref_squeeze %dma_wait3A_273 : memref<1x128x64xf32, #tpu.memory_space<vmem>> -> memref<128x64xf32, #tpu.memory_space<vmem>>
      %dma_wait3A_275 = arith.constant 0 : i32
      %dma_wait3A_276 = tpu.memref_slice %arg6[%dma_wait3A_268, %dma_wait3A_275] : memref<160x128xi32, #tpu.memory_space<vmem>> -> memref<1x128xi32, #tpu.memory_space<vmem>>
      %dma_wait3A_277 = tpu.memref_squeeze %dma_wait3A_276 : memref<1x128xi32, #tpu.memory_space<vmem>> -> memref<128xi32, #tpu.memory_space<vmem>>
      %dma_wait3A_278 = arith.constant 0 : i32
      %dma_wait3A_279 = arith.constant 0 : i32
      %dma_wait3A_280 = tpu.memref_slice %arg2[%dma_wait3A_278, %dma_wait3A_279] : memref<20224x64xf32, #tpu.memory_space<hbm>> -> memref<20224x64xf32, #tpu.memory_space<hbm>>
      %dma_wait3A_281 = tpu.memref_slice %arg9[%dma_wait3A_270] : memref<5x!tpu.dma_semaphore, #tpu.memory_space<semaphore_mem>> -> memref<1x!tpu.dma_semaphore, #tpu.memory_space<semaphore_mem>>
      %dma_wait3A_282 = tpu.memref_squeeze %dma_wait3A_281 : memref<1x!tpu.dma_semaphore, #tpu.memory_space<semaphore_mem>> -> memref<!tpu.dma_semaphore, #tpu.memory_space<semaphore_mem>>
      tpu.wait_indirect_dma semaphore(%dma_wait3A_282 : memref<!tpu.dma_semaphore, #tpu.memory_space<semaphore_mem>>) src(%dma_wait3A_280 : memref<20224x64xf32, #tpu.memory_space<hbm>>) dst(%dma_wait3A_274 : memref<128x64xf32, #tpu.memory_space<vmem>>)
      %add3A_283 = arith.constant 4 : i32
      %add3A_284 = arith.addi %add3A_143, %add3A_283 : i32
      %dma_start3A_285 = arith.constant 4 : i32
      %dma_start3A_286 = arith.constant 4 : i32
      %dma_start3A_287 = arith.constant 0 : i32
      %dma_start3A_288 = arith.constant 0 : i32
      %dma_start3A_289 = tpu.memref_slice %arg8[%dma_start3A_285, %dma_start3A_287, %dma_start3A_288] : memref<5x128x64xf32, #tpu.memory_space<vmem>> -> memref<1x128x64xf32, #tpu.memory_space<vmem>>
      %dma_start3A_290 = tpu.memref_squeeze %dma_start3A_289 : memref<1x128x64xf32, #tpu.memory_space<vmem>> -> memref<128x64xf32, #tpu.memory_space<vmem>>
      %dma_start3A_291 = arith.constant 0 : i32
      %dma_start3A_292 = tpu.memref_slice %arg7[%add3A_284, %dma_start3A_291] : memref<160x128xi32, #tpu.memory_space<vmem>> -> memref<1x128xi32, #tpu.memory_space<vmem>>
      %dma_start3A_293 = tpu.memref_squeeze %dma_start3A_292 : memref<1x128xi32, #tpu.memory_space<vmem>> -> memref<128xi32, #tpu.memory_space<vmem>>
      %dma_start3A_294 = arith.constant 0 : i32
      %dma_start3A_295 = arith.constant 0 : i32
      %dma_start3A_296 = tpu.memref_slice %arg11[%dma_start3A_294, %dma_start3A_295] : memref<10112x64xf32, #tpu.memory_space<vmem_shared>> -> memref<10112x64xf32, #tpu.memory_space<vmem_shared>>
      %dma_start3A_297 = tpu.memref_slice %arg10[%dma_start3A_286] : memref<5x!tpu.dma_semaphore, #tpu.memory_space<semaphore_mem>> -> memref<1x!tpu.dma_semaphore, #tpu.memory_space<semaphore_mem>>
      %dma_start3A_298 = tpu.memref_squeeze %dma_start3A_297 : memref<1x!tpu.dma_semaphore, #tpu.memory_space<semaphore_mem>> -> memref<!tpu.dma_semaphore, #tpu.memory_space<semaphore_mem>>
      tpu.enqueue_indirect_dma source(%dma_start3A_290 : memref<128x64xf32, #tpu.memory_space<vmem>>) target(%dma_start3A_296 : memref<10112x64xf32, #tpu.memory_space<vmem_shared>>) offsets(%dma_start3A_293 : memref<128xi32, #tpu.memory_space<vmem>>) semaphore(%dma_start3A_298 : memref<!tpu.dma_semaphore, #tpu.memory_space<semaphore_mem>>) {add = true}
      %dma_wait3A_299 = arith.constant 0 : i32
      %dma_wait3A_300 = arith.constant 0 : i32
      %dma_wait3A_301 = arith.constant 0 : i32
      %dma_wait3A_302 = arith.constant 0 : i32
      %dma_wait3A_303 = arith.constant 0 : i32
      %dma_wait3A_304 = tpu.memref_slice %arg8[%dma_wait3A_299, %dma_wait3A_302, %dma_wait3A_303] : memref<5x128x64xf32, #tpu.memory_space<vmem>> -> memref<1x128x64xf32, #tpu.memory_space<vmem>>
      %dma_wait3A_305 = tpu.memref_squeeze %dma_wait3A_304 : memref<1x128x64xf32, #tpu.memory_space<vmem>> -> memref<128x64xf32, #tpu.memory_space<vmem>>
      %dma_wait3A_306 = arith.constant 0 : i32
      %dma_wait3A_307 = tpu.memref_slice %arg7[%dma_wait3A_300, %dma_wait3A_306] : memref<160x128xi32, #tpu.memory_space<vmem>> -> memref<1x128xi32, #tpu.memory_space<vmem>>
      %dma_wait3A_308 = tpu.memref_squeeze %dma_wait3A_307 : memref<1x128xi32, #tpu.memory_space<vmem>> -> memref<128xi32, #tpu.memory_space<vmem>>
      %dma_wait3A_309 = arith.constant 0 : i32
      %dma_wait3A_310 = arith.constant 0 : i32
      %dma_wait3A_311 = tpu.memref_slice %arg11[%dma_wait3A_309, %dma_wait3A_310] : memref<10112x64xf32, #tpu.memory_space<vmem_shared>> -> memref<10112x64xf32, #tpu.memory_space<vmem_shared>>
      %dma_wait3A_312 = tpu.memref_slice %arg10[%dma_wait3A_301] : memref<5x!tpu.dma_semaphore, #tpu.memory_space<semaphore_mem>> -> memref<1x!tpu.dma_semaphore, #tpu.memory_space<semaphore_mem>>
      %dma_wait3A_313 = tpu.memref_squeeze %dma_wait3A_312 : memref<1x!tpu.dma_semaphore, #tpu.memory_space<semaphore_mem>> -> memref<!tpu.dma_semaphore, #tpu.memory_space<semaphore_mem>>
      tpu.wait_indirect_dma semaphore(%dma_wait3A_313 : memref<!tpu.dma_semaphore, #tpu.memory_space<semaphore_mem>>) src(%dma_wait3A_305 : memref<128x64xf32, #tpu.memory_space<vmem>>) dst(%dma_wait3A_311 : memref<10112x64xf32, #tpu.memory_space<vmem_shared>>)
      %add3A_314 = arith.constant 5 : i32
      %add3A_315 = arith.addi %add3A_143, %add3A_314 : i32
      %lt3A = arith.constant 160 : i32
      %lt3A_316 = arith.cmpi slt, %add3A_315, %lt3A : i32
      %convert_element_type3A = arith.extui %lt3A_316 : i1 to i32
      %cond3A = arith.constant 0 : i32
      %cond3A_317 = arith.cmpi ne, %convert_element_type3A, %cond3A : i32
      scf.if %cond3A_317 {
        %add3A_406 = arith.constant 5 : i32
        %add3A_407 = arith.addi %add3A_143, %add3A_406 : i32
        %add3A_408 = arith.constant 0 : i32
        %add3A_409 = arith.addi %add3A_407, %add3A_408 : i32
        %dma_start3A_410 = arith.constant 0 : i32
        %dma_start3A_411 = arith.constant 0 : i32
        %dma_start3A_412 = arith.constant 0 : i32
        %dma_start3A_413 = arith.constant 0 : i32
        %dma_start3A_414 = tpu.memref_slice %arg8[%dma_start3A_410, %dma_start3A_412, %dma_start3A_413] : memref<5x128x64xf32, #tpu.memory_space<vmem>> -> memref<1x128x64xf32, #tpu.memory_space<vmem>>
        %dma_start3A_415 = tpu.memref_squeeze %dma_start3A_414 : memref<1x128x64xf32, #tpu.memory_space<vmem>> -> memref<128x64xf32, #tpu.memory_space<vmem>>
        %dma_start3A_416 = arith.constant 0 : i32
        %dma_start3A_417 = tpu.memref_slice %arg6[%add3A_409, %dma_start3A_416] : memref<160x128xi32, #tpu.memory_space<vmem>> -> memref<1x128xi32, #tpu.memory_space<vmem>>
        %dma_start3A_418 = tpu.memref_squeeze %dma_start3A_417 : memref<1x128xi32, #tpu.memory_space<vmem>> -> memref<128xi32, #tpu.memory_space<vmem>>
        %dma_start3A_419 = arith.constant 0 : i32
        %dma_start3A_420 = arith.constant 0 : i32
        %dma_start3A_421 = tpu.memref_slice %arg2[%dma_start3A_419, %dma_start3A_420] : memref<20224x64xf32, #tpu.memory_space<hbm>> -> memref<20224x64xf32, #tpu.memory_space<hbm>>
        %dma_start3A_422 = tpu.memref_slice %arg9[%dma_start3A_411] : memref<5x!tpu.dma_semaphore, #tpu.memory_space<semaphore_mem>> -> memref<1x!tpu.dma_semaphore, #tpu.memory_space<semaphore_mem>>
        %dma_start3A_423 = tpu.memref_squeeze %dma_start3A_422 : memref<1x!tpu.dma_semaphore, #tpu.memory_space<semaphore_mem>> -> memref<!tpu.dma_semaphore, #tpu.memory_space<semaphore_mem>>
        tpu.enqueue_indirect_dma source(%dma_start3A_421 : memref<20224x64xf32, #tpu.memory_space<hbm>>) target(%dma_start3A_415 : memref<128x64xf32, #tpu.memory_space<vmem>>) offsets(%dma_start3A_418 : memref<128xi32, #tpu.memory_space<vmem>>) semaphore(%dma_start3A_423 : memref<!tpu.dma_semaphore, #tpu.memory_space<semaphore_mem>>)
      } else {
      }
      %dma_wait3A_318 = arith.constant 1 : i32
      %dma_wait3A_319 = arith.constant 0 : i32
      %dma_wait3A_320 = arith.constant 1 : i32
      %dma_wait3A_321 = arith.constant 0 : i32
      %dma_wait3A_322 = arith.constant 0 : i32
      %dma_wait3A_323 = tpu.memref_slice %arg8[%dma_wait3A_318, %dma_wait3A_321, %dma_wait3A_322] : memref<5x128x64xf32, #tpu.memory_space<vmem>> -> memref<1x128x64xf32, #tpu.memory_space<vmem>>
      %dma_wait3A_324 = tpu.memref_squeeze %dma_wait3A_323 : memref<1x128x64xf32, #tpu.memory_space<vmem>> -> memref<128x64xf32, #tpu.memory_space<vmem>>
      %dma_wait3A_325 = arith.constant 0 : i32
      %dma_wait3A_326 = tpu.memref_slice %arg7[%dma_wait3A_319, %dma_wait3A_325] : memref<160x128xi32, #tpu.memory_space<vmem>> -> memref<1x128xi32, #tpu.memory_space<vmem>>
      %dma_wait3A_327 = tpu.memref_squeeze %dma_wait3A_326 : memref<1x128xi32, #tpu.memory_space<vmem>> -> memref<128xi32, #tpu.memory_space<vmem>>
      %dma_wait3A_328 = arith.constant 0 : i32
      %dma_wait3A_329 = arith.constant 0 : i32
      %dma_wait3A_330 = tpu.memref_slice %arg11[%dma_wait3A_328, %dma_wait3A_329] : memref<10112x64xf32, #tpu.memory_space<vmem_shared>> -> memref<10112x64xf32, #tpu.memory_space<vmem_shared>>
      %dma_wait3A_331 = tpu.memref_slice %arg10[%dma_wait3A_320] : memref<5x!tpu.dma_semaphore, #tpu.memory_space<semaphore_mem>> -> memref<1x!tpu.dma_semaphore, #tpu.memory_space<semaphore_mem>>
      %dma_wait3A_332 = tpu.memref_squeeze %dma_wait3A_331 : memref<1x!tpu.dma_semaphore, #tpu.memory_space<semaphore_mem>> -> memref<!tpu.dma_semaphore, #tpu.memory_space<semaphore_mem>>
      tpu.wait_indirect_dma semaphore(%dma_wait3A_332 : memref<!tpu.dma_semaphore, #tpu.memory_space<semaphore_mem>>) src(%dma_wait3A_324 : memref<128x64xf32, #tpu.memory_space<vmem>>) dst(%dma_wait3A_330 : memref<10112x64xf32, #tpu.memory_space<vmem_shared>>)
      %add3A_333 = arith.constant 5 : i32
      %add3A_334 = arith.addi %add3A_143, %add3A_333 : i32
      %lt3A_335 = arith.constant 160 : i32
      %lt3A_336 = arith.cmpi slt, %add3A_334, %lt3A_335 : i32
      %convert_element_type3A_337 = arith.extui %lt3A_336 : i1 to i32
      %cond3A_338 = arith.constant 0 : i32
      %cond3A_339 = arith.cmpi ne, %convert_element_type3A_337, %cond3A_338 : i32
      scf.if %cond3A_339 {
        %add3A_406 = arith.constant 5 : i32
        %add3A_407 = arith.addi %add3A_143, %add3A_406 : i32
        %add3A_408 = arith.constant 1 : i32
        %add3A_409 = arith.addi %add3A_407, %add3A_408 : i32
        %dma_start3A_410 = arith.constant 1 : i32
        %dma_start3A_411 = arith.constant 1 : i32
        %dma_start3A_412 = arith.constant 0 : i32
        %dma_start3A_413 = arith.constant 0 : i32
        %dma_start3A_414 = tpu.memref_slice %arg8[%dma_start3A_410, %dma_start3A_412, %dma_start3A_413] : memref<5x128x64xf32, #tpu.memory_space<vmem>> -> memref<1x128x64xf32, #tpu.memory_space<vmem>>
        %dma_start3A_415 = tpu.memref_squeeze %dma_start3A_414 : memref<1x128x64xf32, #tpu.memory_space<vmem>> -> memref<128x64xf32, #tpu.memory_space<vmem>>
        %dma_start3A_416 = arith.constant 0 : i32
        %dma_start3A_417 = tpu.memref_slice %arg6[%add3A_409, %dma_start3A_416] : memref<160x128xi32, #tpu.memory_space<vmem>> -> memref<1x128xi32, #tpu.memory_space<vmem>>
        %dma_start3A_418 = tpu.memref_squeeze %dma_start3A_417 : memref<1x128xi32, #tpu.memory_space<vmem>> -> memref<128xi32, #tpu.memory_space<vmem>>
        %dma_start3A_419 = arith.constant 0 : i32
        %dma_start3A_420 = arith.constant 0 : i32
        %dma_start3A_421 = tpu.memref_slice %arg2[%dma_start3A_419, %dma_start3A_420] : memref<20224x64xf32, #tpu.memory_space<hbm>> -> memref<20224x64xf32, #tpu.memory_space<hbm>>
        %dma_start3A_422 = tpu.memref_slice %arg9[%dma_start3A_411] : memref<5x!tpu.dma_semaphore, #tpu.memory_space<semaphore_mem>> -> memref<1x!tpu.dma_semaphore, #tpu.memory_space<semaphore_mem>>
        %dma_start3A_423 = tpu.memref_squeeze %dma_start3A_422 : memref<1x!tpu.dma_semaphore, #tpu.memory_space<semaphore_mem>> -> memref<!tpu.dma_semaphore, #tpu.memory_space<semaphore_mem>>
        tpu.enqueue_indirect_dma source(%dma_start3A_421 : memref<20224x64xf32, #tpu.memory_space<hbm>>) target(%dma_start3A_415 : memref<128x64xf32, #tpu.memory_space<vmem>>) offsets(%dma_start3A_418 : memref<128xi32, #tpu.memory_space<vmem>>) semaphore(%dma_start3A_423 : memref<!tpu.dma_semaphore, #tpu.memory_space<semaphore_mem>>)
      } else {
      }
      %dma_wait3A_340 = arith.constant 2 : i32
      %dma_wait3A_341 = arith.constant 0 : i32
      %dma_wait3A_342 = arith.constant 2 : i32
      %dma_wait3A_343 = arith.constant 0 : i32
      %dma_wait3A_344 = arith.constant 0 : i32
      %dma_wait3A_345 = tpu.memref_slice %arg8[%dma_wait3A_340, %dma_wait3A_343, %dma_wait3A_344] : memref<5x128x64xf32, #tpu.memory_space<vmem>> -> memref<1x128x64xf32, #tpu.memory_space<vmem>>
      %dma_wait3A_346 = tpu.memref_squeeze %dma_wait3A_345 : memref<1x128x64xf32, #tpu.memory_space<vmem>> -> memref<128x64xf32, #tpu.memory_space<vmem>>
      %dma_wait3A_347 = arith.constant 0 : i32
      %dma_wait3A_348 = tpu.memref_slice %arg7[%dma_wait3A_341, %dma_wait3A_347] : memref<160x128xi32, #tpu.memory_space<vmem>> -> memref<1x128xi32, #tpu.memory_space<vmem>>
      %dma_wait3A_349 = tpu.memref_squeeze %dma_wait3A_348 : memref<1x128xi32, #tpu.memory_space<vmem>> -> memref<128xi32, #tpu.memory_space<vmem>>
      %dma_wait3A_350 = arith.constant 0 : i32
      %dma_wait3A_351 = arith.constant 0 : i32
      %dma_wait3A_352 = tpu.memref_slice %arg11[%dma_wait3A_350, %dma_wait3A_351] : memref<10112x64xf32, #tpu.memory_space<vmem_shared>> -> memref<10112x64xf32, #tpu.memory_space<vmem_shared>>
      %dma_wait3A_353 = tpu.memref_slice %arg10[%dma_wait3A_342] : memref<5x!tpu.dma_semaphore, #tpu.memory_space<semaphore_mem>> -> memref<1x!tpu.dma_semaphore, #tpu.memory_space<semaphore_mem>>
      %dma_wait3A_354 = tpu.memref_squeeze %dma_wait3A_353 : memref<1x!tpu.dma_semaphore, #tpu.memory_space<semaphore_mem>> -> memref<!tpu.dma_semaphore, #tpu.memory_space<semaphore_mem>>
      tpu.wait_indirect_dma semaphore(%dma_wait3A_354 : memref<!tpu.dma_semaphore, #tpu.memory_space<semaphore_mem>>) src(%dma_wait3A_346 : memref<128x64xf32, #tpu.memory_space<vmem>>) dst(%dma_wait3A_352 : memref<10112x64xf32, #tpu.memory_space<vmem_shared>>)
      %add3A_355 = arith.constant 5 : i32
      %add3A_356 = arith.addi %add3A_143, %add3A_355 : i32
      %lt3A_357 = arith.constant 160 : i32
      %lt3A_358 = arith.cmpi slt, %add3A_356, %lt3A_357 : i32
      %convert_element_type3A_359 = arith.extui %lt3A_358 : i1 to i32
      %cond3A_360 = arith.constant 0 : i32
      %cond3A_361 = arith.cmpi ne, %convert_element_type3A_359, %cond3A_360 : i32
      scf.if %cond3A_361 {
        %add3A_406 = arith.constant 5 : i32
        %add3A_407 = arith.addi %add3A_143, %add3A_406 : i32
        %add3A_408 = arith.constant 2 : i32
        %add3A_409 = arith.addi %add3A_407, %add3A_408 : i32
        %dma_start3A_410 = arith.constant 2 : i32
        %dma_start3A_411 = arith.constant 2 : i32
        %dma_start3A_412 = arith.constant 0 : i32
        %dma_start3A_413 = arith.constant 0 : i32
        %dma_start3A_414 = tpu.memref_slice %arg8[%dma_start3A_410, %dma_start3A_412, %dma_start3A_413] : memref<5x128x64xf32, #tpu.memory_space<vmem>> -> memref<1x128x64xf32, #tpu.memory_space<vmem>>
        %dma_start3A_415 = tpu.memref_squeeze %dma_start3A_414 : memref<1x128x64xf32, #tpu.memory_space<vmem>> -> memref<128x64xf32, #tpu.memory_space<vmem>>
        %dma_start3A_416 = arith.constant 0 : i32
        %dma_start3A_417 = tpu.memref_slice %arg6[%add3A_409, %dma_start3A_416] : memref<160x128xi32, #tpu.memory_space<vmem>> -> memref<1x128xi32, #tpu.memory_space<vmem>>
        %dma_start3A_418 = tpu.memref_squeeze %dma_start3A_417 : memref<1x128xi32, #tpu.memory_space<vmem>> -> memref<128xi32, #tpu.memory_space<vmem>>
        %dma_start3A_419 = arith.constant 0 : i32
        %dma_start3A_420 = arith.constant 0 : i32
        %dma_start3A_421 = tpu.memref_slice %arg2[%dma_start3A_419, %dma_start3A_420] : memref<20224x64xf32, #tpu.memory_space<hbm>> -> memref<20224x64xf32, #tpu.memory_space<hbm>>
        %dma_start3A_422 = tpu.memref_slice %arg9[%dma_start3A_411] : memref<5x!tpu.dma_semaphore, #tpu.memory_space<semaphore_mem>> -> memref<1x!tpu.dma_semaphore, #tpu.memory_space<semaphore_mem>>
        %dma_start3A_423 = tpu.memref_squeeze %dma_start3A_422 : memref<1x!tpu.dma_semaphore, #tpu.memory_space<semaphore_mem>> -> memref<!tpu.dma_semaphore, #tpu.memory_space<semaphore_mem>>
        tpu.enqueue_indirect_dma source(%dma_start3A_421 : memref<20224x64xf32, #tpu.memory_space<hbm>>) target(%dma_start3A_415 : memref<128x64xf32, #tpu.memory_space<vmem>>) offsets(%dma_start3A_418 : memref<128xi32, #tpu.memory_space<vmem>>) semaphore(%dma_start3A_423 : memref<!tpu.dma_semaphore, #tpu.memory_space<semaphore_mem>>)
      } else {
      }
      %dma_wait3A_362 = arith.constant 3 : i32
      %dma_wait3A_363 = arith.constant 0 : i32
      %dma_wait3A_364 = arith.constant 3 : i32
      %dma_wait3A_365 = arith.constant 0 : i32
      %dma_wait3A_366 = arith.constant 0 : i32
      %dma_wait3A_367 = tpu.memref_slice %arg8[%dma_wait3A_362, %dma_wait3A_365, %dma_wait3A_366] : memref<5x128x64xf32, #tpu.memory_space<vmem>> -> memref<1x128x64xf32, #tpu.memory_space<vmem>>
      %dma_wait3A_368 = tpu.memref_squeeze %dma_wait3A_367 : memref<1x128x64xf32, #tpu.memory_space<vmem>> -> memref<128x64xf32, #tpu.memory_space<vmem>>
      %dma_wait3A_369 = arith.constant 0 : i32
      %dma_wait3A_370 = tpu.memref_slice %arg7[%dma_wait3A_363, %dma_wait3A_369] : memref<160x128xi32, #tpu.memory_space<vmem>> -> memref<1x128xi32, #tpu.memory_space<vmem>>
      %dma_wait3A_371 = tpu.memref_squeeze %dma_wait3A_370 : memref<1x128xi32, #tpu.memory_space<vmem>> -> memref<128xi32, #tpu.memory_space<vmem>>
      %dma_wait3A_372 = arith.constant 0 : i32
      %dma_wait3A_373 = arith.constant 0 : i32
      %dma_wait3A_374 = tpu.memref_slice %arg11[%dma_wait3A_372, %dma_wait3A_373] : memref<10112x64xf32, #tpu.memory_space<vmem_shared>> -> memref<10112x64xf32, #tpu.memory_space<vmem_shared>>
      %dma_wait3A_375 = tpu.memref_slice %arg10[%dma_wait3A_364] : memref<5x!tpu.dma_semaphore, #tpu.memory_space<semaphore_mem>> -> memref<1x!tpu.dma_semaphore, #tpu.memory_space<semaphore_mem>>
      %dma_wait3A_376 = tpu.memref_squeeze %dma_wait3A_375 : memref<1x!tpu.dma_semaphore, #tpu.memory_space<semaphore_mem>> -> memref<!tpu.dma_semaphore, #tpu.memory_space<semaphore_mem>>
      tpu.wait_indirect_dma semaphore(%dma_wait3A_376 : memref<!tpu.dma_semaphore, #tpu.memory_space<semaphore_mem>>) src(%dma_wait3A_368 : memref<128x64xf32, #tpu.memory_space<vmem>>) dst(%dma_wait3A_374 : memref<10112x64xf32, #tpu.memory_space<vmem_shared>>)
      %add3A_377 = arith.constant 5 : i32
      %add3A_378 = arith.addi %add3A_143, %add3A_377 : i32
      %lt3A_379 = arith.constant 160 : i32
      %lt3A_380 = arith.cmpi slt, %add3A_378, %lt3A_379 : i32
      %convert_element_type3A_381 = arith.extui %lt3A_380 : i1 to i32
      %cond3A_382 = arith.constant 0 : i32
      %cond3A_383 = arith.cmpi ne, %convert_element_type3A_381, %cond3A_382 : i32
      scf.if %cond3A_383 {
        %add3A_406 = arith.constant 5 : i32
        %add3A_407 = arith.addi %add3A_143, %add3A_406 : i32
        %add3A_408 = arith.constant 3 : i32
        %add3A_409 = arith.addi %add3A_407, %add3A_408 : i32
        %dma_start3A_410 = arith.constant 3 : i32
        %dma_start3A_411 = arith.constant 3 : i32
        %dma_start3A_412 = arith.constant 0 : i32
        %dma_start3A_413 = arith.constant 0 : i32
        %dma_start3A_414 = tpu.memref_slice %arg8[%dma_start3A_410, %dma_start3A_412, %dma_start3A_413] : memref<5x128x64xf32, #tpu.memory_space<vmem>> -> memref<1x128x64xf32, #tpu.memory_space<vmem>>
        %dma_start3A_415 = tpu.memref_squeeze %dma_start3A_414 : memref<1x128x64xf32, #tpu.memory_space<vmem>> -> memref<128x64xf32, #tpu.memory_space<vmem>>
        %dma_start3A_416 = arith.constant 0 : i32
        %dma_start3A_417 = tpu.memref_slice %arg6[%add3A_409, %dma_start3A_416] : memref<160x128xi32, #tpu.memory_space<vmem>> -> memref<1x128xi32, #tpu.memory_space<vmem>>
        %dma_start3A_418 = tpu.memref_squeeze %dma_start3A_417 : memref<1x128xi32, #tpu.memory_space<vmem>> -> memref<128xi32, #tpu.memory_space<vmem>>
        %dma_start3A_419 = arith.constant 0 : i32
        %dma_start3A_420 = arith.constant 0 : i32
        %dma_start3A_421 = tpu.memref_slice %arg2[%dma_start3A_419, %dma_start3A_420] : memref<20224x64xf32, #tpu.memory_space<hbm>> -> memref<20224x64xf32, #tpu.memory_space<hbm>>
        %dma_start3A_422 = tpu.memref_slice %arg9[%dma_start3A_411] : memref<5x!tpu.dma_semaphore, #tpu.memory_space<semaphore_mem>> -> memref<1x!tpu.dma_semaphore, #tpu.memory_space<semaphore_mem>>
        %dma_start3A_423 = tpu.memref_squeeze %dma_start3A_422 : memref<1x!tpu.dma_semaphore, #tpu.memory_space<semaphore_mem>> -> memref<!tpu.dma_semaphore, #tpu.memory_space<semaphore_mem>>
        tpu.enqueue_indirect_dma source(%dma_start3A_421 : memref<20224x64xf32, #tpu.memory_space<hbm>>) target(%dma_start3A_415 : memref<128x64xf32, #tpu.memory_space<vmem>>) offsets(%dma_start3A_418 : memref<128xi32, #tpu.memory_space<vmem>>) semaphore(%dma_start3A_423 : memref<!tpu.dma_semaphore, #tpu.memory_space<semaphore_mem>>)
      } else {
      }
      %dma_wait3A_384 = arith.constant 4 : i32
      %dma_wait3A_385 = arith.constant 0 : i32
      %dma_wait3A_386 = arith.constant 4 : i32
      %dma_wait3A_387 = arith.constant 0 : i32
      %dma_wait3A_388 = arith.constant 0 : i32
      %dma_wait3A_389 = tpu.memref_slice %arg8[%dma_wait3A_384, %dma_wait3A_387, %dma_wait3A_388] : memref<5x128x64xf32, #tpu.memory_space<vmem>> -> memref<1x128x64xf32, #tpu.memory_space<vmem>>
      %dma_wait3A_390 = tpu.memref_squeeze %dma_wait3A_389 : memref<1x128x64xf32, #tpu.memory_space<vmem>> -> memref<128x64xf32, #tpu.memory_space<vmem>>
      %dma_wait3A_391 = arith.constant 0 : i32
      %dma_wait3A_392 = tpu.memref_slice %arg7[%dma_wait3A_385, %dma_wait3A_391] : memref<160x128xi32, #tpu.memory_space<vmem>> -> memref<1x128xi32, #tpu.memory_space<vmem>>
      %dma_wait3A_393 = tpu.memref_squeeze %dma_wait3A_392 : memref<1x128xi32, #tpu.memory_space<vmem>> -> memref<128xi32, #tpu.memory_space<vmem>>
      %dma_wait3A_394 = arith.constant 0 : i32
      %dma_wait3A_395 = arith.constant 0 : i32
      %dma_wait3A_396 = tpu.memref_slice %arg11[%dma_wait3A_394, %dma_wait3A_395] : memref<10112x64xf32, #tpu.memory_space<vmem_shared>> -> memref<10112x64xf32, #tpu.memory_space<vmem_shared>>
      %dma_wait3A_397 = tpu.memref_slice %arg10[%dma_wait3A_386] : memref<5x!tpu.dma_semaphore, #tpu.memory_space<semaphore_mem>> -> memref<1x!tpu.dma_semaphore, #tpu.memory_space<semaphore_mem>>
      %dma_wait3A_398 = tpu.memref_squeeze %dma_wait3A_397 : memref<1x!tpu.dma_semaphore, #tpu.memory_space<semaphore_mem>> -> memref<!tpu.dma_semaphore, #tpu.memory_space<semaphore_mem>>
      tpu.wait_indirect_dma semaphore(%dma_wait3A_398 : memref<!tpu.dma_semaphore, #tpu.memory_space<semaphore_mem>>) src(%dma_wait3A_390 : memref<128x64xf32, #tpu.memory_space<vmem>>) dst(%dma_wait3A_396 : memref<10112x64xf32, #tpu.memory_space<vmem_shared>>)
      %add3A_399 = arith.constant 5 : i32
      %add3A_400 = arith.addi %add3A_143, %add3A_399 : i32
      %lt3A_401 = arith.constant 160 : i32
      %lt3A_402 = arith.cmpi slt, %add3A_400, %lt3A_401 : i32
      %convert_element_type3A_403 = arith.extui %lt3A_402 : i1 to i32
      %cond3A_404 = arith.constant 0 : i32
      %cond3A_405 = arith.cmpi ne, %convert_element_type3A_403, %cond3A_404 : i32
      scf.if %cond3A_405 {
        %add3A_406 = arith.constant 5 : i32
        %add3A_407 = arith.addi %add3A_143, %add3A_406 : i32
        %add3A_408 = arith.constant 4 : i32
        %add3A_409 = arith.addi %add3A_407, %add3A_408 : i32
        %dma_start3A_410 = arith.constant 4 : i32
        %dma_start3A_411 = arith.constant 4 : i32
        %dma_start3A_412 = arith.constant 0 : i32
        %dma_start3A_413 = arith.constant 0 : i32
        %dma_start3A_414 = tpu.memref_slice %arg8[%dma_start3A_410, %dma_start3A_412, %dma_start3A_413] : memref<5x128x64xf32, #tpu.memory_space<vmem>> -> memref<1x128x64xf32, #tpu.memory_space<vmem>>
        %dma_start3A_415 = tpu.memref_squeeze %dma_start3A_414 : memref<1x128x64xf32, #tpu.memory_space<vmem>> -> memref<128x64xf32, #tpu.memory_space<vmem>>
        %dma_start3A_416 = arith.constant 0 : i32
        %dma_start3A_417 = tpu.memref_slice %arg6[%add3A_409, %dma_start3A_416] : memref<160x128xi32, #tpu.memory_space<vmem>> -> memref<1x128xi32, #tpu.memory_space<vmem>>
        %dma_start3A_418 = tpu.memref_squeeze %dma_start3A_417 : memref<1x128xi32, #tpu.memory_space<vmem>> -> memref<128xi32, #tpu.memory_space<vmem>>
        %dma_start3A_419 = arith.constant 0 : i32
        %dma_start3A_420 = arith.constant 0 : i32
        %dma_start3A_421 = tpu.memref_slice %arg2[%dma_start3A_419, %dma_start3A_420] : memref<20224x64xf32, #tpu.memory_space<hbm>> -> memref<20224x64xf32, #tpu.memory_space<hbm>>
        %dma_start3A_422 = tpu.memref_slice %arg9[%dma_start3A_411] : memref<5x!tpu.dma_semaphore, #tpu.memory_space<semaphore_mem>> -> memref<1x!tpu.dma_semaphore, #tpu.memory_space<semaphore_mem>>
        %dma_start3A_423 = tpu.memref_squeeze %dma_start3A_422 : memref<1x!tpu.dma_semaphore, #tpu.memory_space<semaphore_mem>> -> memref<!tpu.dma_semaphore, #tpu.memory_space<semaphore_mem>>
        tpu.enqueue_indirect_dma source(%dma_start3A_421 : memref<20224x64xf32, #tpu.memory_space<hbm>>) target(%dma_start3A_415 : memref<128x64xf32, #tpu.memory_space<vmem>>) offsets(%dma_start3A_418 : memref<128xi32, #tpu.memory_space<vmem>>) semaphore(%dma_start3A_423 : memref<!tpu.dma_semaphore, #tpu.memory_space<semaphore_mem>>)
      } else {
      }
    }
    %scan3A_130 = arith.constant 32 : i32
    %barrier3A_131 = arith.constant 0 : index
    tpu.barrier barrier_id(%barrier3A_131)
    %mul3A_132 = arith.constant 632 : i32
    %mul3A_133 = arith.muli %arg1, %mul3A_132 : i32
    %mul3A_134 = arith.constant 10112 : i32
    %mul3A_135 = arith.muli %arg0, %mul3A_134 : i32
    %mul3A_136 = arith.constant 632 : i32
    %mul3A_137 = arith.muli %arg1, %mul3A_136 : i32
    %add3A_138 = arith.addi %mul3A_135, %mul3A_137 : i32
    "tpu.region"() ({
      %run_scoped3A = tpu.sem_alloc : memref<!tpu.dma_semaphore, #tpu.memory_space<semaphore_mem>>
      %dma_start3A_139 = arith.constant 0 : i32
      %dma_start3A_140 = tpu.memref_slice %arg5[%add3A_138, %dma_start3A_139] : memref<20224x64xf32, #tpu.memory_space<hbm>> -> memref<632x64xf32, #tpu.memory_space<hbm>>
      %dma_start3A_141 = arith.constant 0 : i32
      %dma_start3A_142 = tpu.memref_slice %arg11[%mul3A_133, %dma_start3A_141] : memref<10112x64xf32, #tpu.memory_space<vmem_shared>> -> memref<632x64xf32, #tpu.memory_space<vmem_shared>>
      tpu.enqueue_dma source(%dma_start3A_142 : memref<632x64xf32, #tpu.memory_space<vmem_shared>>) target(%dma_start3A_140 : memref<632x64xf32, #tpu.memory_space<hbm>>) target_semaphore(%run_scoped3A : memref<!tpu.dma_semaphore, #tpu.memory_space<semaphore_mem>>)
      %dma_wait3A_143 = arith.constant 0 : i32
      %dma_wait3A_144 = tpu.memref_slice %arg5[%add3A_138, %dma_wait3A_143] : memref<20224x64xf32, #tpu.memory_space<hbm>> -> memref<632x64xf32, #tpu.memory_space<hbm>>
      %dma_wait3A_145 = arith.constant 0 : i32
      %dma_wait3A_146 = tpu.memref_slice %arg11[%mul3A_133, %dma_wait3A_145] : memref<10112x64xf32, #tpu.memory_space<vmem_shared>> -> memref<632x64xf32, #tpu.memory_space<vmem_shared>>
      tpu.wait_dma2 semaphore(%run_scoped3A : memref<!tpu.dma_semaphore, #tpu.memory_space<semaphore_mem>>) src(%dma_wait3A_146 : memref<632x64xf32, #tpu.memory_space<vmem_shared>>) dst(%dma_wait3A_144 : memref<632x64xf32, #tpu.memory_space<hbm>>)
      tpu.yield
    }) : () -> ()
    return
  }
}

#map = affine_map<(d0, d1) -> (0, 0)>
module attributes {stable_mosaic.version = 14 : i64} {
  func.func @agg_kernel(%arg0: i32, %arg1: i32, %arg2: memref<20224x64xf32, #tpu.memory_space<hbm>>, %arg3: memref<5120x128xi32, #tpu.memory_space<hbm>>, %arg4: memref<2560x128xi32, #tpu.memory_space<hbm>>, %arg5: memref<20224x64xf32, #tpu.memory_space<hbm>>, %arg6: memref<160x128xi32, #tpu.memory_space<vmem>>, %arg7: memref<160x128xi32, #tpu.memory_space<vmem>>, %arg8: memref<5x128x64xf32, #tpu.memory_space<vmem>>, %arg9: memref<5x!tpu.dma_semaphore, #tpu.memory_space<semaphore_mem>>, %arg10: memref<5x!tpu.dma_semaphore, #tpu.memory_space<semaphore_mem>>, %arg11: memref<10112x64xf32, #tpu.memory_space<vmem_shared>>) attributes {dimension_semantics = [#tpu.dimension_semantics<core_parallel>, #tpu.dimension_semantics<subcore_parallel>], iteration_bounds = array<i64: 2, 16>, scalar_prefetch = 0 : i64, scratch_operands = 6 : i64, tpu.core_type = #tpu.core_type<sc_vector_subcore>, window_params = [{transform_indices = #map}, {transform_indices = #map}, {transform_indices = #map}, {transform_indices = #map}]} {
    %mul3A = arith.constant 2560 : i32
    %mul3A_0 = arith.muli %arg0, %mul3A : i32
    %mul3A_1 = arith.constant 160 : i32
    %mul3A_2 = arith.muli %arg1, %mul3A_1 : i32
    %add3A = arith.addi %mul3A_0, %mul3A_2 : i32
    %dma_start3A = arith.constant 0 : i32
    %dma_start3A_3 = arith.constant 0 : i32
    %dma_start3A_4 = tpu.memref_slice %arg3[%add3A, %dma_start3A_3] : memref<5120x128xi32, #tpu.memory_space<hbm>> -> memref<160x128xi32, #tpu.memory_space<hbm>>
    %dma_start3A_5 = tpu.memref_slice %arg9[%dma_start3A] : memref<5x!tpu.dma_semaphore, #tpu.memory_space<semaphore_mem>> -> memref<1x!tpu.dma_semaphore, #tpu.memory_space<semaphore_mem>>
    %dma_start3A_6 = tpu.memref_squeeze %dma_start3A_5 : memref<1x!tpu.dma_semaphore, #tpu.memory_space<semaphore_mem>> -> memref<!tpu.dma_semaphore, #tpu.memory_space<semaphore_mem>>
    %dma_start3A_7 = arith.constant 0 : i32
    %dma_start3A_8 = tpu.memref_slice %arg3[%add3A, %dma_start3A_7] : memref<5120x128xi32, #tpu.memory_space<hbm>> -> memref<160x128xi32, #tpu.memory_space<hbm>>
    tpu.enqueue_dma source(%dma_start3A_8 : memref<160x128xi32, #tpu.memory_space<hbm>>) target(%arg6 : memref<160x128xi32, #tpu.memory_space<vmem>>) target_semaphore(%dma_start3A_6 : memref<!tpu.dma_semaphore, #tpu.memory_space<semaphore_mem>>)
    %mul3A_9 = arith.constant 160 : i32
    %mul3A_10 = arith.muli %arg1, %mul3A_9 : i32
    %dma_start3A_11 = arith.constant 1 : i32
    %dma_start3A_12 = arith.constant 0 : i32
    %dma_start3A_13 = tpu.memref_slice %arg4[%mul3A_10, %dma_start3A_12] : memref<2560x128xi32, #tpu.memory_space<hbm>> -> memref<160x128xi32, #tpu.memory_space<hbm>>
    %dma_start3A_14 = tpu.memref_slice %arg9[%dma_start3A_11] : memref<5x!tpu.dma_semaphore, #tpu.memory_space<semaphore_mem>> -> memref<1x!tpu.dma_semaphore, #tpu.memory_space<semaphore_mem>>
    %dma_start3A_15 = tpu.memref_squeeze %dma_start3A_14 : memref<1x!tpu.dma_semaphore, #tpu.memory_space<semaphore_mem>> -> memref<!tpu.dma_semaphore, #tpu.memory_space<semaphore_mem>>
    %dma_start3A_16 = arith.constant 0 : i32
    %dma_start3A_17 = tpu.memref_slice %arg4[%mul3A_10, %dma_start3A_16] : memref<2560x128xi32, #tpu.memory_space<hbm>> -> memref<160x128xi32, #tpu.memory_space<hbm>>
    tpu.enqueue_dma source(%dma_start3A_17 : memref<160x128xi32, #tpu.memory_space<hbm>>) target(%arg7 : memref<160x128xi32, #tpu.memory_space<vmem>>) target_semaphore(%dma_start3A_15 : memref<!tpu.dma_semaphore, #tpu.memory_space<semaphore_mem>>)
    %mul3A_18 = arith.constant 10112 : i32
    %mul3A_19 = arith.muli %arg0, %mul3A_18 : i32
    %mul3A_20 = arith.constant 632 : i32
    %mul3A_21 = arith.muli %arg1, %mul3A_20 : i32
    %add3A_22 = arith.addi %mul3A_19, %mul3A_21 : i32
    %mul3A_23 = arith.constant 632 : i32
    %mul3A_24 = arith.muli %arg1, %mul3A_23 : i32
    %dma_start3A_25 = arith.constant 0 : i32
    %dma_start3A_26 = tpu.memref_slice %arg10[%dma_start3A_25] : memref<5x!tpu.dma_semaphore, #tpu.memory_space<semaphore_mem>> -> memref<1x!tpu.dma_semaphore, #tpu.memory_space<semaphore_mem>>
    %dma_start3A_27 = tpu.memref_squeeze %dma_start3A_26 : memref<1x!tpu.dma_semaphore, #tpu.memory_space<semaphore_mem>> -> memref<!tpu.dma_semaphore, #tpu.memory_space<semaphore_mem>>
    %dma_start3A_28 = arith.constant 0 : i32
    %dma_start3A_29 = tpu.memref_slice %arg11[%mul3A_24, %dma_start3A_28] : memref<10112x64xf32, #tpu.memory_space<vmem_shared>> -> memref<632x64xf32, #tpu.memory_space<vmem_shared>>
    %dma_start3A_30 = arith.constant 0 : i32
    %dma_start3A_31 = tpu.memref_slice %arg2[%add3A_22, %dma_start3A_30] : memref<20224x64xf32, #tpu.memory_space<hbm>> -> memref<632x64xf32, #tpu.memory_space<hbm>>
    tpu.enqueue_dma source(%dma_start3A_31 : memref<632x64xf32, #tpu.memory_space<hbm>>) target(%dma_start3A_29 : memref<632x64xf32, #tpu.memory_space<vmem_shared>>) target_semaphore(%dma_start3A_27 : memref<!tpu.dma_semaphore, #tpu.memory_space<semaphore_mem>>)
    %dma_wait3A = arith.constant 0 : i32
    %dma_wait3A_32 = arith.constant 0 : i32
    %dma_wait3A_33 = tpu.memref_slice %arg3[%add3A, %dma_wait3A_32] : memref<5120x128xi32, #tpu.memory_space<hbm>> -> memref<160x128xi32, #tpu.memory_space<hbm>>
    %dma_wait3A_34 = tpu.memref_slice %arg9[%dma_wait3A] : memref<5x!tpu.dma_semaphore, #tpu.memory_space<semaphore_mem>> -> memref<1x!tpu.dma_semaphore, #tpu.memory_space<semaphore_mem>>
    %dma_wait3A_35 = tpu.memref_squeeze %dma_wait3A_34 : memref<1x!tpu.dma_semaphore, #tpu.memory_space<semaphore_mem>> -> memref<!tpu.dma_semaphore, #tpu.memory_space<semaphore_mem>>
    %dma_wait3A_36 = arith.constant 0 : i32
    %dma_wait3A_37 = tpu.memref_slice %arg3[%add3A, %dma_wait3A_36] : memref<5120x128xi32, #tpu.memory_space<hbm>> -> memref<160x128xi32, #tpu.memory_space<hbm>>
    tpu.wait_dma2 semaphore(%dma_wait3A_35 : memref<!tpu.dma_semaphore, #tpu.memory_space<semaphore_mem>>) src(%dma_wait3A_37 : memref<160x128xi32, #tpu.memory_space<hbm>>) dst(%arg6 : memref<160x128xi32, #tpu.memory_space<vmem>>)
    %dma_wait3A_38 = arith.constant 1 : i32
    %dma_wait3A_39 = arith.constant 0 : i32
    %dma_wait3A_40 = tpu.memref_slice %arg4[%mul3A_10, %dma_wait3A_39] : memref<2560x128xi32, #tpu.memory_space<hbm>> -> memref<160x128xi32, #tpu.memory_space<hbm>>
    %dma_wait3A_41 = tpu.memref_slice %arg9[%dma_wait3A_38] : memref<5x!tpu.dma_semaphore, #tpu.memory_space<semaphore_mem>> -> memref<1x!tpu.dma_semaphore, #tpu.memory_space<semaphore_mem>>
    %dma_wait3A_42 = tpu.memref_squeeze %dma_wait3A_41 : memref<1x!tpu.dma_semaphore, #tpu.memory_space<semaphore_mem>> -> memref<!tpu.dma_semaphore, #tpu.memory_space<semaphore_mem>>
    %dma_wait3A_43 = arith.constant 0 : i32
    %dma_wait3A_44 = tpu.memref_slice %arg4[%mul3A_10, %dma_wait3A_43] : memref<2560x128xi32, #tpu.memory_space<hbm>> -> memref<160x128xi32, #tpu.memory_space<hbm>>
    tpu.wait_dma2 semaphore(%dma_wait3A_42 : memref<!tpu.dma_semaphore, #tpu.memory_space<semaphore_mem>>) src(%dma_wait3A_44 : memref<160x128xi32, #tpu.memory_space<hbm>>) dst(%arg7 : memref<160x128xi32, #tpu.memory_space<vmem>>)
    %dma_wait3A_45 = arith.constant 0 : i32
    %dma_wait3A_46 = tpu.memref_slice %arg10[%dma_wait3A_45] : memref<5x!tpu.dma_semaphore, #tpu.memory_space<semaphore_mem>> -> memref<1x!tpu.dma_semaphore, #tpu.memory_space<semaphore_mem>>
    %dma_wait3A_47 = tpu.memref_squeeze %dma_wait3A_46 : memref<1x!tpu.dma_semaphore, #tpu.memory_space<semaphore_mem>> -> memref<!tpu.dma_semaphore, #tpu.memory_space<semaphore_mem>>
    %dma_wait3A_48 = arith.constant 0 : i32
    %dma_wait3A_49 = tpu.memref_slice %arg11[%mul3A_24, %dma_wait3A_48] : memref<10112x64xf32, #tpu.memory_space<vmem_shared>> -> memref<632x64xf32, #tpu.memory_space<vmem_shared>>
    %dma_wait3A_50 = arith.constant 0 : i32
    %dma_wait3A_51 = tpu.memref_slice %arg2[%add3A_22, %dma_wait3A_50] : memref<20224x64xf32, #tpu.memory_space<hbm>> -> memref<632x64xf32, #tpu.memory_space<hbm>>
    tpu.wait_dma2 semaphore(%dma_wait3A_47 : memref<!tpu.dma_semaphore, #tpu.memory_space<semaphore_mem>>) src(%dma_wait3A_51 : memref<632x64xf32, #tpu.memory_space<hbm>>) dst(%dma_wait3A_49 : memref<632x64xf32, #tpu.memory_space<vmem_shared>>)
    %barrier3A = arith.constant 0 : index
    tpu.barrier barrier_id(%barrier3A)
    %dma_start3A_52 = arith.constant 0 : i32
    %dma_start3A_53 = arith.constant 0 : i32
    %dma_start3A_54 = arith.constant 0 : i32
    %dma_start3A_55 = arith.constant 0 : i32
    %dma_start3A_56 = arith.constant 0 : i32
    %dma_start3A_57 = tpu.memref_slice %arg8[%dma_start3A_53, %dma_start3A_55, %dma_start3A_56] : memref<5x128x64xf32, #tpu.memory_space<vmem>> -> memref<1x128x64xf32, #tpu.memory_space<vmem>>
    %dma_start3A_58 = tpu.memref_squeeze %dma_start3A_57 : memref<1x128x64xf32, #tpu.memory_space<vmem>> -> memref<128x64xf32, #tpu.memory_space<vmem>>
    %dma_start3A_59 = arith.constant 0 : i32
    %dma_start3A_60 = tpu.memref_slice %arg6[%dma_start3A_52, %dma_start3A_59] : memref<160x128xi32, #tpu.memory_space<vmem>> -> memref<1x128xi32, #tpu.memory_space<vmem>>
    %dma_start3A_61 = tpu.memref_squeeze %dma_start3A_60 : memref<1x128xi32, #tpu.memory_space<vmem>> -> memref<128xi32, #tpu.memory_space<vmem>>
    %dma_start3A_62 = arith.constant 0 : i32
    %dma_start3A_63 = arith.constant 0 : i32
    %dma_start3A_64 = tpu.memref_slice %arg2[%dma_start3A_62, %dma_start3A_63] : memref<20224x64xf32, #tpu.memory_space<hbm>> -> memref<20224x64xf32, #tpu.memory_space<hbm>>
    %dma_start3A_65 = tpu.memref_slice %arg9[%dma_start3A_54] : memref<5x!tpu.dma_semaphore, #tpu.memory_space<semaphore_mem>> -> memref<1x!tpu.dma_semaphore, #tpu.memory_space<semaphore_mem>>
    %dma_start3A_66 = tpu.memref_squeeze %dma_start3A_65 : memref<1x!tpu.dma_semaphore, #tpu.memory_space<semaphore_mem>> -> memref<!tpu.dma_semaphore, #tpu.memory_space<semaphore_mem>>
    tpu.enqueue_indirect_dma source(%dma_start3A_64 : memref<20224x64xf32, #tpu.memory_space<hbm>>) target(%dma_start3A_58 : memref<128x64xf32, #tpu.memory_space<vmem>>) offsets(%dma_start3A_61 : memref<128xi32, #tpu.memory_space<vmem>>) semaphore(%dma_start3A_66 : memref<!tpu.dma_semaphore, #tpu.memory_space<semaphore_mem>>)
    %dma_start3A_67 = arith.constant 1 : i32
    %dma_start3A_68 = arith.constant 1 : i32
    %dma_start3A_69 = arith.constant 1 : i32
    %dma_start3A_70 = arith.constant 0 : i32
    %dma_start3A_71 = arith.constant 0 : i32
    %dma_start3A_72 = tpu.memref_slice %arg8[%dma_start3A_68, %dma_start3A_70, %dma_start3A_71] : memref<5x128x64xf32, #tpu.memory_space<vmem>> -> memref<1x128x64xf32, #tpu.memory_space<vmem>>
    %dma_start3A_73 = tpu.memref_squeeze %dma_start3A_72 : memref<1x128x64xf32, #tpu.memory_space<vmem>> -> memref<128x64xf32, #tpu.memory_space<vmem>>
    %dma_start3A_74 = arith.constant 0 : i32
    %dma_start3A_75 = tpu.memref_slice %arg6[%dma_start3A_67, %dma_start3A_74] : memref<160x128xi32, #tpu.memory_space<vmem>> -> memref<1x128xi32, #tpu.memory_space<vmem>>
    %dma_start3A_76 = tpu.memref_squeeze %dma_start3A_75 : memref<1x128xi32, #tpu.memory_space<vmem>> -> memref<128xi32, #tpu.memory_space<vmem>>
    %dma_start3A_77 = arith.constant 0 : i32
    %dma_start3A_78 = arith.constant 0 : i32
    %dma_start3A_79 = tpu.memref_slice %arg2[%dma_start3A_77, %dma_start3A_78] : memref<20224x64xf32, #tpu.memory_space<hbm>> -> memref<20224x64xf32, #tpu.memory_space<hbm>>
    %dma_start3A_80 = tpu.memref_slice %arg9[%dma_start3A_69] : memref<5x!tpu.dma_semaphore, #tpu.memory_space<semaphore_mem>> -> memref<1x!tpu.dma_semaphore, #tpu.memory_space<semaphore_mem>>
    %dma_start3A_81 = tpu.memref_squeeze %dma_start3A_80 : memref<1x!tpu.dma_semaphore, #tpu.memory_space<semaphore_mem>> -> memref<!tpu.dma_semaphore, #tpu.memory_space<semaphore_mem>>
    tpu.enqueue_indirect_dma source(%dma_start3A_79 : memref<20224x64xf32, #tpu.memory_space<hbm>>) target(%dma_start3A_73 : memref<128x64xf32, #tpu.memory_space<vmem>>) offsets(%dma_start3A_76 : memref<128xi32, #tpu.memory_space<vmem>>) semaphore(%dma_start3A_81 : memref<!tpu.dma_semaphore, #tpu.memory_space<semaphore_mem>>)
    %dma_start3A_82 = arith.constant 2 : i32
    %dma_start3A_83 = arith.constant 2 : i32
    %dma_start3A_84 = arith.constant 2 : i32
    %dma_start3A_85 = arith.constant 0 : i32
    %dma_start3A_86 = arith.constant 0 : i32
    %dma_start3A_87 = tpu.memref_slice %arg8[%dma_start3A_83, %dma_start3A_85, %dma_start3A_86] : memref<5x128x64xf32, #tpu.memory_space<vmem>> -> memref<1x128x64xf32, #tpu.memory_space<vmem>>
    %dma_start3A_88 = tpu.memref_squeeze %dma_start3A_87 : memref<1x128x64xf32, #tpu.memory_space<vmem>> -> memref<128x64xf32, #tpu.memory_space<vmem>>
    %dma_start3A_89 = arith.constant 0 : i32
    %dma_start3A_90 = tpu.memref_slice %arg6[%dma_start3A_82, %dma_start3A_89] : memref<160x128xi32, #tpu.memory_space<vmem>> -> memref<1x128xi32, #tpu.memory_space<vmem>>
    %dma_start3A_91 = tpu.memref_squeeze %dma_start3A_90 : memref<1x128xi32, #tpu.memory_space<vmem>> -> memref<128xi32, #tpu.memory_space<vmem>>
    %dma_start3A_92 = arith.constant 0 : i32
    %dma_start3A_93 = arith.constant 0 : i32
    %dma_start3A_94 = tpu.memref_slice %arg2[%dma_start3A_92, %dma_start3A_93] : memref<20224x64xf32, #tpu.memory_space<hbm>> -> memref<20224x64xf32, #tpu.memory_space<hbm>>
    %dma_start3A_95 = tpu.memref_slice %arg9[%dma_start3A_84] : memref<5x!tpu.dma_semaphore, #tpu.memory_space<semaphore_mem>> -> memref<1x!tpu.dma_semaphore, #tpu.memory_space<semaphore_mem>>
    %dma_start3A_96 = tpu.memref_squeeze %dma_start3A_95 : memref<1x!tpu.dma_semaphore, #tpu.memory_space<semaphore_mem>> -> memref<!tpu.dma_semaphore, #tpu.memory_space<semaphore_mem>>
    tpu.enqueue_indirect_dma source(%dma_start3A_94 : memref<20224x64xf32, #tpu.memory_space<hbm>>) target(%dma_start3A_88 : memref<128x64xf32, #tpu.memory_space<vmem>>) offsets(%dma_start3A_91 : memref<128xi32, #tpu.memory_space<vmem>>) semaphore(%dma_start3A_96 : memref<!tpu.dma_semaphore, #tpu.memory_space<semaphore_mem>>)
    %dma_start3A_97 = arith.constant 3 : i32
    %dma_start3A_98 = arith.constant 3 : i32
    %dma_start3A_99 = arith.constant 3 : i32
    %dma_start3A_100 = arith.constant 0 : i32
    %dma_start3A_101 = arith.constant 0 : i32
    %dma_start3A_102 = tpu.memref_slice %arg8[%dma_start3A_98, %dma_start3A_100, %dma_start3A_101] : memref<5x128x64xf32, #tpu.memory_space<vmem>> -> memref<1x128x64xf32, #tpu.memory_space<vmem>>
    %dma_start3A_103 = tpu.memref_squeeze %dma_start3A_102 : memref<1x128x64xf32, #tpu.memory_space<vmem>> -> memref<128x64xf32, #tpu.memory_space<vmem>>
    %dma_start3A_104 = arith.constant 0 : i32
    %dma_start3A_105 = tpu.memref_slice %arg6[%dma_start3A_97, %dma_start3A_104] : memref<160x128xi32, #tpu.memory_space<vmem>> -> memref<1x128xi32, #tpu.memory_space<vmem>>
    %dma_start3A_106 = tpu.memref_squeeze %dma_start3A_105 : memref<1x128xi32, #tpu.memory_space<vmem>> -> memref<128xi32, #tpu.memory_space<vmem>>
    %dma_start3A_107 = arith.constant 0 : i32
    %dma_start3A_108 = arith.constant 0 : i32
    %dma_start3A_109 = tpu.memref_slice %arg2[%dma_start3A_107, %dma_start3A_108] : memref<20224x64xf32, #tpu.memory_space<hbm>> -> memref<20224x64xf32, #tpu.memory_space<hbm>>
    %dma_start3A_110 = tpu.memref_slice %arg9[%dma_start3A_99] : memref<5x!tpu.dma_semaphore, #tpu.memory_space<semaphore_mem>> -> memref<1x!tpu.dma_semaphore, #tpu.memory_space<semaphore_mem>>
    %dma_start3A_111 = tpu.memref_squeeze %dma_start3A_110 : memref<1x!tpu.dma_semaphore, #tpu.memory_space<semaphore_mem>> -> memref<!tpu.dma_semaphore, #tpu.memory_space<semaphore_mem>>
    tpu.enqueue_indirect_dma source(%dma_start3A_109 : memref<20224x64xf32, #tpu.memory_space<hbm>>) target(%dma_start3A_103 : memref<128x64xf32, #tpu.memory_space<vmem>>) offsets(%dma_start3A_106 : memref<128xi32, #tpu.memory_space<vmem>>) semaphore(%dma_start3A_111 : memref<!tpu.dma_semaphore, #tpu.memory_space<semaphore_mem>>)
    %dma_start3A_112 = arith.constant 4 : i32
    %dma_start3A_113 = arith.constant 4 : i32
    %dma_start3A_114 = arith.constant 4 : i32
    %dma_start3A_115 = arith.constant 0 : i32
    %dma_start3A_116 = arith.constant 0 : i32
    %dma_start3A_117 = tpu.memref_slice %arg8[%dma_start3A_113, %dma_start3A_115, %dma_start3A_116] : memref<5x128x64xf32, #tpu.memory_space<vmem>> -> memref<1x128x64xf32, #tpu.memory_space<vmem>>
    %dma_start3A_118 = tpu.memref_squeeze %dma_start3A_117 : memref<1x128x64xf32, #tpu.memory_space<vmem>> -> memref<128x64xf32, #tpu.memory_space<vmem>>
    %dma_start3A_119 = arith.constant 0 : i32
    %dma_start3A_120 = tpu.memref_slice %arg6[%dma_start3A_112, %dma_start3A_119] : memref<160x128xi32, #tpu.memory_space<vmem>> -> memref<1x128xi32, #tpu.memory_space<vmem>>
    %dma_start3A_121 = tpu.memref_squeeze %dma_start3A_120 : memref<1x128xi32, #tpu.memory_space<vmem>> -> memref<128xi32, #tpu.memory_space<vmem>>
    %dma_start3A_122 = arith.constant 0 : i32
    %dma_start3A_123 = arith.constant 0 : i32
    %dma_start3A_124 = tpu.memref_slice %arg2[%dma_start3A_122, %dma_start3A_123] : memref<20224x64xf32, #tpu.memory_space<hbm>> -> memref<20224x64xf32, #tpu.memory_space<hbm>>
    %dma_start3A_125 = tpu.memref_slice %arg9[%dma_start3A_114] : memref<5x!tpu.dma_semaphore, #tpu.memory_space<semaphore_mem>> -> memref<1x!tpu.dma_semaphore, #tpu.memory_space<semaphore_mem>>
    %dma_start3A_126 = tpu.memref_squeeze %dma_start3A_125 : memref<1x!tpu.dma_semaphore, #tpu.memory_space<semaphore_mem>> -> memref<!tpu.dma_semaphore, #tpu.memory_space<semaphore_mem>>
    tpu.enqueue_indirect_dma source(%dma_start3A_124 : memref<20224x64xf32, #tpu.memory_space<hbm>>) target(%dma_start3A_118 : memref<128x64xf32, #tpu.memory_space<vmem>>) offsets(%dma_start3A_121 : memref<128xi32, #tpu.memory_space<vmem>>) semaphore(%dma_start3A_126 : memref<!tpu.dma_semaphore, #tpu.memory_space<semaphore_mem>>)
    %scan3A = arith.constant 0 : i32
    %scan3A_127 = arith.constant 32 : i32
    %scan3A_128 = arith.addi %scan3A, %scan3A_127 : i32
    %scan3A_129 = arith.constant 1 : i32
    scf.for %scan3A_139 = %scan3A to %scan3A_128 step %scan3A_129  : i32 {
      %mul3A_140 = arith.constant 5 : i32
      %mul3A_141 = arith.muli %scan3A_139, %mul3A_140 : i32
      %add3A_142 = arith.constant 0 : i32
      %add3A_143 = arith.addi %add3A_142, %mul3A_141 : i32
      %dma_wait3A_144 = arith.constant 0 : i32
      %dma_wait3A_145 = arith.constant 0 : i32
      %dma_wait3A_146 = arith.constant 0 : i32
      %dma_wait3A_147 = arith.constant 0 : i32
      %dma_wait3A_148 = arith.constant 0 : i32
      %dma_wait3A_149 = tpu.memref_slice %arg8[%dma_wait3A_145, %dma_wait3A_147, %dma_wait3A_148] : memref<5x128x64xf32, #tpu.memory_space<vmem>> -> memref<1x128x64xf32, #tpu.memory_space<vmem>>
      %dma_wait3A_150 = tpu.memref_squeeze %dma_wait3A_149 : memref<1x128x64xf32, #tpu.memory_space<vmem>> -> memref<128x64xf32, #tpu.memory_space<vmem>>
      %dma_wait3A_151 = arith.constant 0 : i32
      %dma_wait3A_152 = tpu.memref_slice %arg6[%dma_wait3A_144, %dma_wait3A_151] : memref<160x128xi32, #tpu.memory_space<vmem>> -> memref<1x128xi32, #tpu.memory_space<vmem>>
      %dma_wait3A_153 = tpu.memref_squeeze %dma_wait3A_152 : memref<1x128xi32, #tpu.memory_space<vmem>> -> memref<128xi32, #tpu.memory_space<vmem>>
      %dma_wait3A_154 = arith.constant 0 : i32
      %dma_wait3A_155 = arith.constant 0 : i32
      %dma_wait3A_156 = tpu.memref_slice %arg2[%dma_wait3A_154, %dma_wait3A_155] : memref<20224x64xf32, #tpu.memory_space<hbm>> -> memref<20224x64xf32, #tpu.memory_space<hbm>>
      %dma_wait3A_157 = tpu.memref_slice %arg9[%dma_wait3A_146] : memref<5x!tpu.dma_semaphore, #tpu.memory_space<semaphore_mem>> -> memref<1x!tpu.dma_semaphore, #tpu.memory_space<semaphore_mem>>
      %dma_wait3A_158 = tpu.memref_squeeze %dma_wait3A_157 : memref<1x!tpu.dma_semaphore, #tpu.memory_space<semaphore_mem>> -> memref<!tpu.dma_semaphore, #tpu.memory_space<semaphore_mem>>
      tpu.wait_indirect_dma semaphore(%dma_wait3A_158 : memref<!tpu.dma_semaphore, #tpu.memory_space<semaphore_mem>>) src(%dma_wait3A_156 : memref<20224x64xf32, #tpu.memory_space<hbm>>) dst(%dma_wait3A_150 : memref<128x64xf32, #tpu.memory_space<vmem>>)
      %add3A_159 = arith.constant 0 : i32
      %add3A_160 = arith.addi %add3A_143, %add3A_159 : i32
      %dma_start3A_161 = arith.constant 0 : i32
      %dma_start3A_162 = arith.constant 0 : i32
      %dma_start3A_163 = arith.constant 0 : i32
      %dma_start3A_164 = arith.constant 0 : i32
      %dma_start3A_165 = tpu.memref_slice %arg8[%dma_start3A_161, %dma_start3A_163, %dma_start3A_164] : memref<5x128x64xf32, #tpu.memory_space<vmem>> -> memref<1x128x64xf32, #tpu.memory_space<vmem>>
      %dma_start3A_166 = tpu.memref_squeeze %dma_start3A_165 : memref<1x128x64xf32, #tpu.memory_space<vmem>> -> memref<128x64xf32, #tpu.memory_space<vmem>>
      %dma_start3A_167 = arith.constant 0 : i32
      %dma_start3A_168 = tpu.memref_slice %arg7[%add3A_160, %dma_start3A_167] : memref<160x128xi32, #tpu.memory_space<vmem>> -> memref<1x128xi32, #tpu.memory_space<vmem>>
      %dma_start3A_169 = tpu.memref_squeeze %dma_start3A_168 : memref<1x128xi32, #tpu.memory_space<vmem>> -> memref<128xi32, #tpu.memory_space<vmem>>
      %dma_start3A_170 = arith.constant 0 : i32
      %dma_start3A_171 = arith.constant 0 : i32
      %dma_start3A_172 = tpu.memref_slice %arg11[%dma_start3A_170, %dma_start3A_171] : memref<10112x64xf32, #tpu.memory_space<vmem_shared>> -> memref<10112x64xf32, #tpu.memory_space<vmem_shared>>
      %dma_start3A_173 = tpu.memref_slice %arg10[%dma_start3A_162] : memref<5x!tpu.dma_semaphore, #tpu.memory_space<semaphore_mem>> -> memref<1x!tpu.dma_semaphore, #tpu.memory_space<semaphore_mem>>
      %dma_start3A_174 = tpu.memref_squeeze %dma_start3A_173 : memref<1x!tpu.dma_semaphore, #tpu.memory_space<semaphore_mem>> -> memref<!tpu.dma_semaphore, #tpu.memory_space<semaphore_mem>>
      tpu.enqueue_indirect_dma source(%dma_start3A_166 : memref<128x64xf32, #tpu.memory_space<vmem>>) target(%dma_start3A_172 : memref<10112x64xf32, #tpu.memory_space<vmem_shared>>) offsets(%dma_start3A_169 : memref<128xi32, #tpu.memory_space<vmem>>) semaphore(%dma_start3A_174 : memref<!tpu.dma_semaphore, #tpu.memory_space<semaphore_mem>>) {add = true}
      %dma_wait3A_175 = arith.constant 0 : i32
      %dma_wait3A_176 = arith.constant 1 : i32
      %dma_wait3A_177 = arith.constant 1 : i32
      %dma_wait3A_178 = arith.constant 0 : i32
      %dma_wait3A_179 = arith.constant 0 : i32
      %dma_wait3A_180 = tpu.memref_slice %arg8[%dma_wait3A_176, %dma_wait3A_178, %dma_wait3A_179] : memref<5x128x64xf32, #tpu.memory_space<vmem>> -> memref<1x128x64xf32, #tpu.memory_space<vmem>>
      %dma_wait3A_181 = tpu.memref_squeeze %dma_wait3A_180 : memref<1x128x64xf32, #tpu.memory_space<vmem>> -> memref<128x64xf32, #tpu.memory_space<vmem>>
      %dma_wait3A_182 = arith.constant 0 : i32
      %dma_wait3A_183 = tpu.memref_slice %arg6[%dma_wait3A_175, %dma_wait3A_182] : memref<160x128xi32, #tpu.memory_space<vmem>> -> memref<1x128xi32, #tpu.memory_space<vmem>>
      %dma_wait3A_184 = tpu.memref_squeeze %dma_wait3A_183 : memref<1x128xi32, #tpu.memory_space<vmem>> -> memref<128xi32, #tpu.memory_space<vmem>>
      %dma_wait3A_185 = arith.constant 0 : i32
      %dma_wait3A_186 = arith.constant 0 : i32
      %dma_wait3A_187 = tpu.memref_slice %arg2[%dma_wait3A_185, %dma_wait3A_186] : memref<20224x64xf32, #tpu.memory_space<hbm>> -> memref<20224x64xf32, #tpu.memory_space<hbm>>
      %dma_wait3A_188 = tpu.memref_slice %arg9[%dma_wait3A_177] : memref<5x!tpu.dma_semaphore, #tpu.memory_space<semaphore_mem>> -> memref<1x!tpu.dma_semaphore, #tpu.memory_space<semaphore_mem>>
      %dma_wait3A_189 = tpu.memref_squeeze %dma_wait3A_188 : memref<1x!tpu.dma_semaphore, #tpu.memory_space<semaphore_mem>> -> memref<!tpu.dma_semaphore, #tpu.memory_space<semaphore_mem>>
      tpu.wait_indirect_dma semaphore(%dma_wait3A_189 : memref<!tpu.dma_semaphore, #tpu.memory_space<semaphore_mem>>) src(%dma_wait3A_187 : memref<20224x64xf32, #tpu.memory_space<hbm>>) dst(%dma_wait3A_181 : memref<128x64xf32, #tpu.memory_space<vmem>>)
      %add3A_190 = arith.constant 1 : i32
      %add3A_191 = arith.addi %add3A_143, %add3A_190 : i32
      %dma_start3A_192 = arith.constant 1 : i32
      %dma_start3A_193 = arith.constant 1 : i32
      %dma_start3A_194 = arith.constant 0 : i32
      %dma_start3A_195 = arith.constant 0 : i32
      %dma_start3A_196 = tpu.memref_slice %arg8[%dma_start3A_192, %dma_start3A_194, %dma_start3A_195] : memref<5x128x64xf32, #tpu.memory_space<vmem>> -> memref<1x128x64xf32, #tpu.memory_space<vmem>>
      %dma_start3A_197 = tpu.memref_squeeze %dma_start3A_196 : memref<1x128x64xf32, #tpu.memory_space<vmem>> -> memref<128x64xf32, #tpu.memory_space<vmem>>
      %dma_start3A_198 = arith.constant 0 : i32
      %dma_start3A_199 = tpu.memref_slice %arg7[%add3A_191, %dma_start3A_198] : memref<160x128xi32, #tpu.memory_space<vmem>> -> memref<1x128xi32, #tpu.memory_space<vmem>>
      %dma_start3A_200 = tpu.memref_squeeze %dma_start3A_199 : memref<1x128xi32, #tpu.memory_space<vmem>> -> memref<128xi32, #tpu.memory_space<vmem>>
      %dma_start3A_201 = arith.constant 0 : i32
      %dma_start3A_202 = arith.constant 0 : i32
      %dma_start3A_203 = tpu.memref_slice %arg11[%dma_start3A_201, %dma_start3A_202] : memref<10112x64xf32, #tpu.memory_space<vmem_shared>> -> memref<10112x64xf32, #tpu.memory_space<vmem_shared>>
      %dma_start3A_204 = tpu.memref_slice %arg10[%dma_start3A_193] : memref<5x!tpu.dma_semaphore, #tpu.memory_space<semaphore_mem>> -> memref<1x!tpu.dma_semaphore, #tpu.memory_space<semaphore_mem>>
      %dma_start3A_205 = tpu.memref_squeeze %dma_start3A_204 : memref<1x!tpu.dma_semaphore, #tpu.memory_space<semaphore_mem>> -> memref<!tpu.dma_semaphore, #tpu.memory_space<semaphore_mem>>
      tpu.enqueue_indirect_dma source(%dma_start3A_197 : memref<128x64xf32, #tpu.memory_space<vmem>>) target(%dma_start3A_203 : memref<10112x64xf32, #tpu.memory_space<vmem_shared>>) offsets(%dma_start3A_200 : memref<128xi32, #tpu.memory_space<vmem>>) semaphore(%dma_start3A_205 : memref<!tpu.dma_semaphore, #tpu.memory_space<semaphore_mem>>) {add = true}
      %dma_wait3A_206 = arith.constant 0 : i32
      %dma_wait3A_207 = arith.constant 2 : i32
      %dma_wait3A_208 = arith.constant 2 : i32
      %dma_wait3A_209 = arith.constant 0 : i32
      %dma_wait3A_210 = arith.constant 0 : i32
      %dma_wait3A_211 = tpu.memref_slice %arg8[%dma_wait3A_207, %dma_wait3A_209, %dma_wait3A_210] : memref<5x128x64xf32, #tpu.memory_space<vmem>> -> memref<1x128x64xf32, #tpu.memory_space<vmem>>
      %dma_wait3A_212 = tpu.memref_squeeze %dma_wait3A_211 : memref<1x128x64xf32, #tpu.memory_space<vmem>> -> memref<128x64xf32, #tpu.memory_space<vmem>>
      %dma_wait3A_213 = arith.constant 0 : i32
      %dma_wait3A_214 = tpu.memref_slice %arg6[%dma_wait3A_206, %dma_wait3A_213] : memref<160x128xi32, #tpu.memory_space<vmem>> -> memref<1x128xi32, #tpu.memory_space<vmem>>
      %dma_wait3A_215 = tpu.memref_squeeze %dma_wait3A_214 : memref<1x128xi32, #tpu.memory_space<vmem>> -> memref<128xi32, #tpu.memory_space<vmem>>
      %dma_wait3A_216 = arith.constant 0 : i32
      %dma_wait3A_217 = arith.constant 0 : i32
      %dma_wait3A_218 = tpu.memref_slice %arg2[%dma_wait3A_216, %dma_wait3A_217] : memref<20224x64xf32, #tpu.memory_space<hbm>> -> memref<20224x64xf32, #tpu.memory_space<hbm>>
      %dma_wait3A_219 = tpu.memref_slice %arg9[%dma_wait3A_208] : memref<5x!tpu.dma_semaphore, #tpu.memory_space<semaphore_mem>> -> memref<1x!tpu.dma_semaphore, #tpu.memory_space<semaphore_mem>>
      %dma_wait3A_220 = tpu.memref_squeeze %dma_wait3A_219 : memref<1x!tpu.dma_semaphore, #tpu.memory_space<semaphore_mem>> -> memref<!tpu.dma_semaphore, #tpu.memory_space<semaphore_mem>>
      tpu.wait_indirect_dma semaphore(%dma_wait3A_220 : memref<!tpu.dma_semaphore, #tpu.memory_space<semaphore_mem>>) src(%dma_wait3A_218 : memref<20224x64xf32, #tpu.memory_space<hbm>>) dst(%dma_wait3A_212 : memref<128x64xf32, #tpu.memory_space<vmem>>)
      %add3A_221 = arith.constant 2 : i32
      %add3A_222 = arith.addi %add3A_143, %add3A_221 : i32
      %dma_start3A_223 = arith.constant 2 : i32
      %dma_start3A_224 = arith.constant 2 : i32
      %dma_start3A_225 = arith.constant 0 : i32
      %dma_start3A_226 = arith.constant 0 : i32
      %dma_start3A_227 = tpu.memref_slice %arg8[%dma_start3A_223, %dma_start3A_225, %dma_start3A_226] : memref<5x128x64xf32, #tpu.memory_space<vmem>> -> memref<1x128x64xf32, #tpu.memory_space<vmem>>
      %dma_start3A_228 = tpu.memref_squeeze %dma_start3A_227 : memref<1x128x64xf32, #tpu.memory_space<vmem>> -> memref<128x64xf32, #tpu.memory_space<vmem>>
      %dma_start3A_229 = arith.constant 0 : i32
      %dma_start3A_230 = tpu.memref_slice %arg7[%add3A_222, %dma_start3A_229] : memref<160x128xi32, #tpu.memory_space<vmem>> -> memref<1x128xi32, #tpu.memory_space<vmem>>
      %dma_start3A_231 = tpu.memref_squeeze %dma_start3A_230 : memref<1x128xi32, #tpu.memory_space<vmem>> -> memref<128xi32, #tpu.memory_space<vmem>>
      %dma_start3A_232 = arith.constant 0 : i32
      %dma_start3A_233 = arith.constant 0 : i32
      %dma_start3A_234 = tpu.memref_slice %arg11[%dma_start3A_232, %dma_start3A_233] : memref<10112x64xf32, #tpu.memory_space<vmem_shared>> -> memref<10112x64xf32, #tpu.memory_space<vmem_shared>>
      %dma_start3A_235 = tpu.memref_slice %arg10[%dma_start3A_224] : memref<5x!tpu.dma_semaphore, #tpu.memory_space<semaphore_mem>> -> memref<1x!tpu.dma_semaphore, #tpu.memory_space<semaphore_mem>>
      %dma_start3A_236 = tpu.memref_squeeze %dma_start3A_235 : memref<1x!tpu.dma_semaphore, #tpu.memory_space<semaphore_mem>> -> memref<!tpu.dma_semaphore, #tpu.memory_space<semaphore_mem>>
      tpu.enqueue_indirect_dma source(%dma_start3A_228 : memref<128x64xf32, #tpu.memory_space<vmem>>) target(%dma_start3A_234 : memref<10112x64xf32, #tpu.memory_space<vmem_shared>>) offsets(%dma_start3A_231 : memref<128xi32, #tpu.memory_space<vmem>>) semaphore(%dma_start3A_236 : memref<!tpu.dma_semaphore, #tpu.memory_space<semaphore_mem>>) {add = true}
      %dma_wait3A_237 = arith.constant 0 : i32
      %dma_wait3A_238 = arith.constant 3 : i32
      %dma_wait3A_239 = arith.constant 3 : i32
      %dma_wait3A_240 = arith.constant 0 : i32
      %dma_wait3A_241 = arith.constant 0 : i32
      %dma_wait3A_242 = tpu.memref_slice %arg8[%dma_wait3A_238, %dma_wait3A_240, %dma_wait3A_241] : memref<5x128x64xf32, #tpu.memory_space<vmem>> -> memref<1x128x64xf32, #tpu.memory_space<vmem>>
      %dma_wait3A_243 = tpu.memref_squeeze %dma_wait3A_242 : memref<1x128x64xf32, #tpu.memory_space<vmem>> -> memref<128x64xf32, #tpu.memory_space<vmem>>
      %dma_wait3A_244 = arith.constant 0 : i32
      %dma_wait3A_245 = tpu.memref_slice %arg6[%dma_wait3A_237, %dma_wait3A_244] : memref<160x128xi32, #tpu.memory_space<vmem>> -> memref<1x128xi32, #tpu.memory_space<vmem>>
      %dma_wait3A_246 = tpu.memref_squeeze %dma_wait3A_245 : memref<1x128xi32, #tpu.memory_space<vmem>> -> memref<128xi32, #tpu.memory_space<vmem>>
      %dma_wait3A_247 = arith.constant 0 : i32
      %dma_wait3A_248 = arith.constant 0 : i32
      %dma_wait3A_249 = tpu.memref_slice %arg2[%dma_wait3A_247, %dma_wait3A_248] : memref<20224x64xf32, #tpu.memory_space<hbm>> -> memref<20224x64xf32, #tpu.memory_space<hbm>>
      %dma_wait3A_250 = tpu.memref_slice %arg9[%dma_wait3A_239] : memref<5x!tpu.dma_semaphore, #tpu.memory_space<semaphore_mem>> -> memref<1x!tpu.dma_semaphore, #tpu.memory_space<semaphore_mem>>
      %dma_wait3A_251 = tpu.memref_squeeze %dma_wait3A_250 : memref<1x!tpu.dma_semaphore, #tpu.memory_space<semaphore_mem>> -> memref<!tpu.dma_semaphore, #tpu.memory_space<semaphore_mem>>
      tpu.wait_indirect_dma semaphore(%dma_wait3A_251 : memref<!tpu.dma_semaphore, #tpu.memory_space<semaphore_mem>>) src(%dma_wait3A_249 : memref<20224x64xf32, #tpu.memory_space<hbm>>) dst(%dma_wait3A_243 : memref<128x64xf32, #tpu.memory_space<vmem>>)
      %add3A_252 = arith.constant 3 : i32
      %add3A_253 = arith.addi %add3A_143, %add3A_252 : i32
      %dma_start3A_254 = arith.constant 3 : i32
      %dma_start3A_255 = arith.constant 3 : i32
      %dma_start3A_256 = arith.constant 0 : i32
      %dma_start3A_257 = arith.constant 0 : i32
      %dma_start3A_258 = tpu.memref_slice %arg8[%dma_start3A_254, %dma_start3A_256, %dma_start3A_257] : memref<5x128x64xf32, #tpu.memory_space<vmem>> -> memref<1x128x64xf32, #tpu.memory_space<vmem>>
      %dma_start3A_259 = tpu.memref_squeeze %dma_start3A_258 : memref<1x128x64xf32, #tpu.memory_space<vmem>> -> memref<128x64xf32, #tpu.memory_space<vmem>>
      %dma_start3A_260 = arith.constant 0 : i32
      %dma_start3A_261 = tpu.memref_slice %arg7[%add3A_253, %dma_start3A_260] : memref<160x128xi32, #tpu.memory_space<vmem>> -> memref<1x128xi32, #tpu.memory_space<vmem>>
      %dma_start3A_262 = tpu.memref_squeeze %dma_start3A_261 : memref<1x128xi32, #tpu.memory_space<vmem>> -> memref<128xi32, #tpu.memory_space<vmem>>
      %dma_start3A_263 = arith.constant 0 : i32
      %dma_start3A_264 = arith.constant 0 : i32
      %dma_start3A_265 = tpu.memref_slice %arg11[%dma_start3A_263, %dma_start3A_264] : memref<10112x64xf32, #tpu.memory_space<vmem_shared>> -> memref<10112x64xf32, #tpu.memory_space<vmem_shared>>
      %dma_start3A_266 = tpu.memref_slice %arg10[%dma_start3A_255] : memref<5x!tpu.dma_semaphore, #tpu.memory_space<semaphore_mem>> -> memref<1x!tpu.dma_semaphore, #tpu.memory_space<semaphore_mem>>
      %dma_start3A_267 = tpu.memref_squeeze %dma_start3A_266 : memref<1x!tpu.dma_semaphore, #tpu.memory_space<semaphore_mem>> -> memref<!tpu.dma_semaphore, #tpu.memory_space<semaphore_mem>>
      tpu.enqueue_indirect_dma source(%dma_start3A_259 : memref<128x64xf32, #tpu.memory_space<vmem>>) target(%dma_start3A_265 : memref<10112x64xf32, #tpu.memory_space<vmem_shared>>) offsets(%dma_start3A_262 : memref<128xi32, #tpu.memory_space<vmem>>) semaphore(%dma_start3A_267 : memref<!tpu.dma_semaphore, #tpu.memory_space<semaphore_mem>>) {add = true}
      %dma_wait3A_268 = arith.constant 0 : i32
      %dma_wait3A_269 = arith.constant 4 : i32
      %dma_wait3A_270 = arith.constant 4 : i32
      %dma_wait3A_271 = arith.constant 0 : i32
      %dma_wait3A_272 = arith.constant 0 : i32
      %dma_wait3A_273 = tpu.memref_slice %arg8[%dma_wait3A_269, %dma_wait3A_271, %dma_wait3A_272] : memref<5x128x64xf32, #tpu.memory_space<vmem>> -> memref<1x128x64xf32, #tpu.memory_space<vmem>>
      %dma_wait3A_274 = tpu.memref_squeeze %dma_wait3A_273 : memref<1x128x64xf32, #tpu.memory_space<vmem>> -> memref<128x64xf32, #tpu.memory_space<vmem>>
      %dma_wait3A_275 = arith.constant 0 : i32
      %dma_wait3A_276 = tpu.memref_slice %arg6[%dma_wait3A_268, %dma_wait3A_275] : memref<160x128xi32, #tpu.memory_space<vmem>> -> memref<1x128xi32, #tpu.memory_space<vmem>>
      %dma_wait3A_277 = tpu.memref_squeeze %dma_wait3A_276 : memref<1x128xi32, #tpu.memory_space<vmem>> -> memref<128xi32, #tpu.memory_space<vmem>>
      %dma_wait3A_278 = arith.constant 0 : i32
      %dma_wait3A_279 = arith.constant 0 : i32
      %dma_wait3A_280 = tpu.memref_slice %arg2[%dma_wait3A_278, %dma_wait3A_279] : memref<20224x64xf32, #tpu.memory_space<hbm>> -> memref<20224x64xf32, #tpu.memory_space<hbm>>
      %dma_wait3A_281 = tpu.memref_slice %arg9[%dma_wait3A_270] : memref<5x!tpu.dma_semaphore, #tpu.memory_space<semaphore_mem>> -> memref<1x!tpu.dma_semaphore, #tpu.memory_space<semaphore_mem>>
      %dma_wait3A_282 = tpu.memref_squeeze %dma_wait3A_281 : memref<1x!tpu.dma_semaphore, #tpu.memory_space<semaphore_mem>> -> memref<!tpu.dma_semaphore, #tpu.memory_space<semaphore_mem>>
      tpu.wait_indirect_dma semaphore(%dma_wait3A_282 : memref<!tpu.dma_semaphore, #tpu.memory_space<semaphore_mem>>) src(%dma_wait3A_280 : memref<20224x64xf32, #tpu.memory_space<hbm>>) dst(%dma_wait3A_274 : memref<128x64xf32, #tpu.memory_space<vmem>>)
      %add3A_283 = arith.constant 4 : i32
      %add3A_284 = arith.addi %add3A_143, %add3A_283 : i32
      %dma_start3A_285 = arith.constant 4 : i32
      %dma_start3A_286 = arith.constant 4 : i32
      %dma_start3A_287 = arith.constant 0 : i32
      %dma_start3A_288 = arith.constant 0 : i32
      %dma_start3A_289 = tpu.memref_slice %arg8[%dma_start3A_285, %dma_start3A_287, %dma_start3A_288] : memref<5x128x64xf32, #tpu.memory_space<vmem>> -> memref<1x128x64xf32, #tpu.memory_space<vmem>>
      %dma_start3A_290 = tpu.memref_squeeze %dma_start3A_289 : memref<1x128x64xf32, #tpu.memory_space<vmem>> -> memref<128x64xf32, #tpu.memory_space<vmem>>
      %dma_start3A_291 = arith.constant 0 : i32
      %dma_start3A_292 = tpu.memref_slice %arg7[%add3A_284, %dma_start3A_291] : memref<160x128xi32, #tpu.memory_space<vmem>> -> memref<1x128xi32, #tpu.memory_space<vmem>>
      %dma_start3A_293 = tpu.memref_squeeze %dma_start3A_292 : memref<1x128xi32, #tpu.memory_space<vmem>> -> memref<128xi32, #tpu.memory_space<vmem>>
      %dma_start3A_294 = arith.constant 0 : i32
      %dma_start3A_295 = arith.constant 0 : i32
      %dma_start3A_296 = tpu.memref_slice %arg11[%dma_start3A_294, %dma_start3A_295] : memref<10112x64xf32, #tpu.memory_space<vmem_shared>> -> memref<10112x64xf32, #tpu.memory_space<vmem_shared>>
      %dma_start3A_297 = tpu.memref_slice %arg10[%dma_start3A_286] : memref<5x!tpu.dma_semaphore, #tpu.memory_space<semaphore_mem>> -> memref<1x!tpu.dma_semaphore, #tpu.memory_space<semaphore_mem>>
      %dma_start3A_298 = tpu.memref_squeeze %dma_start3A_297 : memref<1x!tpu.dma_semaphore, #tpu.memory_space<semaphore_mem>> -> memref<!tpu.dma_semaphore, #tpu.memory_space<semaphore_mem>>
      tpu.enqueue_indirect_dma source(%dma_start3A_290 : memref<128x64xf32, #tpu.memory_space<vmem>>) target(%dma_start3A_296 : memref<10112x64xf32, #tpu.memory_space<vmem_shared>>) offsets(%dma_start3A_293 : memref<128xi32, #tpu.memory_space<vmem>>) semaphore(%dma_start3A_298 : memref<!tpu.dma_semaphore, #tpu.memory_space<semaphore_mem>>) {add = true}
      %dma_wait3A_299 = arith.constant 0 : i32
      %dma_wait3A_300 = arith.constant 0 : i32
      %dma_wait3A_301 = arith.constant 0 : i32
      %dma_wait3A_302 = arith.constant 0 : i32
      %dma_wait3A_303 = arith.constant 0 : i32
      %dma_wait3A_304 = tpu.memref_slice %arg8[%dma_wait3A_299, %dma_wait3A_302, %dma_wait3A_303] : memref<5x128x64xf32, #tpu.memory_space<vmem>> -> memref<1x128x64xf32, #tpu.memory_space<vmem>>
      %dma_wait3A_305 = tpu.memref_squeeze %dma_wait3A_304 : memref<1x128x64xf32, #tpu.memory_space<vmem>> -> memref<128x64xf32, #tpu.memory_space<vmem>>
      %dma_wait3A_306 = arith.constant 0 : i32
      %dma_wait3A_307 = tpu.memref_slice %arg7[%dma_wait3A_300, %dma_wait3A_306] : memref<160x128xi32, #tpu.memory_space<vmem>> -> memref<1x128xi32, #tpu.memory_space<vmem>>
      %dma_wait3A_308 = tpu.memref_squeeze %dma_wait3A_307 : memref<1x128xi32, #tpu.memory_space<vmem>> -> memref<128xi32, #tpu.memory_space<vmem>>
      %dma_wait3A_309 = arith.constant 0 : i32
      %dma_wait3A_310 = arith.constant 0 : i32
      %dma_wait3A_311 = tpu.memref_slice %arg11[%dma_wait3A_309, %dma_wait3A_310] : memref<10112x64xf32, #tpu.memory_space<vmem_shared>> -> memref<10112x64xf32, #tpu.memory_space<vmem_shared>>
      %dma_wait3A_312 = tpu.memref_slice %arg10[%dma_wait3A_301] : memref<5x!tpu.dma_semaphore, #tpu.memory_space<semaphore_mem>> -> memref<1x!tpu.dma_semaphore, #tpu.memory_space<semaphore_mem>>
      %dma_wait3A_313 = tpu.memref_squeeze %dma_wait3A_312 : memref<1x!tpu.dma_semaphore, #tpu.memory_space<semaphore_mem>> -> memref<!tpu.dma_semaphore, #tpu.memory_space<semaphore_mem>>
      tpu.wait_indirect_dma semaphore(%dma_wait3A_313 : memref<!tpu.dma_semaphore, #tpu.memory_space<semaphore_mem>>) src(%dma_wait3A_305 : memref<128x64xf32, #tpu.memory_space<vmem>>) dst(%dma_wait3A_311 : memref<10112x64xf32, #tpu.memory_space<vmem_shared>>)
      %add3A_314 = arith.constant 5 : i32
      %add3A_315 = arith.addi %add3A_143, %add3A_314 : i32
      %lt3A = arith.constant 160 : i32
      %lt3A_316 = arith.cmpi slt, %add3A_315, %lt3A : i32
      %convert_element_type3A = arith.extui %lt3A_316 : i1 to i32
      %cond3A = arith.constant 0 : i32
      %cond3A_317 = arith.cmpi ne, %convert_element_type3A, %cond3A : i32
      scf.if %cond3A_317 {
        %add3A_406 = arith.constant 5 : i32
        %add3A_407 = arith.addi %add3A_143, %add3A_406 : i32
        %add3A_408 = arith.constant 0 : i32
        %add3A_409 = arith.addi %add3A_407, %add3A_408 : i32
        %dma_start3A_410 = arith.constant 0 : i32
        %dma_start3A_411 = arith.constant 0 : i32
        %dma_start3A_412 = arith.constant 0 : i32
        %dma_start3A_413 = arith.constant 0 : i32
        %dma_start3A_414 = tpu.memref_slice %arg8[%dma_start3A_410, %dma_start3A_412, %dma_start3A_413] : memref<5x128x64xf32, #tpu.memory_space<vmem>> -> memref<1x128x64xf32, #tpu.memory_space<vmem>>
        %dma_start3A_415 = tpu.memref_squeeze %dma_start3A_414 : memref<1x128x64xf32, #tpu.memory_space<vmem>> -> memref<128x64xf32, #tpu.memory_space<vmem>>
        %dma_start3A_416 = arith.constant 0 : i32
        %dma_start3A_417 = tpu.memref_slice %arg6[%add3A_409, %dma_start3A_416] : memref<160x128xi32, #tpu.memory_space<vmem>> -> memref<1x128xi32, #tpu.memory_space<vmem>>
        %dma_start3A_418 = tpu.memref_squeeze %dma_start3A_417 : memref<1x128xi32, #tpu.memory_space<vmem>> -> memref<128xi32, #tpu.memory_space<vmem>>
        %dma_start3A_419 = arith.constant 0 : i32
        %dma_start3A_420 = arith.constant 0 : i32
        %dma_start3A_421 = tpu.memref_slice %arg2[%dma_start3A_419, %dma_start3A_420] : memref<20224x64xf32, #tpu.memory_space<hbm>> -> memref<20224x64xf32, #tpu.memory_space<hbm>>
        %dma_start3A_422 = tpu.memref_slice %arg9[%dma_start3A_411] : memref<5x!tpu.dma_semaphore, #tpu.memory_space<semaphore_mem>> -> memref<1x!tpu.dma_semaphore, #tpu.memory_space<semaphore_mem>>
        %dma_start3A_423 = tpu.memref_squeeze %dma_start3A_422 : memref<1x!tpu.dma_semaphore, #tpu.memory_space<semaphore_mem>> -> memref<!tpu.dma_semaphore, #tpu.memory_space<semaphore_mem>>
        tpu.enqueue_indirect_dma source(%dma_start3A_421 : memref<20224x64xf32, #tpu.memory_space<hbm>>) target(%dma_start3A_415 : memref<128x64xf32, #tpu.memory_space<vmem>>) offsets(%dma_start3A_418 : memref<128xi32, #tpu.memory_space<vmem>>) semaphore(%dma_start3A_423 : memref<!tpu.dma_semaphore, #tpu.memory_space<semaphore_mem>>)
      } else {
      }
      %dma_wait3A_318 = arith.constant 1 : i32
      %dma_wait3A_319 = arith.constant 0 : i32
      %dma_wait3A_320 = arith.constant 1 : i32
      %dma_wait3A_321 = arith.constant 0 : i32
      %dma_wait3A_322 = arith.constant 0 : i32
      %dma_wait3A_323 = tpu.memref_slice %arg8[%dma_wait3A_318, %dma_wait3A_321, %dma_wait3A_322] : memref<5x128x64xf32, #tpu.memory_space<vmem>> -> memref<1x128x64xf32, #tpu.memory_space<vmem>>
      %dma_wait3A_324 = tpu.memref_squeeze %dma_wait3A_323 : memref<1x128x64xf32, #tpu.memory_space<vmem>> -> memref<128x64xf32, #tpu.memory_space<vmem>>
      %dma_wait3A_325 = arith.constant 0 : i32
      %dma_wait3A_326 = tpu.memref_slice %arg7[%dma_wait3A_319, %dma_wait3A_325] : memref<160x128xi32, #tpu.memory_space<vmem>> -> memref<1x128xi32, #tpu.memory_space<vmem>>
      %dma_wait3A_327 = tpu.memref_squeeze %dma_wait3A_326 : memref<1x128xi32, #tpu.memory_space<vmem>> -> memref<128xi32, #tpu.memory_space<vmem>>
      %dma_wait3A_328 = arith.constant 0 : i32
      %dma_wait3A_329 = arith.constant 0 : i32
      %dma_wait3A_330 = tpu.memref_slice %arg11[%dma_wait3A_328, %dma_wait3A_329] : memref<10112x64xf32, #tpu.memory_space<vmem_shared>> -> memref<10112x64xf32, #tpu.memory_space<vmem_shared>>
      %dma_wait3A_331 = tpu.memref_slice %arg10[%dma_wait3A_320] : memref<5x!tpu.dma_semaphore, #tpu.memory_space<semaphore_mem>> -> memref<1x!tpu.dma_semaphore, #tpu.memory_space<semaphore_mem>>
      %dma_wait3A_332 = tpu.memref_squeeze %dma_wait3A_331 : memref<1x!tpu.dma_semaphore, #tpu.memory_space<semaphore_mem>> -> memref<!tpu.dma_semaphore, #tpu.memory_space<semaphore_mem>>
      tpu.wait_indirect_dma semaphore(%dma_wait3A_332 : memref<!tpu.dma_semaphore, #tpu.memory_space<semaphore_mem>>) src(%dma_wait3A_324 : memref<128x64xf32, #tpu.memory_space<vmem>>) dst(%dma_wait3A_330 : memref<10112x64xf32, #tpu.memory_space<vmem_shared>>)
      %add3A_333 = arith.constant 5 : i32
      %add3A_334 = arith.addi %add3A_143, %add3A_333 : i32
      %lt3A_335 = arith.constant 160 : i32
      %lt3A_336 = arith.cmpi slt, %add3A_334, %lt3A_335 : i32
      %convert_element_type3A_337 = arith.extui %lt3A_336 : i1 to i32
      %cond3A_338 = arith.constant 0 : i32
      %cond3A_339 = arith.cmpi ne, %convert_element_type3A_337, %cond3A_338 : i32
      scf.if %cond3A_339 {
        %add3A_406 = arith.constant 5 : i32
        %add3A_407 = arith.addi %add3A_143, %add3A_406 : i32
        %add3A_408 = arith.constant 1 : i32
        %add3A_409 = arith.addi %add3A_407, %add3A_408 : i32
        %dma_start3A_410 = arith.constant 1 : i32
        %dma_start3A_411 = arith.constant 1 : i32
        %dma_start3A_412 = arith.constant 0 : i32
        %dma_start3A_413 = arith.constant 0 : i32
        %dma_start3A_414 = tpu.memref_slice %arg8[%dma_start3A_410, %dma_start3A_412, %dma_start3A_413] : memref<5x128x64xf32, #tpu.memory_space<vmem>> -> memref<1x128x64xf32, #tpu.memory_space<vmem>>
        %dma_start3A_415 = tpu.memref_squeeze %dma_start3A_414 : memref<1x128x64xf32, #tpu.memory_space<vmem>> -> memref<128x64xf32, #tpu.memory_space<vmem>>
        %dma_start3A_416 = arith.constant 0 : i32
        %dma_start3A_417 = tpu.memref_slice %arg6[%add3A_409, %dma_start3A_416] : memref<160x128xi32, #tpu.memory_space<vmem>> -> memref<1x128xi32, #tpu.memory_space<vmem>>
        %dma_start3A_418 = tpu.memref_squeeze %dma_start3A_417 : memref<1x128xi32, #tpu.memory_space<vmem>> -> memref<128xi32, #tpu.memory_space<vmem>>
        %dma_start3A_419 = arith.constant 0 : i32
        %dma_start3A_420 = arith.constant 0 : i32
        %dma_start3A_421 = tpu.memref_slice %arg2[%dma_start3A_419, %dma_start3A_420] : memref<20224x64xf32, #tpu.memory_space<hbm>> -> memref<20224x64xf32, #tpu.memory_space<hbm>>
        %dma_start3A_422 = tpu.memref_slice %arg9[%dma_start3A_411] : memref<5x!tpu.dma_semaphore, #tpu.memory_space<semaphore_mem>> -> memref<1x!tpu.dma_semaphore, #tpu.memory_space<semaphore_mem>>
        %dma_start3A_423 = tpu.memref_squeeze %dma_start3A_422 : memref<1x!tpu.dma_semaphore, #tpu.memory_space<semaphore_mem>> -> memref<!tpu.dma_semaphore, #tpu.memory_space<semaphore_mem>>
        tpu.enqueue_indirect_dma source(%dma_start3A_421 : memref<20224x64xf32, #tpu.memory_space<hbm>>) target(%dma_start3A_415 : memref<128x64xf32, #tpu.memory_space<vmem>>) offsets(%dma_start3A_418 : memref<128xi32, #tpu.memory_space<vmem>>) semaphore(%dma_start3A_423 : memref<!tpu.dma_semaphore, #tpu.memory_space<semaphore_mem>>)
      } else {
      }
      %dma_wait3A_340 = arith.constant 2 : i32
      %dma_wait3A_341 = arith.constant 0 : i32
      %dma_wait3A_342 = arith.constant 2 : i32
      %dma_wait3A_343 = arith.constant 0 : i32
      %dma_wait3A_344 = arith.constant 0 : i32
      %dma_wait3A_345 = tpu.memref_slice %arg8[%dma_wait3A_340, %dma_wait3A_343, %dma_wait3A_344] : memref<5x128x64xf32, #tpu.memory_space<vmem>> -> memref<1x128x64xf32, #tpu.memory_space<vmem>>
      %dma_wait3A_346 = tpu.memref_squeeze %dma_wait3A_345 : memref<1x128x64xf32, #tpu.memory_space<vmem>> -> memref<128x64xf32, #tpu.memory_space<vmem>>
      %dma_wait3A_347 = arith.constant 0 : i32
      %dma_wait3A_348 = tpu.memref_slice %arg7[%dma_wait3A_341, %dma_wait3A_347] : memref<160x128xi32, #tpu.memory_space<vmem>> -> memref<1x128xi32, #tpu.memory_space<vmem>>
      %dma_wait3A_349 = tpu.memref_squeeze %dma_wait3A_348 : memref<1x128xi32, #tpu.memory_space<vmem>> -> memref<128xi32, #tpu.memory_space<vmem>>
      %dma_wait3A_350 = arith.constant 0 : i32
      %dma_wait3A_351 = arith.constant 0 : i32
      %dma_wait3A_352 = tpu.memref_slice %arg11[%dma_wait3A_350, %dma_wait3A_351] : memref<10112x64xf32, #tpu.memory_space<vmem_shared>> -> memref<10112x64xf32, #tpu.memory_space<vmem_shared>>
      %dma_wait3A_353 = tpu.memref_slice %arg10[%dma_wait3A_342] : memref<5x!tpu.dma_semaphore, #tpu.memory_space<semaphore_mem>> -> memref<1x!tpu.dma_semaphore, #tpu.memory_space<semaphore_mem>>
      %dma_wait3A_354 = tpu.memref_squeeze %dma_wait3A_353 : memref<1x!tpu.dma_semaphore, #tpu.memory_space<semaphore_mem>> -> memref<!tpu.dma_semaphore, #tpu.memory_space<semaphore_mem>>
      tpu.wait_indirect_dma semaphore(%dma_wait3A_354 : memref<!tpu.dma_semaphore, #tpu.memory_space<semaphore_mem>>) src(%dma_wait3A_346 : memref<128x64xf32, #tpu.memory_space<vmem>>) dst(%dma_wait3A_352 : memref<10112x64xf32, #tpu.memory_space<vmem_shared>>)
      %add3A_355 = arith.constant 5 : i32
      %add3A_356 = arith.addi %add3A_143, %add3A_355 : i32
      %lt3A_357 = arith.constant 160 : i32
      %lt3A_358 = arith.cmpi slt, %add3A_356, %lt3A_357 : i32
      %convert_element_type3A_359 = arith.extui %lt3A_358 : i1 to i32
      %cond3A_360 = arith.constant 0 : i32
      %cond3A_361 = arith.cmpi ne, %convert_element_type3A_359, %cond3A_360 : i32
      scf.if %cond3A_361 {
        %add3A_406 = arith.constant 5 : i32
        %add3A_407 = arith.addi %add3A_143, %add3A_406 : i32
        %add3A_408 = arith.constant 2 : i32
        %add3A_409 = arith.addi %add3A_407, %add3A_408 : i32
        %dma_start3A_410 = arith.constant 2 : i32
        %dma_start3A_411 = arith.constant 2 : i32
        %dma_start3A_412 = arith.constant 0 : i32
        %dma_start3A_413 = arith.constant 0 : i32
        %dma_start3A_414 = tpu.memref_slice %arg8[%dma_start3A_410, %dma_start3A_412, %dma_start3A_413] : memref<5x128x64xf32, #tpu.memory_space<vmem>> -> memref<1x128x64xf32, #tpu.memory_space<vmem>>
        %dma_start3A_415 = tpu.memref_squeeze %dma_start3A_414 : memref<1x128x64xf32, #tpu.memory_space<vmem>> -> memref<128x64xf32, #tpu.memory_space<vmem>>
        %dma_start3A_416 = arith.constant 0 : i32
        %dma_start3A_417 = tpu.memref_slice %arg6[%add3A_409, %dma_start3A_416] : memref<160x128xi32, #tpu.memory_space<vmem>> -> memref<1x128xi32, #tpu.memory_space<vmem>>
        %dma_start3A_418 = tpu.memref_squeeze %dma_start3A_417 : memref<1x128xi32, #tpu.memory_space<vmem>> -> memref<128xi32, #tpu.memory_space<vmem>>
        %dma_start3A_419 = arith.constant 0 : i32
        %dma_start3A_420 = arith.constant 0 : i32
        %dma_start3A_421 = tpu.memref_slice %arg2[%dma_start3A_419, %dma_start3A_420] : memref<20224x64xf32, #tpu.memory_space<hbm>> -> memref<20224x64xf32, #tpu.memory_space<hbm>>
        %dma_start3A_422 = tpu.memref_slice %arg9[%dma_start3A_411] : memref<5x!tpu.dma_semaphore, #tpu.memory_space<semaphore_mem>> -> memref<1x!tpu.dma_semaphore, #tpu.memory_space<semaphore_mem>>
        %dma_start3A_423 = tpu.memref_squeeze %dma_start3A_422 : memref<1x!tpu.dma_semaphore, #tpu.memory_space<semaphore_mem>> -> memref<!tpu.dma_semaphore, #tpu.memory_space<semaphore_mem>>
        tpu.enqueue_indirect_dma source(%dma_start3A_421 : memref<20224x64xf32, #tpu.memory_space<hbm>>) target(%dma_start3A_415 : memref<128x64xf32, #tpu.memory_space<vmem>>) offsets(%dma_start3A_418 : memref<128xi32, #tpu.memory_space<vmem>>) semaphore(%dma_start3A_423 : memref<!tpu.dma_semaphore, #tpu.memory_space<semaphore_mem>>)
      } else {
      }
      %dma_wait3A_362 = arith.constant 3 : i32
      %dma_wait3A_363 = arith.constant 0 : i32
      %dma_wait3A_364 = arith.constant 3 : i32
      %dma_wait3A_365 = arith.constant 0 : i32
      %dma_wait3A_366 = arith.constant 0 : i32
      %dma_wait3A_367 = tpu.memref_slice %arg8[%dma_wait3A_362, %dma_wait3A_365, %dma_wait3A_366] : memref<5x128x64xf32, #tpu.memory_space<vmem>> -> memref<1x128x64xf32, #tpu.memory_space<vmem>>
      %dma_wait3A_368 = tpu.memref_squeeze %dma_wait3A_367 : memref<1x128x64xf32, #tpu.memory_space<vmem>> -> memref<128x64xf32, #tpu.memory_space<vmem>>
      %dma_wait3A_369 = arith.constant 0 : i32
      %dma_wait3A_370 = tpu.memref_slice %arg7[%dma_wait3A_363, %dma_wait3A_369] : memref<160x128xi32, #tpu.memory_space<vmem>> -> memref<1x128xi32, #tpu.memory_space<vmem>>
      %dma_wait3A_371 = tpu.memref_squeeze %dma_wait3A_370 : memref<1x128xi32, #tpu.memory_space<vmem>> -> memref<128xi32, #tpu.memory_space<vmem>>
      %dma_wait3A_372 = arith.constant 0 : i32
      %dma_wait3A_373 = arith.constant 0 : i32
      %dma_wait3A_374 = tpu.memref_slice %arg11[%dma_wait3A_372, %dma_wait3A_373] : memref<10112x64xf32, #tpu.memory_space<vmem_shared>> -> memref<10112x64xf32, #tpu.memory_space<vmem_shared>>
      %dma_wait3A_375 = tpu.memref_slice %arg10[%dma_wait3A_364] : memref<5x!tpu.dma_semaphore, #tpu.memory_space<semaphore_mem>> -> memref<1x!tpu.dma_semaphore, #tpu.memory_space<semaphore_mem>>
      %dma_wait3A_376 = tpu.memref_squeeze %dma_wait3A_375 : memref<1x!tpu.dma_semaphore, #tpu.memory_space<semaphore_mem>> -> memref<!tpu.dma_semaphore, #tpu.memory_space<semaphore_mem>>
      tpu.wait_indirect_dma semaphore(%dma_wait3A_376 : memref<!tpu.dma_semaphore, #tpu.memory_space<semaphore_mem>>) src(%dma_wait3A_368 : memref<128x64xf32, #tpu.memory_space<vmem>>) dst(%dma_wait3A_374 : memref<10112x64xf32, #tpu.memory_space<vmem_shared>>)
      %add3A_377 = arith.constant 5 : i32
      %add3A_378 = arith.addi %add3A_143, %add3A_377 : i32
      %lt3A_379 = arith.constant 160 : i32
      %lt3A_380 = arith.cmpi slt, %add3A_378, %lt3A_379 : i32
      %convert_element_type3A_381 = arith.extui %lt3A_380 : i1 to i32
      %cond3A_382 = arith.constant 0 : i32
      %cond3A_383 = arith.cmpi ne, %convert_element_type3A_381, %cond3A_382 : i32
      scf.if %cond3A_383 {
        %add3A_406 = arith.constant 5 : i32
        %add3A_407 = arith.addi %add3A_143, %add3A_406 : i32
        %add3A_408 = arith.constant 3 : i32
        %add3A_409 = arith.addi %add3A_407, %add3A_408 : i32
        %dma_start3A_410 = arith.constant 3 : i32
        %dma_start3A_411 = arith.constant 3 : i32
        %dma_start3A_412 = arith.constant 0 : i32
        %dma_start3A_413 = arith.constant 0 : i32
        %dma_start3A_414 = tpu.memref_slice %arg8[%dma_start3A_410, %dma_start3A_412, %dma_start3A_413] : memref<5x128x64xf32, #tpu.memory_space<vmem>> -> memref<1x128x64xf32, #tpu.memory_space<vmem>>
        %dma_start3A_415 = tpu.memref_squeeze %dma_start3A_414 : memref<1x128x64xf32, #tpu.memory_space<vmem>> -> memref<128x64xf32, #tpu.memory_space<vmem>>
        %dma_start3A_416 = arith.constant 0 : i32
        %dma_start3A_417 = tpu.memref_slice %arg6[%add3A_409, %dma_start3A_416] : memref<160x128xi32, #tpu.memory_space<vmem>> -> memref<1x128xi32, #tpu.memory_space<vmem>>
        %dma_start3A_418 = tpu.memref_squeeze %dma_start3A_417 : memref<1x128xi32, #tpu.memory_space<vmem>> -> memref<128xi32, #tpu.memory_space<vmem>>
        %dma_start3A_419 = arith.constant 0 : i32
        %dma_start3A_420 = arith.constant 0 : i32
        %dma_start3A_421 = tpu.memref_slice %arg2[%dma_start3A_419, %dma_start3A_420] : memref<20224x64xf32, #tpu.memory_space<hbm>> -> memref<20224x64xf32, #tpu.memory_space<hbm>>
        %dma_start3A_422 = tpu.memref_slice %arg9[%dma_start3A_411] : memref<5x!tpu.dma_semaphore, #tpu.memory_space<semaphore_mem>> -> memref<1x!tpu.dma_semaphore, #tpu.memory_space<semaphore_mem>>
        %dma_start3A_423 = tpu.memref_squeeze %dma_start3A_422 : memref<1x!tpu.dma_semaphore, #tpu.memory_space<semaphore_mem>> -> memref<!tpu.dma_semaphore, #tpu.memory_space<semaphore_mem>>
        tpu.enqueue_indirect_dma source(%dma_start3A_421 : memref<20224x64xf32, #tpu.memory_space<hbm>>) target(%dma_start3A_415 : memref<128x64xf32, #tpu.memory_space<vmem>>) offsets(%dma_start3A_418 : memref<128xi32, #tpu.memory_space<vmem>>) semaphore(%dma_start3A_423 : memref<!tpu.dma_semaphore, #tpu.memory_space<semaphore_mem>>)
      } else {
      }
      %dma_wait3A_384 = arith.constant 4 : i32
      %dma_wait3A_385 = arith.constant 0 : i32
      %dma_wait3A_386 = arith.constant 4 : i32
      %dma_wait3A_387 = arith.constant 0 : i32
      %dma_wait3A_388 = arith.constant 0 : i32
      %dma_wait3A_389 = tpu.memref_slice %arg8[%dma_wait3A_384, %dma_wait3A_387, %dma_wait3A_388] : memref<5x128x64xf32, #tpu.memory_space<vmem>> -> memref<1x128x64xf32, #tpu.memory_space<vmem>>
      %dma_wait3A_390 = tpu.memref_squeeze %dma_wait3A_389 : memref<1x128x64xf32, #tpu.memory_space<vmem>> -> memref<128x64xf32, #tpu.memory_space<vmem>>
      %dma_wait3A_391 = arith.constant 0 : i32
      %dma_wait3A_392 = tpu.memref_slice %arg7[%dma_wait3A_385, %dma_wait3A_391] : memref<160x128xi32, #tpu.memory_space<vmem>> -> memref<1x128xi32, #tpu.memory_space<vmem>>
      %dma_wait3A_393 = tpu.memref_squeeze %dma_wait3A_392 : memref<1x128xi32, #tpu.memory_space<vmem>> -> memref<128xi32, #tpu.memory_space<vmem>>
      %dma_wait3A_394 = arith.constant 0 : i32
      %dma_wait3A_395 = arith.constant 0 : i32
      %dma_wait3A_396 = tpu.memref_slice %arg11[%dma_wait3A_394, %dma_wait3A_395] : memref<10112x64xf32, #tpu.memory_space<vmem_shared>> -> memref<10112x64xf32, #tpu.memory_space<vmem_shared>>
      %dma_wait3A_397 = tpu.memref_slice %arg10[%dma_wait3A_386] : memref<5x!tpu.dma_semaphore, #tpu.memory_space<semaphore_mem>> -> memref<1x!tpu.dma_semaphore, #tpu.memory_space<semaphore_mem>>
      %dma_wait3A_398 = tpu.memref_squeeze %dma_wait3A_397 : memref<1x!tpu.dma_semaphore, #tpu.memory_space<semaphore_mem>> -> memref<!tpu.dma_semaphore, #tpu.memory_space<semaphore_mem>>
      tpu.wait_indirect_dma semaphore(%dma_wait3A_398 : memref<!tpu.dma_semaphore, #tpu.memory_space<semaphore_mem>>) src(%dma_wait3A_390 : memref<128x64xf32, #tpu.memory_space<vmem>>) dst(%dma_wait3A_396 : memref<10112x64xf32, #tpu.memory_space<vmem_shared>>)
      %add3A_399 = arith.constant 5 : i32
      %add3A_400 = arith.addi %add3A_143, %add3A_399 : i32
      %lt3A_401 = arith.constant 160 : i32
      %lt3A_402 = arith.cmpi slt, %add3A_400, %lt3A_401 : i32
      %convert_element_type3A_403 = arith.extui %lt3A_402 : i1 to i32
      %cond3A_404 = arith.constant 0 : i32
      %cond3A_405 = arith.cmpi ne, %convert_element_type3A_403, %cond3A_404 : i32
      scf.if %cond3A_405 {
        %add3A_406 = arith.constant 5 : i32
        %add3A_407 = arith.addi %add3A_143, %add3A_406 : i32
        %add3A_408 = arith.constant 4 : i32
        %add3A_409 = arith.addi %add3A_407, %add3A_408 : i32
        %dma_start3A_410 = arith.constant 4 : i32
        %dma_start3A_411 = arith.constant 4 : i32
        %dma_start3A_412 = arith.constant 0 : i32
        %dma_start3A_413 = arith.constant 0 : i32
        %dma_start3A_414 = tpu.memref_slice %arg8[%dma_start3A_410, %dma_start3A_412, %dma_start3A_413] : memref<5x128x64xf32, #tpu.memory_space<vmem>> -> memref<1x128x64xf32, #tpu.memory_space<vmem>>
        %dma_start3A_415 = tpu.memref_squeeze %dma_start3A_414 : memref<1x128x64xf32, #tpu.memory_space<vmem>> -> memref<128x64xf32, #tpu.memory_space<vmem>>
        %dma_start3A_416 = arith.constant 0 : i32
        %dma_start3A_417 = tpu.memref_slice %arg6[%add3A_409, %dma_start3A_416] : memref<160x128xi32, #tpu.memory_space<vmem>> -> memref<1x128xi32, #tpu.memory_space<vmem>>
        %dma_start3A_418 = tpu.memref_squeeze %dma_start3A_417 : memref<1x128xi32, #tpu.memory_space<vmem>> -> memref<128xi32, #tpu.memory_space<vmem>>
        %dma_start3A_419 = arith.constant 0 : i32
        %dma_start3A_420 = arith.constant 0 : i32
        %dma_start3A_421 = tpu.memref_slice %arg2[%dma_start3A_419, %dma_start3A_420] : memref<20224x64xf32, #tpu.memory_space<hbm>> -> memref<20224x64xf32, #tpu.memory_space<hbm>>
        %dma_start3A_422 = tpu.memref_slice %arg9[%dma_start3A_411] : memref<5x!tpu.dma_semaphore, #tpu.memory_space<semaphore_mem>> -> memref<1x!tpu.dma_semaphore, #tpu.memory_space<semaphore_mem>>
        %dma_start3A_423 = tpu.memref_squeeze %dma_start3A_422 : memref<1x!tpu.dma_semaphore, #tpu.memory_space<semaphore_mem>> -> memref<!tpu.dma_semaphore, #tpu.memory_space<semaphore_mem>>
        tpu.enqueue_indirect_dma source(%dma_start3A_421 : memref<20224x64xf32, #tpu.memory_space<hbm>>) target(%dma_start3A_415 : memref<128x64xf32, #tpu.memory_space<vmem>>) offsets(%dma_start3A_418 : memref<128xi32, #tpu.memory_space<vmem>>) semaphore(%dma_start3A_423 : memref<!tpu.dma_semaphore, #tpu.memory_space<semaphore_mem>>)
      } else {
      }
    }
    %scan3A_130 = arith.constant 32 : i32
    %barrier3A_131 = arith.constant 0 : index
    tpu.barrier barrier_id(%barrier3A_131)
    %mul3A_132 = arith.constant 632 : i32
    %mul3A_133 = arith.muli %arg1, %mul3A_132 : i32
    %mul3A_134 = arith.constant 10112 : i32
    %mul3A_135 = arith.muli %arg0, %mul3A_134 : i32
    %mul3A_136 = arith.constant 632 : i32
    %mul3A_137 = arith.muli %arg1, %mul3A_136 : i32
    %add3A_138 = arith.addi %mul3A_135, %mul3A_137 : i32
    "tpu.region"() ({
      %run_scoped3A = tpu.sem_alloc : memref<!tpu.dma_semaphore, #tpu.memory_space<semaphore_mem>>
      %dma_start3A_139 = arith.constant 0 : i32
      %dma_start3A_140 = tpu.memref_slice %arg5[%add3A_138, %dma_start3A_139] : memref<20224x64xf32, #tpu.memory_space<hbm>> -> memref<632x64xf32, #tpu.memory_space<hbm>>
      %dma_start3A_141 = arith.constant 0 : i32
      %dma_start3A_142 = tpu.memref_slice %arg11[%mul3A_133, %dma_start3A_141] : memref<10112x64xf32, #tpu.memory_space<vmem_shared>> -> memref<632x64xf32, #tpu.memory_space<vmem_shared>>
      tpu.enqueue_dma source(%dma_start3A_142 : memref<632x64xf32, #tpu.memory_space<vmem_shared>>) target(%dma_start3A_140 : memref<632x64xf32, #tpu.memory_space<hbm>>) target_semaphore(%run_scoped3A : memref<!tpu.dma_semaphore, #tpu.memory_space<semaphore_mem>>)
      %dma_wait3A_143 = arith.constant 0 : i32
      %dma_wait3A_144 = tpu.memref_slice %arg5[%add3A_138, %dma_wait3A_143] : memref<20224x64xf32, #tpu.memory_space<hbm>> -> memref<632x64xf32, #tpu.memory_space<hbm>>
      %dma_wait3A_145 = arith.constant 0 : i32
      %dma_wait3A_146 = tpu.memref_slice %arg11[%mul3A_133, %dma_wait3A_145] : memref<10112x64xf32, #tpu.memory_space<vmem_shared>> -> memref<632x64xf32, #tpu.memory_space<vmem_shared>>
      tpu.wait_dma2 semaphore(%run_scoped3A : memref<!tpu.dma_semaphore, #tpu.memory_space<semaphore_mem>>) src(%dma_wait3A_146 : memref<632x64xf32, #tpu.memory_space<vmem_shared>>) dst(%dma_wait3A_144 : memref<632x64xf32, #tpu.memory_space<hbm>>)
      tpu.yield
    }) : () -> ()
    return
  }
}

module attributes {stable_mosaic.version = 14 : i64} {
  func.func @_scale0_body(%arg0: memref<10000x128xf32, #tpu.memory_space<vmem>>, %arg1: memref<20224x16xf32, #tpu.memory_space<vmem>>, %arg2: memref<20224x64xf32, #tpu.memory_space<vmem>>, %arg3: memref<10000x1xf32, #tpu.memory_space<vmem>>) attributes {dimension_semantics = [], scalar_prefetch = 0 : i64, scratch_operands = 0 : i64, tpu.core_type = #tpu.core_type<tc>} {
    %get3A = arith.constant 0 : index
    %get3A_0 = arith.constant 0 : index
    %get3A_1 = vector.load %arg1[%get3A, %get3A_0] : memref<20224x16xf32, #tpu.memory_space<vmem>>, vector<10000x1xf32>
    %get3A_2 = arith.constant 10112 : index
    %get3A_3 = arith.constant 0 : index
    %get3A_4 = vector.load %arg1[%get3A_2, %get3A_3] : memref<20224x16xf32, #tpu.memory_space<vmem>>, vector<10000x1xf32>
    %add3A = arith.constant 1.000000e+00 : f32
    %add3A_5 = vector.broadcast %add3A : f32 to vector<10000x1xf32>
    %add3A_6 = arith.addf %add3A_5, %get3A_1 : vector<10000x1xf32>
    %add3A_7 = arith.addf %add3A_6, %get3A_4 : vector<10000x1xf32>
    %rsqrt3A = math.rsqrt %add3A_7 : vector<10000x1xf32>
    %swap3A = arith.constant 0 : index
    %swap3A_8 = arith.constant 0 : index
    %swap3A_9 = vector.load %arg3[%swap3A, %swap3A_8] : memref<10000x1xf32, #tpu.memory_space<vmem>>, vector<10000x1xf32>
    tpu.vector_store %arg3[%swap3A, %swap3A_8], %rsqrt3A {strides = array<i32>} : memref<10000x1xf32, #tpu.memory_space<vmem>>, vector<10000x1xf32>,
    %get3A_10 = arith.constant 0 : index
    %get3A_11 = arith.constant 0 : index
    %get3A_12 = vector.load %arg0[%get3A_10, %get3A_11] : memref<10000x128xf32, #tpu.memory_space<vmem>>, vector<10000x128xf32>
    %mul3A = vector.broadcast %rsqrt3A : vector<10000x1xf32> to vector<10000x128xf32>
    %mul3A_13 = arith.mulf %get3A_12, %mul3A : vector<10000x128xf32>
    %slice3A = vector.extract_strided_slice %mul3A_13 {offsets = [0, 0], sizes = [10000, 64], strides = [1, 1]} : vector<10000x128xf32> to vector<10000x64xf32>
    %swap3A_14 = arith.constant 0 : index
    %swap3A_15 = arith.constant 0 : index
    %swap3A_16 = vector.load %arg2[%swap3A_14, %swap3A_15] : memref<20224x64xf32, #tpu.memory_space<vmem>>, vector<10000x64xf32>
    tpu.vector_store %arg2[%swap3A_14, %swap3A_15], %slice3A {strides = array<i32>} : memref<20224x64xf32, #tpu.memory_space<vmem>>, vector<10000x64xf32>,
    %slice3A_17 = vector.extract_strided_slice %mul3A_13 {offsets = [0, 64], sizes = [10000, 64], strides = [1, 1]} : vector<10000x128xf32> to vector<10000x64xf32>
    %swap3A_18 = arith.constant 10112 : index
    %swap3A_19 = arith.constant 0 : index
    %swap3A_20 = vector.load %arg2[%swap3A_18, %swap3A_19] : memref<20224x64xf32, #tpu.memory_space<vmem>>, vector<10000x64xf32>
    tpu.vector_store %arg2[%swap3A_18, %swap3A_19], %slice3A_17 {strides = array<i32>} : memref<20224x64xf32, #tpu.memory_space<vmem>>, vector<10000x64xf32>,
    return
  }
}

module attributes {stable_mosaic.version = 14 : i64} {
  func.func @_mid_body(%arg0: memref<20224x64xf32, #tpu.memory_space<vmem>>, %arg1: memref<10000x1xf32, #tpu.memory_space<vmem>>, %arg2: memref<1x256xf32, #tpu.memory_space<vmem>>, %arg3: memref<128x256xf32, #tpu.memory_space<vmem>>, %arg4: memref<256x128xf32, #tpu.memory_space<vmem>>, %arg5: memref<20224x64xf32, #tpu.memory_space<vmem>>) attributes {dimension_semantics = [], scalar_prefetch = 0 : i64, scratch_operands = 0 : i64, tpu.core_type = #tpu.core_type<tc>} {
    %get3A = arith.constant 0 : index
    %get3A_0 = arith.constant 0 : index
    %get3A_1 = vector.load %arg1[%get3A, %get3A_0] : memref<10000x1xf32, #tpu.memory_space<vmem>>, vector<10000x1xf32>
    %get3A_2 = arith.constant 0 : index
    %get3A_3 = arith.constant 0 : index
    %get3A_4 = vector.load %arg0[%get3A_2, %get3A_3] : memref<20224x64xf32, #tpu.memory_space<vmem>>, vector<10000x64xf32>
    %get3A_5 = arith.constant 10112 : index
    %get3A_6 = arith.constant 0 : index
    %get3A_7 = vector.load %arg0[%get3A_5, %get3A_6] : memref<20224x64xf32, #tpu.memory_space<vmem>>, vector<10000x64xf32>
    %concatenate3A = tpu.concatenate %get3A_4, %get3A_7 in 1 : vector<10000x64xf32>, vector<10000x64xf32> -> vector<10000x128xf32>
    %mul3A = vector.broadcast %get3A_1 : vector<10000x1xf32> to vector<10000x128xf32>
    %mul3A_8 = arith.mulf %concatenate3A, %mul3A : vector<10000x128xf32>
    %get3A_9 = arith.constant 0 : index
    %get3A_10 = arith.constant 0 : index
    %get3A_11 = vector.load %arg3[%get3A_9, %get3A_10] : memref<128x256xf32, #tpu.memory_space<vmem>>, vector<128x256xf32>
    %dot_general3A = arith.constant dense<0.000000e+00> : vector<10000x256xf32>
    %dot_general3A_12 = tpu.matmul %mul3A_8, %get3A_11, %dot_general3A {dimension_numbers = #tpu.dot_dimension_numbers<[1], [0], [0], [1], [0, 0, 1, 1], [], []>, transpose_lhs_hint = false} : vector<10000x128xf32>, vector<128x256xf32>, vector<10000x256xf32> -> vector<10000x256xf32>
    %get3A_13 = arith.constant 0 : index
    %get3A_14 = arith.constant 0 : index
    %get3A_15 = vector.load %arg2[%get3A_13, %get3A_14] : memref<1x256xf32, #tpu.memory_space<vmem>>, vector<1x256xf32>
    %add3A = vector.broadcast %get3A_15 : vector<1x256xf32> to vector<10000x256xf32>
    %add3A_16 = arith.addf %dot_general3A_12, %add3A : vector<10000x256xf32>
    %max3A = arith.constant 0.000000e+00 : f32
    %max3A_17 = vector.broadcast %max3A : f32 to vector<10000x256xf32>
    %max3A_18 = arith.maximumf %add3A_16, %max3A_17 : vector<10000x256xf32>
    %get3A_19 = arith.constant 0 : index
    %get3A_20 = arith.constant 0 : index
    %get3A_21 = vector.load %arg4[%get3A_19, %get3A_20] : memref<256x128xf32, #tpu.memory_space<vmem>>, vector<256x128xf32>
    %dot_general3A_22 = arith.constant dense<0.000000e+00> : vector<10000x128xf32>
    %dot_general3A_23 = tpu.matmul %max3A_18, %get3A_21, %dot_general3A_22 {dimension_numbers = #tpu.dot_dimension_numbers<[1], [0], [0], [1], [0, 0, 1, 1], [], []>, transpose_lhs_hint = false} : vector<10000x256xf32>, vector<256x128xf32>, vector<10000x128xf32> -> vector<10000x128xf32>
    %mul3A_24 = vector.broadcast %get3A_1 : vector<10000x1xf32> to vector<10000x128xf32>
    %mul3A_25 = arith.mulf %dot_general3A_23, %mul3A_24 : vector<10000x128xf32>
    %slice3A = vector.extract_strided_slice %mul3A_25 {offsets = [0, 0], sizes = [10000, 64], strides = [1, 1]} : vector<10000x128xf32> to vector<10000x64xf32>
    %swap3A = arith.constant 0 : index
    %swap3A_26 = arith.constant 0 : index
    %swap3A_27 = vector.load %arg5[%swap3A, %swap3A_26] : memref<20224x64xf32, #tpu.memory_space<vmem>>, vector<10000x64xf32>
    tpu.vector_store %arg5[%swap3A, %swap3A_26], %slice3A {strides = array<i32>} : memref<20224x64xf32, #tpu.memory_space<vmem>>, vector<10000x64xf32>,
    %slice3A_28 = vector.extract_strided_slice %mul3A_25 {offsets = [0, 64], sizes = [10000, 64], strides = [1, 1]} : vector<10000x128xf32> to vector<10000x64xf32>
    %swap3A_29 = arith.constant 10112 : index
    %swap3A_30 = arith.constant 0 : index
    %swap3A_31 = vector.load %arg5[%swap3A_29, %swap3A_30] : memref<20224x64xf32, #tpu.memory_space<vmem>>, vector<10000x64xf32>
    tpu.vector_store %arg5[%swap3A_29, %swap3A_30], %slice3A_28 {strides = array<i32>} : memref<20224x64xf32, #tpu.memory_space<vmem>>, vector<10000x64xf32>,
    return
  }
}

module attributes {stable_mosaic.version = 14 : i64} {
  func.func @_fin_body(%arg0: memref<20224x64xf32, #tpu.memory_space<vmem>>, %arg1: memref<10000x1xf32, #tpu.memory_space<vmem>>, %arg2: memref<1x128xf32, #tpu.memory_space<vmem>>, %arg3: memref<10000x128xf32, #tpu.memory_space<vmem>>) attributes {dimension_semantics = [], scalar_prefetch = 0 : i64, scratch_operands = 0 : i64, tpu.core_type = #tpu.core_type<tc>} {
    %get3A = arith.constant 0 : index
    %get3A_0 = arith.constant 0 : index
    %get3A_1 = vector.load %arg1[%get3A, %get3A_0] : memref<10000x1xf32, #tpu.memory_space<vmem>>, vector<10000x1xf32>
    %get3A_2 = arith.constant 0 : index
    %get3A_3 = arith.constant 0 : index
    %get3A_4 = vector.load %arg0[%get3A_2, %get3A_3] : memref<20224x64xf32, #tpu.memory_space<vmem>>, vector<10000x64xf32>
    %get3A_5 = arith.constant 10112 : index
    %get3A_6 = arith.constant 0 : index
    %get3A_7 = vector.load %arg0[%get3A_5, %get3A_6] : memref<20224x64xf32, #tpu.memory_space<vmem>>, vector<10000x64xf32>
    %concatenate3A = tpu.concatenate %get3A_4, %get3A_7 in 1 : vector<10000x64xf32>, vector<10000x64xf32> -> vector<10000x128xf32>
    %mul3A = vector.broadcast %get3A_1 : vector<10000x1xf32> to vector<10000x128xf32>
    %mul3A_8 = arith.mulf %concatenate3A, %mul3A : vector<10000x128xf32>
    %get3A_9 = arith.constant 0 : index
    %get3A_10 = arith.constant 0 : index
    %get3A_11 = vector.load %arg2[%get3A_9, %get3A_10] : memref<1x128xf32, #tpu.memory_space<vmem>>, vector<1x128xf32>
    %add3A = vector.broadcast %get3A_11 : vector<1x128xf32> to vector<10000x128xf32>
    %add3A_12 = arith.addf %mul3A_8, %add3A : vector<10000x128xf32>
    %swap3A = arith.constant 0 : index
    %swap3A_13 = arith.constant 0 : index
    %swap3A_14 = vector.load %arg3[%swap3A, %swap3A_13] : memref<10000x128xf32, #tpu.memory_space<vmem>>, vector<10000x128xf32>
    tpu.vector_store %arg3[%swap3A, %swap3A_13], %add3A_12 {strides = array<i32>} : memref<10000x128xf32, #tpu.memory_space<vmem>>, vector<10000x128xf32>,
    return
  }
}

</mosaic_0001>

<sc_bundles>
// kernel: kernel.11.cloned.1.call-start
scs
__scs_entry_jumppad:
0x0: {  	(pc) =	sbr.rel $0x88, $3  }
0x1: {  	(tag) =	ssettag $0x0;
	lr =	simm.s32 $0x1  }
0x2: {  	[smem:$0x3F9B] =	sst lr;
	_ =	strace $0xD0000000  }
0x3: {  	_ = 	snop  }
0x4: {  	_ = 	snop  }
0x5: {  	_ = 	snop  }
0x6: {  	_ = 	snop  }
0x7: {  	_ = 	snop  }
__scs_overlays_trampoline_lowered:
0x8: {  	[smem:$0x3FAA] =	sst s0  }
0x9: {  	[smem:$0x3FAB] =	sst s1  }
0xa: {  	[smem:$0x3FAC] =	sst s2  }
0xb: {  	[smem:$0x3FAD] =	sst s3  }
0xc: {  	[smem:$0x3FAE] =	sst s4  }
0xd: {  	[smem:$0x3FAF] =	sst s5  }
0xe: {  	[smem:$0x3FB0] =	sst s6  }
0xf: {  	[smem:$0x3FB1] =	sst s7  }
0x10: {  	[smem:$0x3FB2] =	sst s8  }
0x11: {  	[smem:$0x3FB3] =	sst s9;
	s0 =	simm.s32 @!p0 $0x0  }
0x12: {  	s1 =	sld [smem:$0x3F99];
	s0 =	simm.s32 @p0 $0x1  }
0x13: {  	[smem:$0x3FB4] =	sst s0;
	s0 =	simm.s32 @!p1 $0x0  }
0x14: {  	s2 =	sld [smem:$0x3F98];
	s0 =	simm.s32 @p1 $0x1  }
0x15: {  	[smem:$0x3FB5] =	sst s0;
	s0 =	simm.s32 @!p2 $0x0  }
0x16: {  	s3 =	sld [smem:$0x3FDB];
	s0 =	simm.s32 @p2 $0x1  }
0x17: {  	s4 =	simm.s32 $0x1BF5;
	[smem:$0x3FB7] =	sst s0  }
0x18: {  	s0 =	sld [smem:$0x3F9A];
	_ =	swait.ge [sflag:s4], $0x0  }
0x19: {  	s7 =	sld [smem:$0x3F9B]  }
0x1a: {  	s8 =	sadd.s32 $0xFFFFE003, lr  }
0x1b: {  	s9 =	sadd.s32 $0xFFFFFEF7, lr;
	s5 =	simm.s32 $0xFFFFFFFF;
	p2 =	slt.u32 s8, $0xFFFFF086  }
0x1c: {  	p1 =	slt.u32 s9, $0xF7A;
	s5 =	simm.s32 @!p2 $0x0  }
0x1d: {  	s5 =	simm.s32 @p1 $0x1;
	p0 =	seq.s32 s7, s2  }
0x1e: {  	s7 =	smul.u32 @!p0 $0xF7A, s2;
	p2 =	seq.s32 @!p0 s5, $0x0  }
0x1f: {  	s9 =	smul.u32 $0xF7A, s1;
	s8 =	simm.s32 @!p0 $0x1BF5;
	p2 =	por !p2, p0  }
0x20: {  	[sflag:s8] =	ssyncset.s32 @!p0 $0xFFFFF086;
	s6 =	sadd.s32 @!p0 s3, s7;
	s7 =	simm.s32 @!p0 $0x108  }
0x21: {  	s3 =	sadd.s32 s3, s9;
	s6 =	sadd.s32 @!p0 $0x88, s6;
	s7 =	simm.s32 @p2 $0x1082  }
0x22: {  	[simem:s7], [sflag:s8] =	dma.local @!p0 [hbm:s6], $0xF7A  }
0x23: {  	s9 =	sor.u32 $0xD0000000, s2;
	s6 =	simm.s32 $0x108;
	_ =	swait.ge @!p0 [sflag:s8], $0x0  }
0x24: {  	s3 =	sadd.s32 $0x88, s3;
	s6 =	simm.s32 @!p1 $0x1082;
	[sflag:s4] =	ssyncset.s32 $0xFFFFF086  }
0x25: {  	[simem:s6], [sflag:s4] =	dma.local [hbm:s3], $0xF7A  }
0x26: {  	[smem:$0x3F9B] =	sst s1;
	(tag) =	ssettag s2;
	_ =	strace s9  }
0x27: {  	s1 =	sld [smem:$0x3FAB]  }
0x28: {  	s2 =	sld [smem:$0x3FAC]  }
0x29: {  	s4 =	sld [smem:$0x3FAE]  }
0x2a: {  	p0 =	seq.s32 s5, $0x0;
	s5 =	sld [smem:$0x3FAF]  }
0x2b: {  	s6 =	sld [smem:$0x3FB0]  }
0x2c: {  	s7 =	sld [smem:$0x3FB1]  }
0x2d: {  	s3 =	simm.s32 $0x108;
	s8 =	sld [smem:$0x3FB2]  }
0x2e: {  	s3 =	simm.s32 @!p0 $0x1082;
	s9 =	sld [smem:$0x3FB3]  }
0x2f: {  	lr =	sadd.s32 s0, s3;
	s0 =	sld [smem:$0x3FAA]  }
0x30: {  	s3 =	sld [smem:$0x3FAD]  }
0x31: {  	[smem:$0x3FB6] =	sst s10  }
0x32: {  	s10 =	sld [smem:$0x3FB4];
	_ =	sdelay $0x3  }
0x33: {  	p0 =	seq.s32 s10, $0x1;
	s10 =	sld [smem:$0x3FB6];
	_ =	sdelay $0x3  }
0x34: {  	[smem:$0x3FB6] =	sst s10  }
0x35: {  	s10 =	sld [smem:$0x3FB5];
	_ =	sdelay $0x3  }
0x36: {  	p1 =	seq.s32 s10, $0x1;
	s10 =	sld [smem:$0x3FB6];
	_ =	sdelay $0x3  }
0x37: {  	[smem:$0x3FB6] =	sst s10  }
0x38: {  	s10 =	sld [smem:$0x3FB7]  }
0x39: {  	_ = 	snop;
	(pc) =	sbr.ind lr, $3  }
0x3a: {  	_ = 	snop  }
0x3b: {  	_ = 	snop  }
0x3c: {  	p2 =	seq.s32 s10, $0x1;
	s10 =	sld [smem:$0x3FB6]  }
0x3d: {  	_ =	shalt  }
0x3e: {  	_ =	shalt  }
0x3f: {  	_ =	shalt  }
0x40: {  	_ =	shalt  }
0x41: {  	_ =	shalt  }
0x42: {  	_ =	shalt  }
0x43: {  	_ =	shalt  }
0x44: {  	_ =	shalt  }
0x45: {  	_ =	shalt  }
0x46: {  	_ =	shalt  }
0x47: {  	_ =	shalt  }
0x48: {  	_ =	shalt  }
0x49: {  	_ =	shalt  }
0x4a: {  	_ =	shalt  }
0x4b: {  	_ =	shalt  }
0x4c: {  	_ =	shalt  }
0x4d: {  	_ =	shalt  }
0x4e: {  	_ =	shalt  }
0x4f: {  	_ =	shalt  }
0x50: {  	_ =	shalt  }
0x51: {  	_ =	shalt  }
0x52: {  	_ =	shalt  }
0x53: {  	_ =	shalt  }
0x54: {  	_ =	shalt  }
0x55: {  	_ =	shalt  }
0x56: {  	_ =	shalt  }
0x57: {  	_ =	shalt  }
0x58: {  	_ =	shalt  }
0x59: {  	_ =	shalt  }
0x5a: {  	_ =	shalt  }
0x5b: {  	_ =	shalt  }
0x5c: {  	_ =	shalt  }
0x5d: {  	_ =	shalt  }
0x5e: {  	_ =	shalt  }
0x5f: {  	_ =	shalt  }
0x60: {  	_ =	shalt  }
0x61: {  	_ =	shalt  }
0x62: {  	_ =	shalt  }
0x63: {  	_ =	shalt  }
0x64: {  	_ =	shalt  }
0x65: {  	_ =	shalt  }
0x66: {  	_ =	shalt  }
0x67: {  	_ =	shalt  }
0x68: {  	_ =	shalt  }
0x69: {  	_ =	shalt  }
0x6a: {  	_ =	shalt  }
0x6b: {  	_ =	shalt  }
0x6c: {  	_ =	shalt  }
0x6d: {  	_ =	shalt  }
0x6e: {  	_ =	shalt  }
0x6f: {  	_ =	shalt  }
0x70: {  	_ =	shalt  }
0x71: {  	_ =	shalt  }
0x72: {  	_ =	shalt  }
0x73: {  	_ =	shalt  }
0x74: {  	_ =	shalt  }
0x75: {  	_ =	shalt  }
0x76: {  	_ =	shalt  }
0x77: {  	_ =	shalt  }
0x78: {  	_ =	shalt  }
0x79: {  	_ =	shalt  }
0x7a: {  	_ =	shalt  }
0x7b: {  	_ =	shalt  }
0x7c: {  	_ =	shalt  }
0x7d: {  	_ =	shalt  }
0x7e: {  	_ =	shalt  }
0x7f: {  	_ =	shalt  }
0x80: {  	_ =	shalt  }
0x81: {  	_ =	shalt  }
0x82: {  	_ =	shalt  }
0x83: {  	_ =	shalt  }
0x84: {  	_ =	shalt  }
0x85: {  	_ =	shalt  }
0x86: {  	_ =	shalt  }
0x87: {  	_ =	shalt  }
.Lfunc_end0:
.L_simem_size_0:
called_computation.1_lowered:
.L_overlay_start_0:
0x88: {  	s2 =	sld [smem:$0x3FD9]  }
0x89: {  	s3 =	sld [smem:$0x3FFE];
	_ =	sdelay $0x1  }
0x8a: {  	s1 =	srdreg.scid  }
0x8b: {  	s0 =	sand.u32 $0x1, s1  }
0x8c: {  	s17 =	sshll.u32 s0, $0xA;
	s2 =	sadd.s32 s3, s2  }
0x8d: {  	s2 =	sadd.s32 s2, s17  }
0x8e: {  	[smem:$0x3FC2] =	sst s2  }
0x8f: {  	_ = 	snop  }
0x90: {  	s2 =	sld [smem:$0x3FD0];
	(tm) =	ssettm $0x1  }
0x91: {  	s18 =	sld [smem:$0x3FFB];
	_ =	sdelay $0x3  }
0x92: {  	_ =	strace s18  }
0x93: {  	s3 =	sld [smem:$0x3FFC];
	_ =	sdelay $0x3  }
0x94: {  	_ =	strace s3  }
0x95: {  	s3 =	sld [smem:$0x3FFD];
	_ =	sdelay $0x3  }
0x96: {  	_ =	strace s3  }
0x97: {  	_ =	strace $0x8FFFFFFF  }
0x98: {  	s19 =	sld [smem:$0x3FDB];
	_ =	sdelay $0x1  }
0x99: {  	s4 =	simm.s32 $_scs_section_size  }
0x9a: {  	s5 =	simm.s32 $_size__tile_overlayer_lowered;
	s6 =	simm.s32 $_tile_overlayer_lowered  }
0x9b: {  	s22 =	simm.s32 $0x1BFF;
	s21 =	sshll.u32 s6, $0x1;
	s3 =	sadd.s32 s4, s19  }
0x9c: {  	s7 =	simm.s32 $0x0;
	s20 =	sshll.u32 s5, $0x1;
	s5 =	sadd.s32 s21, s3  }
0x9d: {  	[timem:s7], [sflag:s22] =	dma.local [hbm:s5], s20  }
0x9e: {  	_ =	swait.ge [sflag:s22], s20  }
0x9f: {  	s4 =	ssub.s32 $0x0, s20;
	[sflag:s22] =	ssyncset.done $0x0  }
0xa0: {  	[sflag:s22] =	ssyncadd.s32 s4;
	_ =	sdelay $0x1  }
0xa1: {  	s23 =	simm.s32 $0x1B8B  }
0xa2: {  	_ =	swait.ge [sflag:s23], $0x1  }
0xa3: {  	[sflag:s23] =	ssyncset.done $0x0  }
0xa4: {  	s25 =	simm.s32 $0x1B8E;
	s24 =	sld [smem:$0x3FFE];
	[sflag:s23] =	ssyncadd.s32 $0xFFFFFFFF  }
0xa5: {  	s26 =	simm.s32 $execute0_lowered;
	[smem:$0x3FD2] =	sst s25  }
0xa6: {  	s5 =	sshll.u32 s26, $0x1;
	_ =	strace $0x80000049;
	[dreg:$0x1] =	wrdreg $0xFFFFFFFF  }
0xa7: {  	s28 =	simm.s32 $_size_execute0_lowered;
	s3 =	sadd.s32 s3, s5;
	[dreg:$0x0] =	wrdreg $0x0  }
0xa8: {  	s5 =	sshll.u32 s28, $0x1;
	[dreg:$0x2] =	wrdreg s3  }
0xa9: {  	[dreg:$0x3] =	wrdreg s5  }
0xaa: {  	[dreg:$0x4] =	wrdreg $0xC0  }
0xab: {  	_ =	task [dreg:s7], $0x5FFFF  }
0xac: {  	[dreg:$0x1] =	wrdreg $0xFFFFFFFF  }
0xad: {  	[dreg:$0x0] =	wrdreg $0x60  }
0xae: {  	[dreg:$0x2] =	wrdreg s24  }
0xaf: {  	[dreg:$0x3] =	wrdreg s2  }
0xb0: {  	[dreg:$0x4] =	wrdreg $0x140000  }
0xb1: {  	[dreg:$0x5] =	wrdreg $0x9  }
0xb2: {  	_ =	task.clear_ibuf [dreg:s7], $0x6FFFF;
	_ =	strace $0x90000049  }
0xb3: {  	s29 =	simm.s32 $0x9;
	_ =	strace $0x8000004B  }
0xb4: {  	_ =	swait.ge [sflag:s29], $0x1  }
0xb5: {  	[sflag:s29] =	ssyncadd.s32 $0xFFFFFFFF  }
0xb6: {  	_ =	strace $0x9000004B  }
0xb7: {  	_ =	sfence  }
0xb8: {  	s30 =	sld [smem:$0x0];
	_ =	sdelay $0x2  }
0xb9: {  	s31 =	sshll.u32 s1, $0xD;
	s1 =	sshrl.u32 s1, $0x2  }
0xba: {  	s3 =	sand.u32 $0x4000, s31;
	s1 =	sadd.s32 s1, s30  }
0xbb: {  	s0 =	sor.u32 s3, s0;
	s1 =	sshll.u32 s1, $0x11  }
0xbc: {  	s0 =	sor.u32 s1, s0  }
0xbd: {  	s0 =	sadd.s32 $0x8F2B, s0  }
0xbe: {  	[sflag:s0] =	ssyncadd.remote.s32 $0x1  }
0xbf: {  	_ =	sfence.sel $0xFFFF  }
0xc0: {  	[dreg:$0x0] =	wrdreg $0xFFFFFFFF;
	(pc) =	sbr.abs _section_cstart, $3  }
0xc1: {  	[dreg:$0x1] =	wrdreg $0xFFFFFFFF  }
0xc2: {  	_ =	task.clear_ibuf [dreg:s7], $0x2FFFF;
	_ =	strace $0x9FFFFFFF  }
0xc3: {  	(tm) =	ssettm $0x7FFFFFFF  }
tec
execute0_lowered:
.L_overlay_start_1:
0x0: {  	(tag) =	ssettag $0x1  }
0x1: {  	s0 =	rddreg [dreg:$0x0]  }
0x2: {  	s2 =	rddreg [dreg:$0x1]  }
0x3: {  	s1 =	rddreg [dreg:$0x2];
	s3 =	srdreg.scid  }
0x4: {  	s12 =	stileid.u32;
	s14 =	simm.s32 $0x1;
	s15 =	simm.s32 $0x2  }
0x5: {  	s16 =	simm.s32 $0x6;
	s17 =	simm.s32 $0x80;
	s18 =	simm.s32 $0xA000  }
0x6: {  	s19 =	simm.s32 $0xC000;
	s21 =	simm.s32 $0xE000;
	s28 =	simm.s32 $0x4  }
0x7: {  	s29 =	simm.s32 $0x5;
	s30 =	simm.s32 $0x7;
	s7 =	smul.u32 $0x278, s12  }
0x8: {  	s31 =	simm.s32 $0x8;
	s20 =	simm.s32 $0xB;
	s8 =	smul.u32 $0xA00, s12  }
0x9: {  	s22 =	simm.s32 $0x0;
	s5 =	sand.u32 $0x1, s3;
	s25 =	smul.u32 $0x27800, s12  }
0xa: {  	s3 =	simm.s32 $0x0;
	s4 =	sadd.s32 $0xB600, s0;
	s6 =	smul.u32 $0x2780, s5  }
0xb: {  	[smem:$0x7FF] =	sst s3;
	s23 =	smul.u32 $0xA000, s5;
	s5 =	ssub.s32 $0x2, s5  }
0xc: {  	_ =	strace $0x8000004A;
	s9 =	sadd.s32 s8, s0;
	s24 =	sshrl.u32 s5, $0x1  }
0xd: {  	s26 =	sshrl.u32 s25, $0x2;
	s25 =	simm.s32 $0x12000;
	s6 =	sadd.s32 s7, s6  }
0xe: {  	s7 =	sadd.s32 s8, s23;
	s11 =	ssub.s32 s5, s24;
	s23 =	simm.s32 $0x10000  }
0xf: {  	s10 =	sshll.u32 s6, $0x3;
	s2 =	sadd.s32 s2, s7;
	s6 =	sadd.s32 $0x1600, s9  }
0x10: {  	s7 =	sshll.u32 s12, $0x6;
	s11 =	smax.u32 s11, $0x1;
	s0 =	sadd.s32 s10, s0  }
0x11: {  	[dreg:$0x4] =	wrdreg s2;
	s2 =	sadd.s32 s26, s1;
	s8 =	sadd.s32 s4, s10  }
0x12: {  	s9 =	sor.u32 $0x1C06, s7;
	s26 =	simm.s32 $0x3;
	s10 =	sadd.s32 $0x32E00, s0  }
0x13: {  	s13 =	sshrl.u32 s2, $0x3;
	s0 =	simm.s32 $0x9;
	s2 =	simm.s32 $0xA  }
.LBB2_1:
0x14: {  	s5 =	rddreg [dreg:$0x4]  }
0x15: {  	[tilespmem:s3], [sflag:$0x1] =	stream.linear.gather [hbm4b:s5+s3], $0x5000, $0x38;
	[tilespmem:$0x1DE00] =	vst v63  }
0x16: {  	s12 =	simm.s32 $0x5000  }
0x17: {  	[tilespmem:s12], [sflag:$0x2] =	stream.linear.gather [hbm4b:s6+s3], $0x5000, $0x38;
	[tilespmem:$0x1DE00] =	vst v63  }
0x18: {  	[spmem:s13], [sflag:s9] =	dma.local [hbm:s8], $0x13C0  }
0x19: {  	_ =	swait.ge [sflag:s14], $0x5000  }
0x1a: {  	[sflag:s14] =	ssyncset.done $0x0  }
0x1b: {  	[sflag:s14] =	ssyncadd.s32 $0xFFFFB000  }
0x1c: {  	_ =	swait.ge [sflag:s15], $0x5000  }
0x1d: {  	[sflag:s15] =	ssyncset.done $0x0  }
0x1e: {  	[sflag:s15] =	ssyncadd.s32 $0xFFFFB000  }
0x1f: {  	_ =	swait.ge [sflag:s16], $0x13C0  }
0x20: {  	[sflag:s16] =	ssyncset.done $0x0  }
0x21: {  	[sflag:s16] =	ssyncadd.s32 $0xFFFFEC40  }
0x22: {  	[bflag:$0x0] =	sbarrier.arrive $0xFFFF  }
0x23: {  	[tilespmem:s18], [sflag:$0x1] =	stream.indirect.gather [hbm4b:s4+s17], $0x40, s3, s17, $0xb8;
	[tilespmem:$0x1DE00] =	vst v63  }
0x24: {  	_ = 	snop  }
0x25: {  	[tilespmem:s19], [sflag:$0x2] =	stream.indirect.gather [hbm4b:s4+s17], $0x40, s17, s17, $0xb8;
	[tilespmem:$0x1DE00] =	vst v63  }
0x26: {  	s24 =	simm.s32 $0x100  }
0x27: {  	[tilespmem:s21], [sflag:$0x3] =	stream.indirect.gather [hbm4b:s4+s17], $0x40, s24, s17, $0xb8;
	[tilespmem:$0x1DE00] =	vst v63  }
0x28: {  	s12 =	simm.s32 $0x180  }
0x29: {  	[tilespmem:s23], [sflag:$0x4] =	stream.indirect.gather [hbm4b:s4+s17], $0x40, s12, s17, $0xb8;
	[tilespmem:$0x1DE00] =	vst v63  }
0x2a: {  	s24 =	simm.s32 $0x200  }
0x2b: {  	[tilespmem:s25], [sflag:$0x5] =	stream.indirect.gather [hbm4b:s4+s17], $0x40, s24, s17, $0xb8;
	[tilespmem:$0x1DE00] =	vst v63  }
0x2c: {  	_ =	swait.ge [sflag:s14], $0x2000  }
0x2d: {  	[sflag:s14] =	ssyncset.done $0x0  }
0x2e: {  	s12 =	simm.s32 $0x5000;
	[sflag:s14] =	ssyncadd.s32 $0xFFFFE000  }
0x2f: {  	[spmem:s1] =	stream.indirect.scatter.add.f32 [tilespmem:s18], [sflag:$0x6], $0x40, s12, s17, $0xb8;
	[tilespmem:$0x1DE00] =	vst v63  }
0x30: {  	_ =	swait.ge [sflag:s15], $0x2000  }
0x31: {  	[sflag:s15] =	ssyncset.done $0x0  }
0x32: {  	s5 =	simm.s32 $0x5080;
	[sflag:s15] =	ssyncadd.s32 $0xFFFFE000  }
0x33: {  	[spmem:s1] =	stream.indirect.scatter.add.f32 [tilespmem:s19], [sflag:$0x7], $0x40, s5, s17, $0xb8;
	[tilespmem:$0x1DE00] =	vst v63  }
0x34: {  	_ =	swait.ge [sflag:s26], $0x2000  }
0x35: {  	[sflag:s26] =	ssyncset.done $0x0  }
0x36: {  	s24 =	simm.s32 $0x5100;
	[sflag:s26] =	ssyncadd.s32 $0xFFFFE000  }
0x37: {  	[spmem:s1] =	stream.indirect.scatter.add.f32 [tilespmem:s21], [sflag:$0x8], $0x40, s24, s17, $0xb8;
	[tilespmem:$0x1DE00] =	vst v63  }
0x38: {  	_ =	swait.ge [sflag:s28], $0x2000  }
0x39: {  	[sflag:s28] =	ssyncset.done $0x0  }
0x3a: {  	s5 =	simm.s32 $0x5180;
	[sflag:s28] =	ssyncadd.s32 $0xFFFFE000  }
0x3b: {  	[spmem:s1] =	stream.indirect.scatter.add.f32 [tilespmem:s23], [sflag:$0x9], $0x40, s5, s17, $0xb8;
	[tilespmem:$0x1DE00] =	vst v63  }
0x3c: {  	_ =	swait.ge [sflag:s29], $0x2000  }
0x3d: {  	[sflag:s29] =	ssyncset.done $0x0  }
0x3e: {  	s24 =	simm.s32 $0x5200;
	[sflag:s29] =	ssyncadd.s32 $0xFFFFE000  }
0x3f: {  	[spmem:s1] =	stream.indirect.scatter.add.f32 [tilespmem:s25], [sflag:$0xA], $0x40, s24, s17, $0xb8;
	[tilespmem:$0x1DE00] =	vst v63  }
0x40: {  	_ =	swait.ge [sflag:s16], $0x2000  }
0x41: {  	[sflag:s16] =	ssyncset.done $0x0  }
0x42: {  	s5 =	simm.s32 $0x280;
	[sflag:s16] =	ssyncadd.s32 $0xFFFFE000  }
0x43: {  	[tilespmem:s18], [sflag:$0x1] =	stream.indirect.gather [hbm4b:s4+s17], $0x40, s5, s17, $0xb8;
	[tilespmem:$0x1DE00] =	vst v63  }
0x44: {  	_ =	swait.ge [sflag:s30], $0x2000  }
0x45: {  	[sflag:s30] =	ssyncset.done $0x0  }
0x46: {  	s24 =	simm.s32 $0x300;
	[sflag:s30] =	ssyncadd.s32 $0xFFFFE000  }
0x47: {  	[tilespmem:s19], [sflag:$0x2] =	stream.indirect.gather [hbm4b:s4+s17], $0x40, s24, s17, $0xb8;
	[tilespmem:$0x1DE00] =	vst v63  }
0x48: {  	_ =	swait.ge [sflag:s31], $0x2000  }
0x49: {  	[sflag:s31] =	ssyncset.done $0x0  }
0x4a: {  	s5 =	simm.s32 $0x380;
	[sflag:s31] =	ssyncadd.s32 $0xFFFFE000  }
0x4b: {  	[tilespmem:s21], [sflag:$0x3] =	stream.indirect.gather [hbm4b:s4+s17], $0x40, s5, s17, $0xb8;
	[tilespmem:$0x1DE00] =	vst v63  }
0x4c: {  	_ =	swait.ge [sflag:s0], $0x2000  }
0x4d: {  	[sflag:s0] =	ssyncset.done $0x0  }
0x4e: {  	s24 =	simm.s32 $0x400;
	[sflag:s0] =	ssyncadd.s32 $0xFFFFE000  }
0x4f: {  	[tilespmem:s23], [sflag:$0x4] =	stream.indirect.gather [hbm4b:s4+s17], $0x40, s24, s17, $0xb8;
	[tilespmem:$0x1DE00] =	vst v63  }
0x50: {  	_ =	swait.ge [sflag:s2], $0x2000  }
0x51: {  	[sflag:s2] =	ssyncset.done $0x0  }
0x52: {  	s12 =	simm.s32 $0x480;
	s24 =	simm.s32 $0xA00;
	[sflag:s2] =	ssyncadd.s32 $0xFFFFE000  }
.LBB2_2:
0x53: {  	[tilespmem:s25], [sflag:$0x5] =	stream.indirect.gather [hbm4b:s4+s17], $0x40, s12, s17, $0xb8;
	[tilespmem:$0x1DE00] =	vst v63  }
0x54: {  	s12 =	smov.u32 s24  }
0x55: {  	p0 =	sne.s32 s24, $0x12C00;
	s24 =	sadd.s32 $0xA00, s24;
	_ =	swait.ge [sflag:s14], $0x2000  }
0x56: {  	s12 =	sshra.s32 s12, $0x2;
	[sflag:s14] =	ssyncset.done $0x0  }
0x57: {  	s5 =	sadd.s32 $0x5000, s12;
	[sflag:s14] =	ssyncadd.s32 $0xFFFFE000  }
0x58: {  	[spmem:s1] =	stream.indirect.scatter.add.f32 [tilespmem:s18], [sflag:$0x6], $0x40, s5, s17, $0xb8;
	[tilespmem:$0x1DE00] =	vst v63  }
0x59: {  	_ =	swait.ge [sflag:s15], $0x2000  }
0x5a: {  	[sflag:s15] =	ssyncset.done $0x0  }
0x5b: {  	s5 =	sadd.s32 $0x5080, s12;
	[sflag:s15] =	ssyncadd.s32 $0xFFFFE000  }
0x5c: {  	[spmem:s1] =	stream.indirect.scatter.add.f32 [tilespmem:s19], [sflag:$0x7], $0x40, s5, s17, $0xb8;
	[tilespmem:$0x1DE00] =	vst v63  }
0x5d: {  	_ =	swait.ge [sflag:s26], $0x2000  }
0x5e: {  	[sflag:s26] =	ssyncset.done $0x0  }
0x5f: {  	s5 =	sadd.s32 $0x5100, s12;
	[sflag:s26] =	ssyncadd.s32 $0xFFFFE000  }
0x60: {  	[spmem:s1] =	stream.indirect.scatter.add.f32 [tilespmem:s21], [sflag:$0x8], $0x40, s5, s17, $0xb8;
	[tilespmem:$0x1DE00] =	vst v63  }
0x61: {  	_ =	swait.ge [sflag:s28], $0x2000  }
0x62: {  	[sflag:s28] =	ssyncset.done $0x0  }
0x63: {  	s5 =	sadd.s32 $0x5180, s12;
	[sflag:s28] =	ssyncadd.s32 $0xFFFFE000  }
0x64: {  	[spmem:s1] =	stream.indirect.scatter.add.f32 [tilespmem:s23], [sflag:$0x9], $0x40, s5, s17, $0xb8;
	[tilespmem:$0x1DE00] =	vst v63  }
0x65: {  	_ =	swait.ge [sflag:s29], $0x2000  }
0x66: {  	[sflag:s29] =	ssyncset.done $0x0  }
0x67: {  	s5 =	sadd.s32 $0x5200, s12;
	[sflag:s29] =	ssyncadd.s32 $0xFFFFE000  }
0x68: {  	[spmem:s1] =	stream.indirect.scatter.add.f32 [tilespmem:s25], [sflag:$0xA], $0x40, s5, s17, $0xb8;
	[tilespmem:$0x1DE00] =	vst v63  }
0x69: {  	_ =	swait.ge [sflag:s16], $0x2000  }
0x6a: {  	[sflag:s16] =	ssyncset.done $0x0  }
0x6b: {  	s5 =	sadd.s32 $0x280, s12;
	[sflag:s16] =	ssyncadd.s32 $0xFFFFE000  }
0x6c: {  	[tilespmem:s18], [sflag:$0x1] =	stream.indirect.gather [hbm4b:s4+s17], $0x40, s5, s17, $0xb8;
	[tilespmem:$0x1DE00] =	vst v63  }
0x6d: {  	_ =	swait.ge [sflag:s30], $0x2000  }
0x6e: {  	[sflag:s30] =	ssyncset.done $0x0  }
0x6f: {  	s5 =	sadd.s32 $0x300, s12;
	[sflag:s30] =	ssyncadd.s32 $0xFFFFE000  }
0x70: {  	[tilespmem:s19], [sflag:$0x2] =	stream.indirect.gather [hbm4b:s4+s17], $0x40, s5, s17, $0xb8;
	[tilespmem:$0x1DE00] =	vst v63  }
0x71: {  	_ =	swait.ge [sflag:s31], $0x2000  }
0x72: {  	[sflag:s31] =	ssyncset.done $0x0  }
0x73: {  	s5 =	sadd.s32 $0x380, s12;
	[sflag:s31] =	ssyncadd.s32 $0xFFFFE000  }
0x74: {  	[tilespmem:s21], [sflag:$0x3] =	stream.indirect.gather [hbm4b:s4+s17], $0x40, s5, s17, $0xb8;
	[tilespmem:$0x1DE00] =	vst v63  }
0x75: {  	_ =	swait.ge [sflag:s0], $0x2000  }
0x76: {  	[sflag:s0] =	ssyncset.done $0x0  }
.Ltmp0:
0x77: {  	s5 =	sadd.s32 $0x400, s12;
	[sflag:s0] =	ssyncadd.s32 $0xFFFFE000;
	(pc) =	sbr.rel @p0 .LBB2_2-.Ltmp0, $4  }
0x78: {  	[tilespmem:s23], [sflag:$0x4] =	stream.indirect.gather [hbm4b:s4+s17], $0x40, s5, s17, $0xb8;
	[tilespmem:$0x1DE00] =	vst v63  }
0x79: {  	_ =	swait.ge [sflag:s2], $0x2000  }
0x7a: {  	[sflag:s2] =	ssyncset.done $0x0  }
0x7b: {  	s12 =	sadd.s32 $0x480, s12;
	[sflag:s2] =	ssyncadd.s32 $0xFFFFE000  }
0x7c: {  	[tilespmem:s25], [sflag:$0x5] =	stream.indirect.gather [hbm4b:s4+s17], $0x40, s12, s17, $0xb8;
	[tilespmem:$0x1DE00] =	vst v63  }
0x7d: {  	_ =	swait.ge [sflag:s14], $0x2000  }
0x7e: {  	[sflag:s14] =	ssyncset.done $0x0  }
0x7f: {  	s5 =	simm.s32 $0x9D80;
	[sflag:s14] =	ssyncadd.s32 $0xFFFFE000  }
0x80: {  	[spmem:s1] =	stream.indirect.scatter.add.f32 [tilespmem:s18], [sflag:$0x6], $0x40, s5, s17, $0xb8;
	[tilespmem:$0x1DE00] =	vst v63  }
0x81: {  	_ =	swait.ge [sflag:s15], $0x2000  }
0x82: {  	[sflag:s15] =	ssyncset.done $0x0  }
0x83: {  	s24 =	simm.s32 $0x9E00;
	[sflag:s15] =	ssyncadd.s32 $0xFFFFE000  }
0x84: {  	[spmem:s1] =	stream.indirect.scatter.add.f32 [tilespmem:s19], [sflag:$0x7], $0x40, s24, s17, $0xb8;
	[tilespmem:$0x1DE00] =	vst v63  }
0x85: {  	_ =	swait.ge [sflag:s26], $0x2000  }
0x86: {  	[sflag:s26] =	ssyncset.done $0x0  }
0x87: {  	s12 =	simm.s32 $0x9E80;
	[sflag:s26] =	ssyncadd.s32 $0xFFFFE000  }
0x88: {  	[spmem:s1] =	stream.indirect.scatter.add.f32 [tilespmem:s21], [sflag:$0x8], $0x40, s12, s17, $0xb8;
	[tilespmem:$0x1DE00] =	vst v63  }
0x89: {  	_ =	swait.ge [sflag:s28], $0x2000  }
0x8a: {  	[sflag:s28] =	ssyncset.done $0x0  }
0x8b: {  	s24 =	simm.s32 $0x9F00;
	[sflag:s28] =	ssyncadd.s32 $0xFFFFE000  }
0x8c: {  	[spmem:s1] =	stream.indirect.scatter.add.f32 [tilespmem:s23], [sflag:$0x9], $0x40, s24, s17, $0xb8;
	[tilespmem:$0x1DE00] =	vst v63  }
0x8d: {  	_ =	swait.ge [sflag:s29], $0x2000  }
0x8e: {  	[sflag:s29] =	ssyncset.done $0x0  }
0x8f: {  	s12 =	simm.s32 $0x9F80;
	[sflag:s29] =	ssyncadd.s32 $0xFFFFE000  }
0x90: {  	[spmem:s1] =	stream.indirect.scatter.add.f32 [tilespmem:s25], [sflag:$0xA], $0x40, s12, s17, $0xb8;
	[tilespmem:$0x1DE00] =	vst v63  }
0x91: {  	_ =	swait.ge [sflag:s16], $0x2000  }
0x92: {  	[sflag:s16] =	ssyncset.done $0x0  }
0x93: {  	[sflag:s16] =	ssyncadd.s32 $0xFFFFE000  }
0x94: {  	_ =	swait.ge [sflag:s30], $0x2000  }
0x95: {  	[sflag:s30] =	ssyncset.done $0x0  }
0x96: {  	[sflag:s30] =	ssyncadd.s32 $0xFFFFE000  }
0x97: {  	_ =	swait.ge [sflag:s31], $0x2000  }
0x98: {  	[sflag:s31] =	ssyncset.done $0x0  }
0x99: {  	[sflag:s31] =	ssyncadd.s32 $0xFFFFE000  }
0x9a: {  	_ =	swait.ge [sflag:s0], $0x2000  }
0x9b: {  	[sflag:s0] =	ssyncset.done $0x0  }
0x9c: {  	[sflag:s0] =	ssyncadd.s32 $0xFFFFE000  }
0x9d: {  	_ =	swait.ge [sflag:s2], $0x2000  }
0x9e: {  	s22 =	sadd.s32 $0x1, s22;
	[sflag:s2] =	ssyncset.done $0x0  }
0x9f: {  	p0 =	sne.s32 s22, s11;
	[sflag:s2] =	ssyncadd.s32 $0xFFFFE000  }
.Ltmp1:
0xa0: {  	s24 =	sor.u32 $0x1C0B, s7;
	[bflag:$0x0] =	sbarrier.arrive $0xFFFF;
	(pc) =	sbr.rel @p0 .LBB2_1-.Ltmp1, $4  }
0xa1: {  	[hbm:s10], [sflag:s24] =	dma.local [spmem:s13], $0x13C0  }
0xa2: {  	_ =	swait.ge [sflag:s20], $0x13C0  }
0xa3: {  	[sflag:s20] =	ssyncset.done $0x0  }
0xa4: {  	[sflag:s20] =	ssyncadd.s32 $0xFFFFEC40  }
0xa5: {  	_ =	sfence.sel $0x180000  }
0xa6: {  	[bflag:$0x0] =	sbarrier.arrive $0xFFFF  }
0xa7: {  	_ =	strace $0x9000004A  }
0xa8: {  	s0 =	stileid.u32;
	[bflag:$0x2] =	sbarrier.arrive $0xFFFF  }
0xa9: {  	p0 =	sne.s32 s0, $0x0;
	s0 =	rddreg [dreg:$0x3]  }
0xaa: {  	s0 =	sadd.s32 @!p0 $0x100000, s0  }
0xab: {  	[sflag:s0] =	ssyncadd.tile.s32 @!p0 $0x1;
	_ =	shalt  }
.Lfunc_end2:
_tile_overlayer_lowered:
.L_overlay_start_2:
0xac: {  	(tag) =	ssettag $0x2  }
0xad: {  	s0 =	rddreg [dreg:$0x0];
	s2 =	stileid.u32  }
0xae: {  	s1 =	rddreg [dreg:$0x1];
	p0 =	sne.s32 s2, $0x0  }
0xaf: {  	s3 =	rddreg [dreg:$0x2];
	[bflag:$0x3] =	sbarrier.arrive $0xFFFF;
	s2 =	simm.s32 @!p0 $0x1C0B  }
0xb0: {  	[timem:s3], [sflag:s2] =	dma.local @!p0 [hbm:s0], s1  }
0xb1: {  	s0 =	simm.s32 @!p0 $0xB  }
0xb2: {  	_ =	swait.ge @!p0 [sflag:s0], s1  }
0xb3: {  	s1 =	ssub.s32 @!p0 $0x0, s1;
	[sflag:s0] =	ssyncset.done @!p0 $0x0  }
0xb4: {  	[sflag:s0] =	ssyncadd.s32 @!p0 s1  }
0xb5: {  	[bflag:$0x3] =	sbarrier.arrive $0xFFFF  }
0xb6: {  	_ =	shalt  }

// kernel: kernel.14.cloned.1.call-start
scs
__scs_entry_jumppad:
0x0: {  	(pc) =	sbr.rel $0x88, $3  }
0x1: {  	(tag) =	ssettag $0x0;
	lr =	simm.s32 $0x1  }
0x2: {  	[smem:$0x3F9B] =	sst lr;
	_ =	strace $0xD0000000  }
0x3: {  	_ = 	snop  }
0x4: {  	_ = 	snop  }
0x5: {  	_ = 	snop  }
0x6: {  	_ = 	snop  }
0x7: {  	_ = 	snop  }
__scs_overlays_trampoline_lowered:
0x8: {  	[smem:$0x3FAA] =	sst s0  }
0x9: {  	[smem:$0x3FAB] =	sst s1  }
0xa: {  	[smem:$0x3FAC] =	sst s2  }
0xb: {  	[smem:$0x3FAD] =	sst s3  }
0xc: {  	[smem:$0x3FAE] =	sst s4  }
0xd: {  	[smem:$0x3FAF] =	sst s5  }
0xe: {  	[smem:$0x3FB0] =	sst s6  }
0xf: {  	[smem:$0x3FB1] =	sst s7  }
0x10: {  	[smem:$0x3FB2] =	sst s8  }
0x11: {  	[smem:$0x3FB3] =	sst s9;
	s0 =	simm.s32 @!p0 $0x0  }
0x12: {  	s1 =	sld [smem:$0x3F99];
	s0 =	simm.s32 @p0 $0x1  }
0x13: {  	[smem:$0x3FB4] =	sst s0;
	s0 =	simm.s32 @!p1 $0x0  }
0x14: {  	s2 =	sld [smem:$0x3F98];
	s0 =	simm.s32 @p1 $0x1  }
0x15: {  	[smem:$0x3FB5] =	sst s0;
	s0 =	simm.s32 @!p2 $0x0  }
0x16: {  	s3 =	sld [smem:$0x3FDB];
	s0 =	simm.s32 @p2 $0x1  }
0x17: {  	s4 =	simm.s32 $0x1BF5;
	[smem:$0x3FB7] =	sst s0  }
0x18: {  	s0 =	sld [smem:$0x3F9A];
	_ =	swait.ge [sflag:s4], $0x0  }
0x19: {  	s7 =	sld [smem:$0x3F9B]  }
0x1a: {  	s8 =	sadd.s32 $0xFFFFE003, lr  }
0x1b: {  	s9 =	sadd.s32 $0xFFFFFEF7, lr;
	s5 =	simm.s32 $0xFFFFFFFF;
	p2 =	slt.u32 s8, $0xFFFFF086  }
0x1c: {  	p1 =	slt.u32 s9, $0xF7A;
	s5 =	simm.s32 @!p2 $0x0  }
0x1d: {  	s5 =	simm.s32 @p1 $0x1;
	p0 =	seq.s32 s7, s2  }
0x1e: {  	s7 =	smul.u32 @!p0 $0xF7A, s2;
	p2 =	seq.s32 @!p0 s5, $0x0  }
0x1f: {  	s9 =	smul.u32 $0xF7A, s1;
	s8 =	simm.s32 @!p0 $0x1BF5;
	p2 =	por !p2, p0  }
0x20: {  	[sflag:s8] =	ssyncset.s32 @!p0 $0xFFFFF086;
	s6 =	sadd.s32 @!p0 s3, s7;
	s7 =	simm.s32 @!p0 $0x108  }
0x21: {  	s3 =	sadd.s32 s3, s9;
	s6 =	sadd.s32 @!p0 $0x88, s6;
	s7 =	simm.s32 @p2 $0x1082  }
0x22: {  	[simem:s7], [sflag:s8] =	dma.local @!p0 [hbm:s6], $0xF7A  }
0x23: {  	s9 =	sor.u32 $0xD0000000, s2;
	s6 =	simm.s32 $0x108;
	_ =	swait.ge @!p0 [sflag:s8], $0x0  }
0x24: {  	s3 =	sadd.s32 $0x88, s3;
	s6 =	simm.s32 @!p1 $0x1082;
	[sflag:s4] =	ssyncset.s32 $0xFFFFF086  }
0x25: {  	[simem:s6], [sflag:s4] =	dma.local [hbm:s3], $0xF7A  }
0x26: {  	[smem:$0x3F9B] =	sst s1;
	(tag) =	ssettag s2;
	_ =	strace s9  }
0x27: {  	s1 =	sld [smem:$0x3FAB]  }
0x28: {  	s2 =	sld [smem:$0x3FAC]  }
0x29: {  	s4 =	sld [smem:$0x3FAE]  }
0x2a: {  	p0 =	seq.s32 s5, $0x0;
	s5 =	sld [smem:$0x3FAF]  }
0x2b: {  	s6 =	sld [smem:$0x3FB0]  }
0x2c: {  	s7 =	sld [smem:$0x3FB1]  }
0x2d: {  	s3 =	simm.s32 $0x108;
	s8 =	sld [smem:$0x3FB2]  }
0x2e: {  	s3 =	simm.s32 @!p0 $0x1082;
	s9 =	sld [smem:$0x3FB3]  }
0x2f: {  	lr =	sadd.s32 s0, s3;
	s0 =	sld [smem:$0x3FAA]  }
0x30: {  	s3 =	sld [smem:$0x3FAD]  }
0x31: {  	[smem:$0x3FB6] =	sst s10  }
0x32: {  	s10 =	sld [smem:$0x3FB4];
	_ =	sdelay $0x3  }
0x33: {  	p0 =	seq.s32 s10, $0x1;
	s10 =	sld [smem:$0x3FB6];
	_ =	sdelay $0x3  }
0x34: {  	[smem:$0x3FB6] =	sst s10  }
0x35: {  	s10 =	sld [smem:$0x3FB5];
	_ =	sdelay $0x3  }
0x36: {  	p1 =	seq.s32 s10, $0x1;
	s10 =	sld [smem:$0x3FB6];
	_ =	sdelay $0x3  }
0x37: {  	[smem:$0x3FB6] =	sst s10  }
0x38: {  	s10 =	sld [smem:$0x3FB7]  }
0x39: {  	_ = 	snop;
	(pc) =	sbr.ind lr, $3  }
0x3a: {  	_ = 	snop  }
0x3b: {  	_ = 	snop  }
0x3c: {  	p2 =	seq.s32 s10, $0x1;
	s10 =	sld [smem:$0x3FB6]  }
0x3d: {  	_ =	shalt  }
0x3e: {  	_ =	shalt  }
0x3f: {  	_ =	shalt  }
0x40: {  	_ =	shalt  }
0x41: {  	_ =	shalt  }
0x42: {  	_ =	shalt  }
0x43: {  	_ =	shalt  }
0x44: {  	_ =	shalt  }
0x45: {  	_ =	shalt  }
0x46: {  	_ =	shalt  }
0x47: {  	_ =	shalt  }
0x48: {  	_ =	shalt  }
0x49: {  	_ =	shalt  }
0x4a: {  	_ =	shalt  }
0x4b: {  	_ =	shalt  }
0x4c: {  	_ =	shalt  }
0x4d: {  	_ =	shalt  }
0x4e: {  	_ =	shalt  }
0x4f: {  	_ =	shalt  }
0x50: {  	_ =	shalt  }
0x51: {  	_ =	shalt  }
0x52: {  	_ =	shalt  }
0x53: {  	_ =	shalt  }
0x54: {  	_ =	shalt  }
0x55: {  	_ =	shalt  }
0x56: {  	_ =	shalt  }
0x57: {  	_ =	shalt  }
0x58: {  	_ =	shalt  }
0x59: {  	_ =	shalt  }
0x5a: {  	_ =	shalt  }
0x5b: {  	_ =	shalt  }
0x5c: {  	_ =	shalt  }
0x5d: {  	_ =	shalt  }
0x5e: {  	_ =	shalt  }
0x5f: {  	_ =	shalt  }
0x60: {  	_ =	shalt  }
0x61: {  	_ =	shalt  }
0x62: {  	_ =	shalt  }
0x63: {  	_ =	shalt  }
0x64: {  	_ =	shalt  }
0x65: {  	_ =	shalt  }
0x66: {  	_ =	shalt  }
0x67: {  	_ =	shalt  }
0x68: {  	_ =	shalt  }
0x69: {  	_ =	shalt  }
0x6a: {  	_ =	shalt  }
0x6b: {  	_ =	shalt  }
0x6c: {  	_ =	shalt  }
0x6d: {  	_ =	shalt  }
0x6e: {  	_ =	shalt  }
0x6f: {  	_ =	shalt  }
0x70: {  	_ =	shalt  }
0x71: {  	_ =	shalt  }
0x72: {  	_ =	shalt  }
0x73: {  	_ =	shalt  }
0x74: {  	_ =	shalt  }
0x75: {  	_ =	shalt  }
0x76: {  	_ =	shalt  }
0x77: {  	_ =	shalt  }
0x78: {  	_ =	shalt  }
0x79: {  	_ =	shalt  }
0x7a: {  	_ =	shalt  }
0x7b: {  	_ =	shalt  }
0x7c: {  	_ =	shalt  }
0x7d: {  	_ =	shalt  }
0x7e: {  	_ =	shalt  }
0x7f: {  	_ =	shalt  }
0x80: {  	_ =	shalt  }
0x81: {  	_ =	shalt  }
0x82: {  	_ =	shalt  }
0x83: {  	_ =	shalt  }
0x84: {  	_ =	shalt  }
0x85: {  	_ =	shalt  }
0x86: {  	_ =	shalt  }
0x87: {  	_ =	shalt  }
.Lfunc_end0:
.L_simem_size_0:
called_computation.2_lowered:
.L_overlay_start_0:
0x88: {  	s2 =	sld [smem:$0x3FD9]  }
0x89: {  	s3 =	sld [smem:$0x3FFE];
	_ =	sdelay $0x1  }
0x8a: {  	s1 =	srdreg.scid  }
0x8b: {  	s0 =	sand.u32 $0x1, s1  }
0x8c: {  	s17 =	sshll.u32 s0, $0xA;
	s2 =	sadd.s32 s3, s2  }
0x8d: {  	s2 =	sadd.s32 s2, s17  }
0x8e: {  	[smem:$0x3FC2] =	sst s2  }
0x8f: {  	_ = 	snop  }
0x90: {  	s2 =	sld [smem:$0x3FD0];
	(tm) =	ssettm $0x1  }
0x91: {  	s18 =	sld [smem:$0x3FFB];
	_ =	sdelay $0x3  }
0x92: {  	_ =	strace s18  }
0x93: {  	s3 =	sld [smem:$0x3FFC];
	_ =	sdelay $0x3  }
0x94: {  	_ =	strace s3  }
0x95: {  	s3 =	sld [smem:$0x3FFD];
	_ =	sdelay $0x3  }
0x96: {  	_ =	strace s3  }
0x97: {  	_ =	strace $0x8FFFFFFF  }
0x98: {  	s19 =	sld [smem:$0x3FDB];
	_ =	sdelay $0x1  }
0x99: {  	s4 =	simm.s32 $_scs_section_size  }
0x9a: {  	s5 =	simm.s32 $_size__tile_overlayer_lowered;
	s6 =	simm.s32 $_tile_overlayer_lowered  }
0x9b: {  	s22 =	simm.s32 $0x1BFF;
	s21 =	sshll.u32 s6, $0x1;
	s3 =	sadd.s32 s4, s19  }
0x9c: {  	s7 =	simm.s32 $0x0;
	s20 =	sshll.u32 s5, $0x1;
	s5 =	sadd.s32 s21, s3  }
0x9d: {  	[timem:s7], [sflag:s22] =	dma.local [hbm:s5], s20  }
0x9e: {  	_ =	swait.ge [sflag:s22], s20  }
0x9f: {  	s4 =	ssub.s32 $0x0, s20;
	[sflag:s22] =	ssyncset.done $0x0  }
0xa0: {  	[sflag:s22] =	ssyncadd.s32 s4;
	_ =	sdelay $0x1  }
0xa1: {  	s23 =	simm.s32 $0x1B8B  }
0xa2: {  	_ =	swait.ge [sflag:s23], $0x1  }
0xa3: {  	[sflag:s23] =	ssyncset.done $0x0  }
0xa4: {  	s25 =	simm.s32 $0x1B8E;
	s24 =	sld [smem:$0x3FFE];
	[sflag:s23] =	ssyncadd.s32 $0xFFFFFFFF  }
0xa5: {  	s26 =	simm.s32 $execute0_lowered;
	[smem:$0x3FD2] =	sst s25  }
0xa6: {  	s5 =	sshll.u32 s26, $0x1;
	_ =	strace $0x8000004C;
	[dreg:$0x1] =	wrdreg $0xFFFFFFFF  }
0xa7: {  	s28 =	simm.s32 $_size_execute0_lowered;
	s3 =	sadd.s32 s3, s5;
	[dreg:$0x0] =	wrdreg $0x0  }
0xa8: {  	s5 =	sshll.u32 s28, $0x1;
	[dreg:$0x2] =	wrdreg s3  }
0xa9: {  	[dreg:$0x3] =	wrdreg s5  }
0xaa: {  	[dreg:$0x4] =	wrdreg $0xC0  }
0xab: {  	_ =	task [dreg:s7], $0x5FFFF  }
0xac: {  	[dreg:$0x1] =	wrdreg $0xFFFFFFFF  }
0xad: {  	[dreg:$0x0] =	wrdreg $0x60  }
0xae: {  	[dreg:$0x2] =	wrdreg s24  }
0xaf: {  	[dreg:$0x3] =	wrdreg s2  }
0xb0: {  	[dreg:$0x4] =	wrdreg $0x140000  }
0xb1: {  	[dreg:$0x5] =	wrdreg $0x9  }
0xb2: {  	_ =	task.clear_ibuf [dreg:s7], $0x6FFFF;
	_ =	strace $0x9000004C  }
0xb3: {  	s29 =	simm.s32 $0x9;
	_ =	strace $0x8000004E  }
0xb4: {  	_ =	swait.ge [sflag:s29], $0x1  }
0xb5: {  	[sflag:s29] =	ssyncadd.s32 $0xFFFFFFFF  }
0xb6: {  	_ =	strace $0x9000004E  }
0xb7: {  	_ =	sfence  }
0xb8: {  	s30 =	sld [smem:$0x0];
	_ =	sdelay $0x2  }
0xb9: {  	s31 =	sshll.u32 s1, $0xD;
	s1 =	sshrl.u32 s1, $0x2  }
0xba: {  	s3 =	sand.u32 $0x4000, s31;
	s1 =	sadd.s32 s1, s30  }
0xbb: {  	s0 =	sor.u32 s3, s0;
	s1 =	sshll.u32 s1, $0x11  }
0xbc: {  	s0 =	sor.u32 s1, s0  }
0xbd: {  	s0 =	sadd.s32 $0x8F2B, s0  }
0xbe: {  	[sflag:s0] =	ssyncadd.remote.s32 $0x1  }
0xbf: {  	_ =	sfence.sel $0xFFFF  }
0xc0: {  	[dreg:$0x0] =	wrdreg $0xFFFFFFFF;
	(pc) =	sbr.abs _section_cstart, $3  }
0xc1: {  	[dreg:$0x1] =	wrdreg $0xFFFFFFFF  }
0xc2: {  	_ =	task.clear_ibuf [dreg:s7], $0x2FFFF;
	_ =	strace $0x9FFFFFFF  }
0xc3: {  	(tm) =	ssettm $0x7FFFFFFF  }
tec
execute0_lowered:
.L_overlay_start_1:
0x0: {  	(tag) =	ssettag $0x1  }
0x1: {  	s0 =	rddreg [dreg:$0x0]  }
0x2: {  	s2 =	rddreg [dreg:$0x1]  }
0x3: {  	s1 =	rddreg [dreg:$0x2];
	s3 =	srdreg.scid  }
0x4: {  	s12 =	stileid.u32;
	s14 =	simm.s32 $0x1;
	s15 =	simm.s32 $0x2  }
0x5: {  	s16 =	simm.s32 $0x6;
	s17 =	simm.s32 $0x80;
	s18 =	simm.s32 $0xA000  }
0x6: {  	s19 =	simm.s32 $0xC000;
	s21 =	simm.s32 $0xE000;
	s28 =	simm.s32 $0x4  }
0x7: {  	s29 =	simm.s32 $0x5;
	s30 =	simm.s32 $0x7;
	s7 =	smul.u32 $0x278, s12  }
0x8: {  	s31 =	simm.s32 $0x8;
	s20 =	simm.s32 $0xB;
	s8 =	smul.u32 $0xA00, s12  }
0x9: {  	s22 =	simm.s32 $0x0;
	s5 =	sand.u32 $0x1, s3;
	s25 =	smul.u32 $0x27800, s12  }
0xa: {  	s3 =	simm.s32 $0x0;
	s4 =	sadd.s32 $0xB600, s0;
	s6 =	smul.u32 $0x2780, s5  }
0xb: {  	[smem:$0x7FF] =	sst s3;
	s23 =	smul.u32 $0xA000, s5;
	s5 =	ssub.s32 $0x2, s5  }
0xc: {  	_ =	strace $0x8000004D;
	s9 =	sadd.s32 s8, s0;
	s24 =	sshrl.u32 s5, $0x1  }
0xd: {  	s26 =	sshrl.u32 s25, $0x2;
	s25 =	simm.s32 $0x12000;
	s6 =	sadd.s32 s7, s6  }
0xe: {  	s7 =	sadd.s32 s8, s23;
	s11 =	ssub.s32 s5, s24;
	s23 =	simm.s32 $0x10000  }
0xf: {  	s10 =	sshll.u32 s6, $0x3;
	s2 =	sadd.s32 s2, s7;
	s6 =	sadd.s32 $0x1600, s9  }
0x10: {  	s7 =	sshll.u32 s12, $0x6;
	s11 =	smax.u32 s11, $0x1;
	s0 =	sadd.s32 s10, s0  }
0x11: {  	[dreg:$0x4] =	wrdreg s2;
	s2 =	sadd.s32 s26, s1;
	s8 =	sadd.s32 s4, s10  }
0x12: {  	s9 =	sor.u32 $0x1C06, s7;
	s26 =	simm.s32 $0x3;
	s10 =	sadd.s32 $0x32E00, s0  }
0x13: {  	s13 =	sshrl.u32 s2, $0x3;
	s0 =	simm.s32 $0x9;
	s2 =	simm.s32 $0xA  }
.LBB2_1:
0x14: {  	s5 =	rddreg [dreg:$0x4]  }
0x15: {  	[tilespmem:s3], [sflag:$0x1] =	stream.linear.gather [hbm4b:s5+s3], $0x5000, $0x38;
	[tilespmem:$0x1DE00] =	vst v63  }
0x16: {  	s12 =	simm.s32 $0x5000  }
0x17: {  	[tilespmem:s12], [sflag:$0x2] =	stream.linear.gather [hbm4b:s6+s3], $0x5000, $0x38;
	[tilespmem:$0x1DE00] =	vst v63  }
0x18: {  	[spmem:s13], [sflag:s9] =	dma.local [hbm:s8], $0x13C0  }
0x19: {  	_ =	swait.ge [sflag:s14], $0x5000  }
0x1a: {  	[sflag:s14] =	ssyncset.done $0x0  }
0x1b: {  	[sflag:s14] =	ssyncadd.s32 $0xFFFFB000  }
0x1c: {  	_ =	swait.ge [sflag:s15], $0x5000  }
0x1d: {  	[sflag:s15] =	ssyncset.done $0x0  }
0x1e: {  	[sflag:s15] =	ssyncadd.s32 $0xFFFFB000  }
0x1f: {  	_ =	swait.ge [sflag:s16], $0x13C0  }
0x20: {  	[sflag:s16] =	ssyncset.done $0x0  }
0x21: {  	[sflag:s16] =	ssyncadd.s32 $0xFFFFEC40  }
0x22: {  	[bflag:$0x0] =	sbarrier.arrive $0xFFFF  }
0x23: {  	[tilespmem:s18], [sflag:$0x1] =	stream.indirect.gather [hbm4b:s4+s17], $0x40, s3, s17, $0xb8;
	[tilespmem:$0x1DE00] =	vst v63  }
0x24: {  	_ = 	snop  }
0x25: {  	[tilespmem:s19], [sflag:$0x2] =	stream.indirect.gather [hbm4b:s4+s17], $0x40, s17, s17, $0xb8;
	[tilespmem:$0x1DE00] =	vst v63  }
0x26: {  	s24 =	simm.s32 $0x100  }
0x27: {  	[tilespmem:s21], [sflag:$0x3] =	stream.indirect.gather [hbm4b:s4+s17], $0x40, s24, s17, $0xb8;
	[tilespmem:$0x1DE00] =	vst v63  }
0x28: {  	s12 =	simm.s32 $0x180  }
0x29: {  	[tilespmem:s23], [sflag:$0x4] =	stream.indirect.gather [hbm4b:s4+s17], $0x40, s12, s17, $0xb8;
	[tilespmem:$0x1DE00] =	vst v63  }
0x2a: {  	s24 =	simm.s32 $0x200  }
0x2b: {  	[tilespmem:s25], [sflag:$0x5] =	stream.indirect.gather [hbm4b:s4+s17], $0x40, s24, s17, $0xb8;
	[tilespmem:$0x1DE00] =	vst v63  }
0x2c: {  	_ =	swait.ge [sflag:s14], $0x2000  }
0x2d: {  	[sflag:s14] =	ssyncset.done $0x0  }
0x2e: {  	s12 =	simm.s32 $0x5000;
	[sflag:s14] =	ssyncadd.s32 $0xFFFFE000  }
0x2f: {  	[spmem:s1] =	stream.indirect.scatter.add.f32 [tilespmem:s18], [sflag:$0x6], $0x40, s12, s17, $0xb8;
	[tilespmem:$0x1DE00] =	vst v63  }
0x30: {  	_ =	swait.ge [sflag:s15], $0x2000  }
0x31: {  	[sflag:s15] =	ssyncset.done $0x0  }
0x32: {  	s5 =	simm.s32 $0x5080;
	[sflag:s15] =	ssyncadd.s32 $0xFFFFE000  }
0x33: {  	[spmem:s1] =	stream.indirect.scatter.add.f32 [tilespmem:s19], [sflag:$0x7], $0x40, s5, s17, $0xb8;
	[tilespmem:$0x1DE00] =	vst v63  }
0x34: {  	_ =	swait.ge [sflag:s26], $0x2000  }
0x35: {  	[sflag:s26] =	ssyncset.done $0x0  }
0x36: {  	s24 =	simm.s32 $0x5100;
	[sflag:s26] =	ssyncadd.s32 $0xFFFFE000  }
0x37: {  	[spmem:s1] =	stream.indirect.scatter.add.f32 [tilespmem:s21], [sflag:$0x8], $0x40, s24, s17, $0xb8;
	[tilespmem:$0x1DE00] =	vst v63  }
0x38: {  	_ =	swait.ge [sflag:s28], $0x2000  }
0x39: {  	[sflag:s28] =	ssyncset.done $0x0  }
0x3a: {  	s5 =	simm.s32 $0x5180;
	[sflag:s28] =	ssyncadd.s32 $0xFFFFE000  }
0x3b: {  	[spmem:s1] =	stream.indirect.scatter.add.f32 [tilespmem:s23], [sflag:$0x9], $0x40, s5, s17, $0xb8;
	[tilespmem:$0x1DE00] =	vst v63  }
0x3c: {  	_ =	swait.ge [sflag:s29], $0x2000  }
0x3d: {  	[sflag:s29] =	ssyncset.done $0x0  }
0x3e: {  	s24 =	simm.s32 $0x5200;
	[sflag:s29] =	ssyncadd.s32 $0xFFFFE000  }
0x3f: {  	[spmem:s1] =	stream.indirect.scatter.add.f32 [tilespmem:s25], [sflag:$0xA], $0x40, s24, s17, $0xb8;
	[tilespmem:$0x1DE00] =	vst v63  }
0x40: {  	_ =	swait.ge [sflag:s16], $0x2000  }
0x41: {  	[sflag:s16] =	ssyncset.done $0x0  }
0x42: {  	s5 =	simm.s32 $0x280;
	[sflag:s16] =	ssyncadd.s32 $0xFFFFE000  }
0x43: {  	[tilespmem:s18], [sflag:$0x1] =	stream.indirect.gather [hbm4b:s4+s17], $0x40, s5, s17, $0xb8;
	[tilespmem:$0x1DE00] =	vst v63  }
0x44: {  	_ =	swait.ge [sflag:s30], $0x2000  }
0x45: {  	[sflag:s30] =	ssyncset.done $0x0  }
0x46: {  	s24 =	simm.s32 $0x300;
	[sflag:s30] =	ssyncadd.s32 $0xFFFFE000  }
0x47: {  	[tilespmem:s19], [sflag:$0x2] =	stream.indirect.gather [hbm4b:s4+s17], $0x40, s24, s17, $0xb8;
	[tilespmem:$0x1DE00] =	vst v63  }
0x48: {  	_ =	swait.ge [sflag:s31], $0x2000  }
0x49: {  	[sflag:s31] =	ssyncset.done $0x0  }
0x4a: {  	s5 =	simm.s32 $0x380;
	[sflag:s31] =	ssyncadd.s32 $0xFFFFE000  }
0x4b: {  	[tilespmem:s21], [sflag:$0x3] =	stream.indirect.gather [hbm4b:s4+s17], $0x40, s5, s17, $0xb8;
	[tilespmem:$0x1DE00] =	vst v63  }
0x4c: {  	_ =	swait.ge [sflag:s0], $0x2000  }
0x4d: {  	[sflag:s0] =	ssyncset.done $0x0  }
0x4e: {  	s24 =	simm.s32 $0x400;
	[sflag:s0] =	ssyncadd.s32 $0xFFFFE000  }
0x4f: {  	[tilespmem:s23], [sflag:$0x4] =	stream.indirect.gather [hbm4b:s4+s17], $0x40, s24, s17, $0xb8;
	[tilespmem:$0x1DE00] =	vst v63  }
0x50: {  	_ =	swait.ge [sflag:s2], $0x2000  }
0x51: {  	[sflag:s2] =	ssyncset.done $0x0  }
0x52: {  	s12 =	simm.s32 $0x480;
	s24 =	simm.s32 $0xA00;
	[sflag:s2] =	ssyncadd.s32 $0xFFFFE000  }
.LBB2_2:
0x53: {  	[tilespmem:s25], [sflag:$0x5] =	stream.indirect.gather [hbm4b:s4+s17], $0x40, s12, s17, $0xb8;
	[tilespmem:$0x1DE00] =	vst v63  }
0x54: {  	s12 =	smov.u32 s24  }
0x55: {  	p0 =	sne.s32 s24, $0x12C00;
	s24 =	sadd.s32 $0xA00, s24;
	_ =	swait.ge [sflag:s14], $0x2000  }
0x56: {  	s12 =	sshra.s32 s12, $0x2;
	[sflag:s14] =	ssyncset.done $0x0  }
0x57: {  	s5 =	sadd.s32 $0x5000, s12;
	[sflag:s14] =	ssyncadd.s32 $0xFFFFE000  }
0x58: {  	[spmem:s1] =	stream.indirect.scatter.add.f32 [tilespmem:s18], [sflag:$0x6], $0x40, s5, s17, $0xb8;
	[tilespmem:$0x1DE00] =	vst v63  }
0x59: {  	_ =	swait.ge [sflag:s15], $0x2000  }
0x5a: {  	[sflag:s15] =	ssyncset.done $0x0  }
0x5b: {  	s5 =	sadd.s32 $0x5080, s12;
	[sflag:s15] =	ssyncadd.s32 $0xFFFFE000  }
0x5c: {  	[spmem:s1] =	stream.indirect.scatter.add.f32 [tilespmem:s19], [sflag:$0x7], $0x40, s5, s17, $0xb8;
	[tilespmem:$0x1DE00] =	vst v63  }
0x5d: {  	_ =	swait.ge [sflag:s26], $0x2000  }
0x5e: {  	[sflag:s26] =	ssyncset.done $0x0  }
0x5f: {  	s5 =	sadd.s32 $0x5100, s12;
	[sflag:s26] =	ssyncadd.s32 $0xFFFFE000  }
0x60: {  	[spmem:s1] =	stream.indirect.scatter.add.f32 [tilespmem:s21], [sflag:$0x8], $0x40, s5, s17, $0xb8;
	[tilespmem:$0x1DE00] =	vst v63  }
0x61: {  	_ =	swait.ge [sflag:s28], $0x2000  }
0x62: {  	[sflag:s28] =	ssyncset.done $0x0  }
0x63: {  	s5 =	sadd.s32 $0x5180, s12;
	[sflag:s28] =	ssyncadd.s32 $0xFFFFE000  }
0x64: {  	[spmem:s1] =	stream.indirect.scatter.add.f32 [tilespmem:s23], [sflag:$0x9], $0x40, s5, s17, $0xb8;
	[tilespmem:$0x1DE00] =	vst v63  }
0x65: {  	_ =	swait.ge [sflag:s29], $0x2000  }
0x66: {  	[sflag:s29] =	ssyncset.done $0x0  }
0x67: {  	s5 =	sadd.s32 $0x5200, s12;
	[sflag:s29] =	ssyncadd.s32 $0xFFFFE000  }
0x68: {  	[spmem:s1] =	stream.indirect.scatter.add.f32 [tilespmem:s25], [sflag:$0xA], $0x40, s5, s17, $0xb8;
	[tilespmem:$0x1DE00] =	vst v63  }
0x69: {  	_ =	swait.ge [sflag:s16], $0x2000  }
0x6a: {  	[sflag:s16] =	ssyncset.done $0x0  }
0x6b: {  	s5 =	sadd.s32 $0x280, s12;
	[sflag:s16] =	ssyncadd.s32 $0xFFFFE000  }
0x6c: {  	[tilespmem:s18], [sflag:$0x1] =	stream.indirect.gather [hbm4b:s4+s17], $0x40, s5, s17, $0xb8;
	[tilespmem:$0x1DE00] =	vst v63  }
0x6d: {  	_ =	swait.ge [sflag:s30], $0x2000  }
0x6e: {  	[sflag:s30] =	ssyncset.done $0x0  }
0x6f: {  	s5 =	sadd.s32 $0x300, s12;
	[sflag:s30] =	ssyncadd.s32 $0xFFFFE000  }
0x70: {  	[tilespmem:s19], [sflag:$0x2] =	stream.indirect.gather [hbm4b:s4+s17], $0x40, s5, s17, $0xb8;
	[tilespmem:$0x1DE00] =	vst v63  }
0x71: {  	_ =	swait.ge [sflag:s31], $0x2000  }
0x72: {  	[sflag:s31] =	ssyncset.done $0x0  }
0x73: {  	s5 =	sadd.s32 $0x380, s12;
	[sflag:s31] =	ssyncadd.s32 $0xFFFFE000  }
0x74: {  	[tilespmem:s21], [sflag:$0x3] =	stream.indirect.gather [hbm4b:s4+s17], $0x40, s5, s17, $0xb8;
	[tilespmem:$0x1DE00] =	vst v63  }
0x75: {  	_ =	swait.ge [sflag:s0], $0x2000  }
0x76: {  	[sflag:s0] =	ssyncset.done $0x0  }
.Ltmp0:
0x77: {  	s5 =	sadd.s32 $0x400, s12;
	[sflag:s0] =	ssyncadd.s32 $0xFFFFE000;
	(pc) =	sbr.rel @p0 .LBB2_2-.Ltmp0, $4  }
0x78: {  	[tilespmem:s23], [sflag:$0x4] =	stream.indirect.gather [hbm4b:s4+s17], $0x40, s5, s17, $0xb8;
	[tilespmem:$0x1DE00] =	vst v63  }
0x79: {  	_ =	swait.ge [sflag:s2], $0x2000  }
0x7a: {  	[sflag:s2] =	ssyncset.done $0x0  }
0x7b: {  	s12 =	sadd.s32 $0x480, s12;
	[sflag:s2] =	ssyncadd.s32 $0xFFFFE000  }
0x7c: {  	[tilespmem:s25], [sflag:$0x5] =	stream.indirect.gather [hbm4b:s4+s17], $0x40, s12, s17, $0xb8;
	[tilespmem:$0x1DE00] =	vst v63  }
0x7d: {  	_ =	swait.ge [sflag:s14], $0x2000  }
0x7e: {  	[sflag:s14] =	ssyncset.done $0x0  }
0x7f: {  	s5 =	simm.s32 $0x9D80;
	[sflag:s14] =	ssyncadd.s32 $0xFFFFE000  }
0x80: {  	[spmem:s1] =	stream.indirect.scatter.add.f32 [tilespmem:s18], [sflag:$0x6], $0x40, s5, s17, $0xb8;
	[tilespmem:$0x1DE00] =	vst v63  }
0x81: {  	_ =	swait.ge [sflag:s15], $0x2000  }
0x82: {  	[sflag:s15] =	ssyncset.done $0x0  }
0x83: {  	s24 =	simm.s32 $0x9E00;
	[sflag:s15] =	ssyncadd.s32 $0xFFFFE000  }
0x84: {  	[spmem:s1] =	stream.indirect.scatter.add.f32 [tilespmem:s19], [sflag:$0x7], $0x40, s24, s17, $0xb8;
	[tilespmem:$0x1DE00] =	vst v63  }
0x85: {  	_ =	swait.ge [sflag:s26], $0x2000  }
0x86: {  	[sflag:s26] =	ssyncset.done $0x0  }
0x87: {  	s12 =	simm.s32 $0x9E80;
	[sflag:s26] =	ssyncadd.s32 $0xFFFFE000  }
0x88: {  	[spmem:s1] =	stream.indirect.scatter.add.f32 [tilespmem:s21], [sflag:$0x8], $0x40, s12, s17, $0xb8;
	[tilespmem:$0x1DE00] =	vst v63  }
0x89: {  	_ =	swait.ge [sflag:s28], $0x2000  }
0x8a: {  	[sflag:s28] =	ssyncset.done $0x0  }
0x8b: {  	s24 =	simm.s32 $0x9F00;
	[sflag:s28] =	ssyncadd.s32 $0xFFFFE000  }
0x8c: {  	[spmem:s1] =	stream.indirect.scatter.add.f32 [tilespmem:s23], [sflag:$0x9], $0x40, s24, s17, $0xb8;
	[tilespmem:$0x1DE00] =	vst v63  }
0x8d: {  	_ =	swait.ge [sflag:s29], $0x2000  }
0x8e: {  	[sflag:s29] =	ssyncset.done $0x0  }
0x8f: {  	s12 =	simm.s32 $0x9F80;
	[sflag:s29] =	ssyncadd.s32 $0xFFFFE000  }
0x90: {  	[spmem:s1] =	stream.indirect.scatter.add.f32 [tilespmem:s25], [sflag:$0xA], $0x40, s12, s17, $0xb8;
	[tilespmem:$0x1DE00] =	vst v63  }
0x91: {  	_ =	swait.ge [sflag:s16], $0x2000  }
0x92: {  	[sflag:s16] =	ssyncset.done $0x0  }
0x93: {  	[sflag:s16] =	ssyncadd.s32 $0xFFFFE000  }
0x94: {  	_ =	swait.ge [sflag:s30], $0x2000  }
0x95: {  	[sflag:s30] =	ssyncset.done $0x0  }
0x96: {  	[sflag:s30] =	ssyncadd.s32 $0xFFFFE000  }
0x97: {  	_ =	swait.ge [sflag:s31], $0x2000  }
0x98: {  	[sflag:s31] =	ssyncset.done $0x0  }
0x99: {  	[sflag:s31] =	ssyncadd.s32 $0xFFFFE000  }
0x9a: {  	_ =	swait.ge [sflag:s0], $0x2000  }
0x9b: {  	[sflag:s0] =	ssyncset.done $0x0  }
0x9c: {  	[sflag:s0] =	ssyncadd.s32 $0xFFFFE000  }
0x9d: {  	_ =	swait.ge [sflag:s2], $0x2000  }
0x9e: {  	s22 =	sadd.s32 $0x1, s22;
	[sflag:s2] =	ssyncset.done $0x0  }
0x9f: {  	p0 =	sne.s32 s22, s11;
	[sflag:s2] =	ssyncadd.s32 $0xFFFFE000  }
.Ltmp1:
0xa0: {  	s24 =	sor.u32 $0x1C0B, s7;
	[bflag:$0x0] =	sbarrier.arrive $0xFFFF;
	(pc) =	sbr.rel @p0 .LBB2_1-.Ltmp1, $4  }
0xa1: {  	[hbm:s10], [sflag:s24] =	dma.local [spmem:s13], $0x13C0  }
0xa2: {  	_ =	swait.ge [sflag:s20], $0x13C0  }
0xa3: {  	[sflag:s20] =	ssyncset.done $0x0  }
0xa4: {  	[sflag:s20] =	ssyncadd.s32 $0xFFFFEC40  }
0xa5: {  	_ =	sfence.sel $0x180000  }
0xa6: {  	[bflag:$0x0] =	sbarrier.arrive $0xFFFF  }
0xa7: {  	_ =	strace $0x9000004D  }
0xa8: {  	s0 =	stileid.u32;
	[bflag:$0x2] =	sbarrier.arrive $0xFFFF  }
0xa9: {  	p0 =	sne.s32 s0, $0x0;
	s0 =	rddreg [dreg:$0x3]  }
0xaa: {  	s0 =	sadd.s32 @!p0 $0x100000, s0  }
0xab: {  	[sflag:s0] =	ssyncadd.tile.s32 @!p0 $0x1;
	_ =	shalt  }
.Lfunc_end2:
_tile_overlayer_lowered:
.L_overlay_start_2:
0xac: {  	(tag) =	ssettag $0x2  }
0xad: {  	s0 =	rddreg [dreg:$0x0];
	s2 =	stileid.u32  }
0xae: {  	s1 =	rddreg [dreg:$0x1];
	p0 =	sne.s32 s2, $0x0  }
0xaf: {  	s3 =	rddreg [dreg:$0x2];
	[bflag:$0x3] =	sbarrier.arrive $0xFFFF;
	s2 =	simm.s32 @!p0 $0x1C0B  }
0xb0: {  	[timem:s3], [sflag:s2] =	dma.local @!p0 [hbm:s0], s1  }
0xb1: {  	s0 =	simm.s32 @!p0 $0xB  }
0xb2: {  	_ =	swait.ge @!p0 [sflag:s0], s1  }
0xb3: {  	s1 =	ssub.s32 @!p0 $0x0, s1;
	[sflag:s0] =	ssyncset.done @!p0 $0x0  }
0xb4: {  	[sflag:s0] =	ssyncadd.s32 @!p0 s1  }
0xb5: {  	[bflag:$0x3] =	sbarrier.arrive $0xFFFF  }
0xb6: {  	_ =	shalt  }

// kernel: kernel.8.cloned.1.call-start
scs
__scs_entry_jumppad:
0x0: {  	(pc) =	sbr.rel $0x88, $3  }
0x1: {  	(tag) =	ssettag $0x0;
	lr =	simm.s32 $0x1  }
0x2: {  	[smem:$0x3F9B] =	sst lr;
	_ =	strace $0xD0000000  }
0x3: {  	_ = 	snop  }
0x4: {  	_ = 	snop  }
0x5: {  	_ = 	snop  }
0x6: {  	_ = 	snop  }
0x7: {  	_ = 	snop  }
__scs_overlays_trampoline_lowered:
0x8: {  	[smem:$0x3FAA] =	sst s0  }
0x9: {  	[smem:$0x3FAB] =	sst s1  }
0xa: {  	[smem:$0x3FAC] =	sst s2  }
0xb: {  	[smem:$0x3FAD] =	sst s3  }
0xc: {  	[smem:$0x3FAE] =	sst s4  }
0xd: {  	[smem:$0x3FAF] =	sst s5  }
0xe: {  	[smem:$0x3FB0] =	sst s6  }
0xf: {  	[smem:$0x3FB1] =	sst s7  }
0x10: {  	[smem:$0x3FB2] =	sst s8  }
0x11: {  	[smem:$0x3FB3] =	sst s9;
	s0 =	simm.s32 @!p0 $0x0  }
0x12: {  	s1 =	sld [smem:$0x3F99];
	s0 =	simm.s32 @p0 $0x1  }
0x13: {  	[smem:$0x3FB4] =	sst s0;
	s0 =	simm.s32 @!p1 $0x0  }
0x14: {  	s2 =	sld [smem:$0x3F98];
	s0 =	simm.s32 @p1 $0x1  }
0x15: {  	[smem:$0x3FB5] =	sst s0;
	s0 =	simm.s32 @!p2 $0x0  }
0x16: {  	s3 =	sld [smem:$0x3FDB];
	s0 =	simm.s32 @p2 $0x1  }
0x17: {  	s4 =	simm.s32 $0x1BF5;
	[smem:$0x3FB7] =	sst s0  }
0x18: {  	s0 =	sld [smem:$0x3F9A];
	_ =	swait.ge [sflag:s4], $0x0  }
0x19: {  	s7 =	sld [smem:$0x3F9B]  }
0x1a: {  	s8 =	sadd.s32 $0xFFFFE003, lr  }
0x1b: {  	s9 =	sadd.s32 $0xFFFFFEF7, lr;
	s5 =	simm.s32 $0xFFFFFFFF;
	p2 =	slt.u32 s8, $0xFFFFF086  }
0x1c: {  	p1 =	slt.u32 s9, $0xF7A;
	s5 =	simm.s32 @!p2 $0x0  }
0x1d: {  	s5 =	simm.s32 @p1 $0x1;
	p0 =	seq.s32 s7, s2  }
0x1e: {  	s7 =	smul.u32 @!p0 $0xF7A, s2;
	p2 =	seq.s32 @!p0 s5, $0x0  }
0x1f: {  	s9 =	smul.u32 $0xF7A, s1;
	s8 =	simm.s32 @!p0 $0x1BF5;
	p2 =	por !p2, p0  }
0x20: {  	[sflag:s8] =	ssyncset.s32 @!p0 $0xFFFFF086;
	s6 =	sadd.s32 @!p0 s3, s7;
	s7 =	simm.s32 @!p0 $0x108  }
0x21: {  	s3 =	sadd.s32 s3, s9;
	s6 =	sadd.s32 @!p0 $0x88, s6;
	s7 =	simm.s32 @p2 $0x1082  }
0x22: {  	[simem:s7], [sflag:s8] =	dma.local @!p0 [hbm:s6], $0xF7A  }
0x23: {  	s9 =	sor.u32 $0xD0000000, s2;
	s6 =	simm.s32 $0x108;
	_ =	swait.ge @!p0 [sflag:s8], $0x0  }
0x24: {  	s3 =	sadd.s32 $0x88, s3;
	s6 =	simm.s32 @!p1 $0x1082;
	[sflag:s4] =	ssyncset.s32 $0xFFFFF086  }
0x25: {  	[simem:s6], [sflag:s4] =	dma.local [hbm:s3], $0xF7A  }
0x26: {  	[smem:$0x3F9B] =	sst s1;
	(tag) =	ssettag s2;
	_ =	strace s9  }
0x27: {  	s1 =	sld [smem:$0x3FAB]  }
0x28: {  	s2 =	sld [smem:$0x3FAC]  }
0x29: {  	s4 =	sld [smem:$0x3FAE]  }
0x2a: {  	p0 =	seq.s32 s5, $0x0;
	s5 =	sld [smem:$0x3FAF]  }
0x2b: {  	s6 =	sld [smem:$0x3FB0]  }
0x2c: {  	s7 =	sld [smem:$0x3FB1]  }
0x2d: {  	s3 =	simm.s32 $0x108;
	s8 =	sld [smem:$0x3FB2]  }
0x2e: {  	s3 =	simm.s32 @!p0 $0x1082;
	s9 =	sld [smem:$0x3FB3]  }
0x2f: {  	lr =	sadd.s32 s0, s3;
	s0 =	sld [smem:$0x3FAA]  }
0x30: {  	s3 =	sld [smem:$0x3FAD]  }
0x31: {  	[smem:$0x3FB6] =	sst s10  }
0x32: {  	s10 =	sld [smem:$0x3FB4];
	_ =	sdelay $0x3  }
0x33: {  	p0 =	seq.s32 s10, $0x1;
	s10 =	sld [smem:$0x3FB6];
	_ =	sdelay $0x3  }
0x34: {  	[smem:$0x3FB6] =	sst s10  }
0x35: {  	s10 =	sld [smem:$0x3FB5];
	_ =	sdelay $0x3  }
0x36: {  	p1 =	seq.s32 s10, $0x1;
	s10 =	sld [smem:$0x3FB6];
	_ =	sdelay $0x3  }
0x37: {  	[smem:$0x3FB6] =	sst s10  }
0x38: {  	s10 =	sld [smem:$0x3FB7]  }
0x39: {  	_ = 	snop;
	(pc) =	sbr.ind lr, $3  }
0x3a: {  	_ = 	snop  }
0x3b: {  	_ = 	snop  }
0x3c: {  	p2 =	seq.s32 s10, $0x1;
	s10 =	sld [smem:$0x3FB6]  }
0x3d: {  	_ =	shalt  }
0x3e: {  	_ =	shalt  }
0x3f: {  	_ =	shalt  }
0x40: {  	_ =	shalt  }
0x41: {  	_ =	shalt  }
0x42: {  	_ =	shalt  }
0x43: {  	_ =	shalt  }
0x44: {  	_ =	shalt  }
0x45: {  	_ =	shalt  }
0x46: {  	_ =	shalt  }
0x47: {  	_ =	shalt  }
0x48: {  	_ =	shalt  }
0x49: {  	_ =	shalt  }
0x4a: {  	_ =	shalt  }
0x4b: {  	_ =	shalt  }
0x4c: {  	_ =	shalt  }
0x4d: {  	_ =	shalt  }
0x4e: {  	_ =	shalt  }
0x4f: {  	_ =	shalt  }
0x50: {  	_ =	shalt  }
0x51: {  	_ =	shalt  }
0x52: {  	_ =	shalt  }
0x53: {  	_ =	shalt  }
0x54: {  	_ =	shalt  }
0x55: {  	_ =	shalt  }
0x56: {  	_ =	shalt  }
0x57: {  	_ =	shalt  }
0x58: {  	_ =	shalt  }
0x59: {  	_ =	shalt  }
0x5a: {  	_ =	shalt  }
0x5b: {  	_ =	shalt  }
0x5c: {  	_ =	shalt  }
0x5d: {  	_ =	shalt  }
0x5e: {  	_ =	shalt  }
0x5f: {  	_ =	shalt  }
0x60: {  	_ =	shalt  }
0x61: {  	_ =	shalt  }
0x62: {  	_ =	shalt  }
0x63: {  	_ =	shalt  }
0x64: {  	_ =	shalt  }
0x65: {  	_ =	shalt  }
0x66: {  	_ =	shalt  }
0x67: {  	_ =	shalt  }
0x68: {  	_ =	shalt  }
0x69: {  	_ =	shalt  }
0x6a: {  	_ =	shalt  }
0x6b: {  	_ =	shalt  }
0x6c: {  	_ =	shalt  }
0x6d: {  	_ =	shalt  }
0x6e: {  	_ =	shalt  }
0x6f: {  	_ =	shalt  }
0x70: {  	_ =	shalt  }
0x71: {  	_ =	shalt  }
0x72: {  	_ =	shalt  }
0x73: {  	_ =	shalt  }
0x74: {  	_ =	shalt  }
0x75: {  	_ =	shalt  }
0x76: {  	_ =	shalt  }
0x77: {  	_ =	shalt  }
0x78: {  	_ =	shalt  }
0x79: {  	_ =	shalt  }
0x7a: {  	_ =	shalt  }
0x7b: {  	_ =	shalt  }
0x7c: {  	_ =	shalt  }
0x7d: {  	_ =	shalt  }
0x7e: {  	_ =	shalt  }
0x7f: {  	_ =	shalt  }
0x80: {  	_ =	shalt  }
0x81: {  	_ =	shalt  }
0x82: {  	_ =	shalt  }
0x83: {  	_ =	shalt  }
0x84: {  	_ =	shalt  }
0x85: {  	_ =	shalt  }
0x86: {  	_ =	shalt  }
0x87: {  	_ =	shalt  }
.Lfunc_end0:
.L_simem_size_0:
called_computation_lowered:
.L_overlay_start_0:
0x88: {  	s2 =	sld [smem:$0x3FD9]  }
0x89: {  	s3 =	sld [smem:$0x3FFE];
	_ =	sdelay $0x1  }
0x8a: {  	s1 =	srdreg.scid  }
0x8b: {  	s0 =	sand.u32 $0x1, s1  }
0x8c: {  	s16 =	sshll.u32 s0, $0xA;
	s2 =	sadd.s32 s3, s2  }
0x8d: {  	s2 =	sadd.s32 s2, s16  }
0x8e: {  	[smem:$0x3FC2] =	sst s2  }
0x8f: {  	_ = 	snop  }
0x90: {  	(tm) =	ssettm $0x1  }
0x91: {  	s17 =	sld [smem:$0x3FFB];
	_ =	sdelay $0x3  }
0x92: {  	_ =	strace s17  }
0x93: {  	s2 =	sld [smem:$0x3FFC];
	_ =	sdelay $0x3  }
0x94: {  	_ =	strace s2  }
0x95: {  	s2 =	sld [smem:$0x3FFD];
	_ =	sdelay $0x3  }
0x96: {  	_ =	strace s2  }
0x97: {  	_ =	strace $0x8FFFFFFF  }
0x98: {  	s18 =	sld [smem:$0x3FDB];
	_ =	sdelay $0x1  }
0x99: {  	s19 =	simm.s32 $_scs_section_size  }
0x9a: {  	s4 =	simm.s32 $_size__tile_overlayer_lowered;
	s5 =	simm.s32 $_tile_overlayer_lowered  }
0x9b: {  	s22 =	simm.s32 $0x1BFF;
	s21 =	sshll.u32 s5, $0x1;
	s2 =	sadd.s32 s19, s18  }
0x9c: {  	s6 =	simm.s32 $0x0;
	s20 =	sshll.u32 s4, $0x1;
	s4 =	sadd.s32 s21, s2  }
0x9d: {  	[timem:s6], [sflag:s22] =	dma.local [hbm:s4], s20  }
0x9e: {  	_ =	swait.ge [sflag:s22], s20  }
0x9f: {  	s3 =	ssub.s32 $0x0, s20;
	[sflag:s22] =	ssyncset.done $0x0  }
0xa0: {  	[sflag:s22] =	ssyncadd.s32 s3;
	_ =	sdelay $0x1  }
0xa1: {  	s23 =	simm.s32 $0x1B8B  }
0xa2: {  	_ =	swait.ge [sflag:s23], $0x1  }
0xa3: {  	[sflag:s23] =	ssyncset.done $0x0  }
0xa4: {  	s25 =	simm.s32 $0x1B8E;
	s24 =	sld [smem:$0x3FFE];
	[sflag:s23] =	ssyncadd.s32 $0xFFFFFFFF  }
0xa5: {  	s26 =	simm.s32 $execute0_lowered;
	[smem:$0x3FD2] =	sst s25  }
0xa6: {  	s4 =	sshll.u32 s26, $0x1;
	_ =	strace $0x80000046;
	[dreg:$0x1] =	wrdreg $0xFFFFFFFF  }
0xa7: {  	s28 =	simm.s32 $_size_execute0_lowered;
	s2 =	sadd.s32 s2, s4;
	[dreg:$0x0] =	wrdreg $0x0  }
0xa8: {  	s4 =	sshll.u32 s28, $0x1;
	[dreg:$0x2] =	wrdreg s2  }
0xa9: {  	[dreg:$0x3] =	wrdreg s4  }
0xaa: {  	[dreg:$0x4] =	wrdreg $0xC0  }
0xab: {  	_ =	task [dreg:s6], $0x5FFFF  }
0xac: {  	[dreg:$0x1] =	wrdreg $0xFFFFFFFF  }
0xad: {  	[dreg:$0x0] =	wrdreg $0x60  }
0xae: {  	[dreg:$0x2] =	wrdreg s24  }
0xaf: {  	[dreg:$0x3] =	wrdreg $0x30000  }
0xb0: {  	[dreg:$0x4] =	wrdreg $0x9  }
0xb1: {  	_ =	task.clear_ibuf [dreg:s6], $0x5FFFF;
	_ =	strace $0x90000046  }
0xb2: {  	s29 =	simm.s32 $0x9;
	_ =	strace $0x80000048  }
0xb3: {  	_ =	swait.ge [sflag:s29], $0x1  }
0xb4: {  	[sflag:s29] =	ssyncadd.s32 $0xFFFFFFFF  }
0xb5: {  	_ =	strace $0x90000048  }
0xb6: {  	_ =	sfence  }
0xb7: {  	s30 =	sld [smem:$0x0];
	_ =	sdelay $0x2  }
0xb8: {  	s31 =	sshll.u32 s1, $0xD;
	s1 =	sshrl.u32 s1, $0x2  }
0xb9: {  	s3 =	sand.u32 $0x4000, s31;
	s1 =	sadd.s32 s1, s30  }
0xba: {  	s0 =	sor.u32 s3, s0;
	s1 =	sshll.u32 s1, $0x11  }
0xbb: {  	s0 =	sor.u32 s1, s0  }
0xbc: {  	s0 =	sadd.s32 $0x8F2B, s0  }
0xbd: {  	[sflag:s0] =	ssyncadd.remote.s32 $0x1  }
0xbe: {  	_ =	sfence.sel $0xFFFF  }
0xbf: {  	[dreg:$0x0] =	wrdreg $0xFFFFFFFF;
	(pc) =	sbr.abs _section_cstart, $3  }
0xc0: {  	[dreg:$0x1] =	wrdreg $0xFFFFFFFF  }
0xc1: {  	_ =	task.clear_ibuf [dreg:s6], $0x2FFFF;
	_ =	strace $0x9FFFFFFF  }
0xc2: {  	(tm) =	ssettm $0x7FFFFFFF  }
0xc3: {  	_ =	shalt  }
tec
execute0_lowered:
.L_overlay_start_1:
0x0: {  	(tag) =	ssettag $0x1  }
0x1: {  	s6 =	rddreg [dreg:$0x0]  }
0x2: {  	s0 =	srdreg.scid;
	s2 =	rddreg [dreg:$0x1]  }
0x3: {  	s3 =	simm.s32 $0x0;
	s5 =	sand.u32 $0x1, s0;
	s0 =	stileid.u32  }
0x4: {  	s13 =	simm.s32 $0x80;
	s14 =	simm.s32 $0x0;
	s7 =	smul.u32 $0x2780, s0  }
0x5: {  	[smem:$0x7FF] =	sst s3;
	s1 =	sshll.u32 s5, $0x4;
	s8 =	smul.u32 $0x4F0, s0  }
0x6: {  	s9 =	smul.u32 $0x4F00, s5;
	s5 =	ssub.s32 $0x2, s5;
	s1 =	sor.u32 s0, s1  }
0x7: {  	s31 =	sshll.u32 s0, $0x6;
	s30 =	sshrl.u32 s5, $0x1;
	s4 =	smul.u32 $0x500, s1  }
0x8: {  	s1 =	rddreg [dreg:$0x2];
	_ =	strace $0x80000047;
	s11 =	sshrl.u32 s7, $0x3  }
0x9: {  	s8 =	sadd.s32 s8, s9;
	s9 =	ssub.s32 s5, s30;
	s12 =	sadd.s32 s7, s2  }
0xa: {  	s11 =	sadd.s32 s11, s6;
	s8 =	sadd.s32 s8, s6;
	s12 =	sshrl.u32 s12, $0x3  }
0xb: {  	s10 =	sadd.s32 s4, s6;
	s4 =	sadd.s32 $0xB600, s6;
	s6 =	sadd.s32 $0xB800, s11  }
0xc: {  	s7 =	sadd.s32 $0x10800, s8;
	s8 =	smax.u32 s9, $0x1;
	s9 =	simm.s32 $0x1  }
0xd: {  	s11 =	sor.u32 $0x1C01, s31;
	s5 =	sadd.s32 $0x1600, s10;
	s10 =	simm.s32 $0x2800  }
.LBB2_1:
0xe: {  	[tilespmem:s3], [sflag:$0x1] =	stream.linear.gather [hbm4b:s5+s3], $0x2800, $0x38;
	[tilespmem:$0x5780] =	vst v63  }
0xf: {  	_ =	swait.ge [sflag:s9], $0x2800  }
0x10: {  	[sflag:s9] =	ssyncset.done $0x0  }
0x11: {  	[sflag:s9] =	ssyncadd.s32 $0xFFFFD800  }
0x12: {  	[tilespmem:s10], [sflag:$0x1] =	stream.linear.gather [hbm4b:s4+s3], $0x800, $0x38;
	[tilespmem:$0x5780] =	vst v63  }
0x13: {  	_ =	swait.ge [sflag:s9], $0x800  }
0x14: {  	[sflag:s9] =	ssyncset.done $0x0  }
0x15: {  	[sflag:s9] =	ssyncadd.s32 $0xFFFFF800  }
0x16: {  	[spmem:s12], [sflag:s11] =	dma.local [hbm:s6], $0x4F0  }
0x17: {  	_ =	swait.ge [sflag:s9], $0x4F0  }
0x18: {  	[sflag:s9] =	ssyncset.done $0x0  }
0x19: {  	[sflag:s9] =	ssyncadd.s32 $0xFFFFFB10  }
0x1a: {  	s15 =	simm.s32 $0x0;
	[bflag:$0x0] =	sbarrier.arrive $0xFFFF  }
0x1b: {  	[spmem:s2] =	stream.indirect.scatter.add.f32 [tilespmem:s10], [sflag:$0x1], $0x10, s15, s13, $0xb8;
	[tilespmem:$0x5780] =	vst v63  }
0x1c: {  	_ =	swait.ge [sflag:s9], $0x800  }
0x1d: {  	s15 =	simm.s32 $0x200;
	[sflag:s9] =	ssyncset.done $0x0  }
.LBB2_2:
0x1e: {  	s16 =	sshra.s32 s15, $0x2;
	[sflag:s9] =	ssyncadd.s32 $0xFFFFF800;
	p0 =	sne.s32 s15, $0x9E00  }
0x1f: {  	[spmem:s2] =	stream.indirect.scatter.add.f32 [tilespmem:s10], [sflag:$0x1], $0x10, s16, s13, $0xb8;
	[tilespmem:$0x5780] =	vst v63  }
.Ltmp0:
0x20: {  	_ = 	snop;
	(pc) =	sbr.rel @p0 .LBB2_2-.Ltmp0, $4  }
0x21: {  	_ = 	snop  }
0x22: {  	s15 =	sadd.s32 $0x200, s15  }
0x23: {  	_ =	swait.ge [sflag:s9], $0x800  }
0x24: {  	[sflag:s9] =	ssyncset.done $0x0  }
0x25: {  	s14 =	sadd.s32 $0x1, s14  }
0x26: {  	[sflag:s9] =	ssyncadd.s32 $0xFFFFF800;
	p0 =	sne.s32 s14, s8  }
.Ltmp1:
0x27: {  	[bflag:$0x0] =	sbarrier.arrive $0xFFFF;
	(pc) =	sbr.rel @p0 .LBB2_1-.Ltmp1, $4  }
0x28: {  	[hbm:s7], [sflag:s11] =	dma.local [spmem:s12], $0x4F0  }
0x29: {  	_ =	swait.ge [sflag:s9], $0x4F0  }
0x2a: {  	[sflag:s9] =	ssyncset.done $0x0  }
0x2b: {  	[sflag:s9] =	ssyncadd.s32 $0xFFFFFB10  }
0x2c: {  	_ =	sfence.sel $0x180000  }
0x2d: {  	[bflag:$0x0] =	sbarrier.arrive $0xFFFF  }
0x2e: {  	p0 =	sne.s32 s0, $0x0;
	_ =	strace $0x90000047  }
0x2f: {  	s0 =	sadd.s32 @!p0 $0x100000, s1;
	[bflag:$0x2] =	sbarrier.arrive $0xFFFF  }
0x30: {  	[sflag:s0] =	ssyncadd.tile.s32 @!p0 $0x1;
	_ =	shalt  }
.Lfunc_end2:
_tile_overlayer_lowered:
.L_overlay_start_2:
0x31: {  	(tag) =	ssettag $0x2  }
0x32: {  	s0 =	rddreg [dreg:$0x0];
	s2 =	stileid.u32  }
0x33: {  	s1 =	rddreg [dreg:$0x1];
	p0 =	sne.s32 s2, $0x0  }
0x34: {  	s3 =	rddreg [dreg:$0x2];
	[bflag:$0x3] =	sbarrier.arrive $0xFFFF;
	s2 =	simm.s32 @!p0 $0x1C01  }
0x35: {  	[timem:s3], [sflag:s2] =	dma.local @!p0 [hbm:s0], s1  }
0x36: {  	s0 =	simm.s32 @!p0 $0x1  }
0x37: {  	_ =	swait.ge @!p0 [sflag:s0], s1  }
0x38: {  	s1 =	ssub.s32 @!p0 $0x0, s1;
	[sflag:s0] =	ssyncset.done @!p0 $0x0  }
0x39: {  	[sflag:s0] =	ssyncadd.s32 @!p0 s1  }
0x3a: {  	[bflag:$0x3] =	sbarrier.arrive $0xFFFF  }
0x3b: {  	_ =	shalt  }

</sc_bundles>
